<compile_context>
chip_gen: v7x
topology: tpu7x:2x2x1
jax: 0.10.2.dev20260603
libtpu: 0.0.44.dev20260713+nightly
codegen_flags: <defaults>
</compile_context>

<pallas_src>
import functools

import jax
import jax.numpy as jnp
from jax import lax
from jax.experimental import pallas as pl
from jax.experimental.pallas import tpu as pltpu
from jax.experimental.pallas import tpu_sc as plsc

N = 10000
E = 160000
D = 256
H = 128
NC = 2
NS = 16
CH = 128

EP = ((E + NC * NS * CH - 1) // (NC * NS * CH)) * (NC * NS * CH)
ECHUNKS = EP // CH
SPMM_CPT = ECHUNKS // NS
DEG_CPT = ECHUNKS // (NC * NS)
NPAD = 10240
ROWS_PT = NPAD // NS

MM_BLOCK = 1000
GRID = N // MM_BLOCK


def _sc_mesh():
  return plsc.VectorSubcoreMesh(core_axis_name="c", subcore_axis_name="s",
                                num_cores=NC, num_subcores=NS)


def _deg_body(dst2_hbm, ones_hbm, zeros_hbm, out_hbm,
              acc_sp, dst_v, ones_v, sem):
  c = lax.axis_index("c")
  s = lax.axis_index("s")
  rbase = pl.multiple_of(s * ROWS_PT, 8)
  pltpu.sync_copy(zeros_hbm.at[pl.ds(rbase, ROWS_PT)],
                  acc_sp.at[pl.ds(rbase, ROWS_PT)])
  pltpu.sync_copy(ones_hbm, ones_v)
  base = pl.multiple_of((c * NS + s) * DEG_CPT, 8)
  pltpu.async_copy(dst2_hbm.at[pl.ds(base, DEG_CPT)], dst_v, sem).wait()
  plsc.subcore_barrier()

  def step(j, _):
    pltpu.sync_copy(ones_v, acc_sp.at[dst_v.at[j]], add=True)
    return ()

  lax.fori_loop(0, DEG_CPT, step, (), unroll=False)
  plsc.subcore_barrier()
  pltpu.sync_copy(acc_sp.at[pl.ds(rbase, ROWS_PT)],
                  out_hbm.at[c].at[pl.ds(rbase, ROWS_PT)])


def _deg_call(dst2, ones, zeros):
  return pl.kernel(
      _deg_body,
      out_type=jax.ShapeDtypeStruct((NC, NPAD, 16), jnp.float32),
      mesh=_sc_mesh(),
      scratch_types=[
          pltpu.VMEM_SHARED((NPAD, 16), jnp.float32),
          pltpu.VMEM((DEG_CPT, CH), jnp.int32),
          pltpu.VMEM((CH, 16), jnp.float32),
          pltpu.SemaphoreType.DMA,
      ],
  )(dst2, ones, zeros)


HALF_CPT = SPMM_CPT // 2


def _spmm_body(hs_hbm, init_hbm, src2_hbm, dst2_hbm, out_hbm,
               acc_sp, src_v, dst_v, rows0, rows1, sem, gs0):
  c = lax.axis_index("c")
  s = lax.axis_index("s")
  rbase = pl.multiple_of(s * ROWS_PT, 8)
  cbase = pl.multiple_of(s * HALF_CPT, 8)
  pltpu.async_copy(src2_hbm.at[pl.ds(cbase, HALF_CPT)], src_v, sem).wait()
  pltpu.async_copy(dst2_hbm.at[pl.ds(cbase, HALF_CPT)], dst_v, sem).wait()
  pltpu.sync_copy(init_hbm.at[c].at[pl.ds(rbase, ROWS_PT)],
                  acc_sp.at[pl.ds(rbase, ROWS_PT)])
  plsc.subcore_barrier()

  def group(g, _):
    l0 = g * 2
    h0 = pltpu.async_copy(hs_hbm.at[c].at[src_v.at[l0]], rows0, gs0)
    h1 = pltpu.async_copy(hs_hbm.at[c].at[src_v.at[l0 + 1]], rows1, gs0)
    h0.wait()
    h1.wait()
    pltpu.sync_copy(rows0, acc_sp.at[dst_v.at[l0]], add=True)
    pltpu.sync_copy(rows1, acc_sp.at[dst_v.at[l0 + 1]], add=True)
    return ()

  lax.fori_loop(0, HALF_CPT // 2, group, (), unroll=False)
  plsc.subcore_barrier()
  pltpu.sync_copy(acc_sp.at[pl.ds(rbase, ROWS_PT)],
                  out_hbm.at[c].at[pl.ds(rbase, ROWS_PT)])


def _spmm_call(hs, init, src2h, dst2h):
  return pl.kernel(
      _spmm_body,
      out_type=jax.ShapeDtypeStruct((NC, NPAD, H), jnp.float32),
      mesh=_sc_mesh(),
      scratch_types=[
          pltpu.VMEM_SHARED((NPAD, H), jnp.float32),
          pltpu.VMEM((HALF_CPT, CH), jnp.int32),
          pltpu.VMEM((HALF_CPT, CH), jnp.int32),
          pltpu.VMEM((CH, H), jnp.float32),
          pltpu.VMEM((CH, H), jnp.float32),
          pltpu.SemaphoreType.DMA,
          pltpu.SemaphoreType.DMA,
      ],
  )(hs, init, src2h, dst2h)


def _spmm(hs, src2a, dst2a, src2b, dst2b):
  part = _spmm_call(hs, hs, src2a, dst2a)
  return _spmm_call(hs, part, src2b, dst2b)


def _dinv_from(degp_blk):
  deg = degp_blk[0, :, 0:1] + degp_blk[1, :, 0:1] + 1.0
  return lax.rsqrt(deg)


def _layer1_body(x_ref, deg_ref, w_ref, hs_ref, sx_ref, sx2_ref):
  i = pl.program_id(0)
  x = x_ref[...]
  dinv = _dinv_from(deg_ref[...])
  u = jnp.dot(x, w_ref[...], preferred_element_type=jnp.float32)
  hs = dinv * u
  hs_ref[0] = hs[:, :H]
  hs_ref[1] = hs[:, H:]

  @pl.when(i == 0)
  def _():
    sx_ref[...] = jnp.zeros_like(sx_ref)
    sx2_ref[...] = jnp.zeros_like(sx2_ref)

  sx_ref[...] += jnp.sum(x, axis=0, keepdims=True)
  sx2_ref[...] += jnp.sum(x * x, axis=0, keepdims=True)


def _layer1_call(x, deg2, w):
  return pl.pallas_call(
      _layer1_body,
      grid=(GRID,),
      in_specs=[
          pl.BlockSpec((MM_BLOCK, D), lambda i: (i, 0)),
          pl.BlockSpec((NC, MM_BLOCK, 16), lambda i: (0, i, 0)),
          pl.BlockSpec((D, D), lambda i: (0, 0)),
      ],
      out_specs=[
          pl.BlockSpec((NC, MM_BLOCK, H), lambda i: (0, i, 0)),
          pl.BlockSpec((1, D), lambda i: (0, 0)),
          pl.BlockSpec((1, D), lambda i: (0, 0)),
      ],
      out_shape=[
          jax.ShapeDtypeStruct((NC, NPAD, H), jnp.float32),
          jax.ShapeDtypeStruct((1, D), jnp.float32),
          jax.ShapeDtypeStruct((1, D), jnp.float32),
      ],
  )(x, deg2, w)


def _layer_mid_body(agg_ref, deg_ref, b_ref, w_ref,
                    h_ref, hs_ref, s_ref, s2_ref):
  i = pl.program_id(0)
  dinv = _dinv_from(deg_ref[...])
  agg = jnp.concatenate([agg_ref[0], agg_ref[1]], axis=1)
  h = jnp.maximum(dinv * agg + b_ref[...], 0.0)
  h_ref[...] = h
  u = jnp.dot(h, w_ref[...], preferred_element_type=jnp.float32)
  hs = dinv * u
  hs_ref[0] = hs[:, :H]
  hs_ref[1] = hs[:, H:]

  @pl.when(i == 0)
  def _():
    s_ref[...] = jnp.zeros_like(s_ref)
    s2_ref[...] = jnp.zeros_like(s2_ref)

  s_ref[...] += jnp.sum(h, axis=0, keepdims=True)
  s2_ref[...] += jnp.sum(h * h, axis=0, keepdims=True)


def _layer_mid_call(agg, deg2, b, w):
  return pl.pallas_call(
      _layer_mid_body,
      grid=(GRID,),
      in_specs=[
          pl.BlockSpec((NC, MM_BLOCK, H), lambda i: (0, i, 0)),
          pl.BlockSpec((NC, MM_BLOCK, 16), lambda i: (0, i, 0)),
          pl.BlockSpec((1, D), lambda i: (0, 0)),
          pl.BlockSpec((D, D), lambda i: (0, 0)),
      ],
      out_specs=[
          pl.BlockSpec((MM_BLOCK, D), lambda i: (i, 0)),
          pl.BlockSpec((NC, MM_BLOCK, H), lambda i: (0, i, 0)),
          pl.BlockSpec((1, D), lambda i: (0, 0)),
          pl.BlockSpec((1, D), lambda i: (0, 0)),
      ],
      out_shape=[
          jax.ShapeDtypeStruct((N, D), jnp.float32),
          jax.ShapeDtypeStruct((NC, NPAD, H), jnp.float32),
          jax.ShapeDtypeStruct((1, D), jnp.float32),
          jax.ShapeDtypeStruct((1, D), jnp.float32),
      ],
  )(agg, deg2, b, w)


def _layer_last_body(agg_ref, deg_ref, b_ref, h_ref, s_ref, s2_ref):
  i = pl.program_id(0)
  dinv = _dinv_from(deg_ref[...])
  agg = jnp.concatenate([agg_ref[0], agg_ref[1]], axis=1)
  h = jnp.maximum(dinv * agg + b_ref[...], 0.0)
  h_ref[...] = h

  @pl.when(i == 0)
  def _():
    s_ref[...] = jnp.zeros_like(s_ref)
    s2_ref[...] = jnp.zeros_like(s2_ref)

  s_ref[...] += jnp.sum(h, axis=0, keepdims=True)
  s2_ref[...] += jnp.sum(h * h, axis=0, keepdims=True)


def _layer_last_call(agg, deg2, b):
  return pl.pallas_call(
      _layer_last_body,
      grid=(GRID,),
      in_specs=[
          pl.BlockSpec((NC, MM_BLOCK, H), lambda i: (0, i, 0)),
          pl.BlockSpec((NC, MM_BLOCK, 16), lambda i: (0, i, 0)),
          pl.BlockSpec((1, D), lambda i: (0, 0)),
      ],
      out_specs=[
          pl.BlockSpec((MM_BLOCK, D), lambda i: (i, 0)),
          pl.BlockSpec((1, D), lambda i: (0, 0)),
          pl.BlockSpec((1, D), lambda i: (0, 0)),
      ],
      out_shape=[
          jax.ShapeDtypeStruct((N, D), jnp.float32),
          jax.ShapeDtypeStruct((1, D), jnp.float32),
          jax.ShapeDtypeStruct((1, D), jnp.float32),
      ],
  )(agg, deg2, b)


def _out_body(x_ref, h1_ref, h2_ref, h3_ref, sums_ref, sumsq_ref,
              gamma_ref, beta_ref, wout_ref, bout_ref, o_ref):
  mean = sums_ref[...] * (1.0 / N)
  var = sumsq_ref[...] * (1.0 / N) - mean * mean
  scale = gamma_ref[...] * lax.rsqrt(var + 1e-5)
  shift = beta_ref[...] - mean * scale
  hc = jnp.concatenate(
      [x_ref[...], h1_ref[...], h2_ref[...], h3_ref[...]], axis=1)
  hn = hc * scale
  w = wout_ref[...]
  out = jnp.dot(hn, w, preferred_element_type=jnp.float32)
  corr = jnp.dot(shift, w, preferred_element_type=jnp.float32)
  o_ref[...] = out + corr + bout_ref[...]


def _out_call(x, h1, h2, h3, sums, sumsq, gamma, beta, w_out, b_out):
  blk = pl.BlockSpec((MM_BLOCK, D), lambda i: (i, 0))
  row4 = pl.BlockSpec((1, 4 * D), lambda i: (0, 0))
  return pl.pallas_call(
      _out_body,
      grid=(GRID,),
      in_specs=[
          blk, blk, blk, blk,
          row4, row4, row4, row4,
          pl.BlockSpec((4 * D, D), lambda i: (0, 0)),
          pl.BlockSpec((1, D), lambda i: (0, 0)),
      ],
      out_specs=blk,
      out_shape=jax.ShapeDtypeStruct((N, D), jnp.float32),
  )(x, h1, h2, h3, sums, sumsq, gamma, beta, w_out, b_out)


def kernel(x, edge_index, W1, b1, W2, b2, W3, b3, bn_gamma, bn_beta,
           W_out, b_out):
  src = edge_index[0]
  dst = edge_index[1]
  pad = EP - E
  src2 = jnp.concatenate([src, jnp.zeros((pad,), jnp.int32)]).reshape(ECHUNKS, CH)
  dst2 = jnp.concatenate([dst, jnp.full((pad,), N, jnp.int32)]).reshape(ECHUNKS, CH)
  src3 = src2.reshape(NS, SPMM_CPT, CH)
  dst3 = dst2.reshape(NS, SPMM_CPT, CH)
  src2a = src3[:, :HALF_CPT].reshape(NS * HALF_CPT, CH)
  src2b = src3[:, HALF_CPT:].reshape(NS * HALF_CPT, CH)
  dst2a = dst3[:, :HALF_CPT].reshape(NS * HALF_CPT, CH)
  dst2b = dst3[:, HALF_CPT:].reshape(NS * HALF_CPT, CH)

  ones16 = jnp.zeros((CH, 16), jnp.float32).at[:, 0].set(1.0)
  zeros16 = jnp.zeros((NPAD, 16), jnp.float32)
  deg2 = _deg_call(dst2, ones16, zeros16)

  b1r = b1.reshape(1, D)
  b2r = b2.reshape(1, D)
  b3r = b3.reshape(1, D)

  hs1, sx, sx2 = _layer1_call(x, deg2, W1)
  agg1 = _spmm(hs1, src2a, dst2a, src2b, dst2b)
  h1, hs2, s1, s12 = _layer_mid_call(agg1, deg2, b1r, W2)
  agg2 = _spmm(hs2, src2a, dst2a, src2b, dst2b)
  h2, hs3, s2, s22 = _layer_mid_call(agg2, deg2, b2r, W3)
  agg3 = _spmm(hs3, src2a, dst2a, src2b, dst2b)
  h3, s3, s32 = _layer_last_call(agg3, deg2, b3r)

  sums = jnp.concatenate([sx, s1, s2, s3], axis=1)
  sumsq = jnp.concatenate([sx2, s12, s22, s32], axis=1)
  gam = bn_gamma.reshape(1, 4 * D)
  bet = bn_beta.reshape(1, 4 * D)
  return _out_call(x, h1, h2, h3, sums, sumsq, gam, bet, W_out,
                   b_out.reshape(1, D))

# --- scband reference (transcript-rebuilt; emitter-appended) ---
"""Pipeline reference for scband-structure-extractor-66357244723826 (READ-ONLY COPY).

The authoritative reference and input builder live on the scoring server;
editing this copy changes nothing except your own understanding.
"""

import jax, jax.numpy as jnp
import numpy as np

N = 10000
E = 160000
D = 256
NUM_LAYERS = 3
INNER = (NUM_LAYERS + 1) * D


def gcn_conv(x, edge_index, W, b):
    # Faithful PyG GCNConv: add self-loops, symmetric normalization D^-1/2 (A+I) D^-1/2
    n = x.shape[0]
    loop = jnp.arange(n, dtype=edge_index.dtype)
    src = jnp.concatenate([edge_index[0], loop])
    dst = jnp.concatenate([edge_index[1], loop])
    deg = jax.ops.segment_sum(jnp.ones_like(src, dtype=x.dtype), dst, num_segments=n)
    dinv = jnp.where(deg > 0, deg ** -0.5, 0.0)
    norm = dinv[src] * dinv[dst]
    h = x @ W
    m = h[src] * norm[:, None]
    out = jax.ops.segment_sum(m, dst, num_segments=n)
    return out + b


def setup_inputs(seed: int = 0) -> dict:
    key = jax.random.key(seed)
    ks = jax.random.split(key, 8)
    x = jax.random.normal(ks[0], (N, D), dtype=jnp.float32)
    edge_index = jax.random.randint(ks[1], (2, E), 0, N, dtype=jnp.int32)
    s = 1.0 / np.sqrt(D)
    W1 = jax.random.normal(ks[2], (D, D), dtype=jnp.float32) * s
    W2 = jax.random.normal(ks[3], (D, D), dtype=jnp.float32) * s
    W3 = jax.random.normal(ks[4], (D, D), dtype=jnp.float32) * s
    b1 = jnp.zeros((D,), dtype=jnp.float32)
    b2 = jnp.zeros((D,), dtype=jnp.float32)
    b3 = jnp.zeros((D,), dtype=jnp.float32)
    bn_gamma = jnp.ones((INNER,), dtype=jnp.float32)
    bn_beta = jnp.zeros((INNER,), dtype=jnp.float32)
    W_out = jax.random.normal(ks[5], (INNER, D), dtype=jnp.float32) * (1.0 / np.sqrt(INNER))
    b_out = jnp.zeros((D,), dtype=jnp.float32)
    return {"x": x, "edge_index": edge_index, "W1": W1, "b1": b1, "W2": W2, "b2": b2,
            "W3": W3, "b3": b3, "bn_gamma": bn_gamma, "bn_beta": bn_beta,
            "W_out": W_out, "b_out": b_out}


def reference(x, edge_index, W1, b1, W2, b2, W3, b3, bn_gamma, bn_beta, W_out, b_out):
    x_cat = [x]
    h = x
    for W, b in ((W1, b1), (W2, b2), (W3, b3)):
        h = jax.nn.relu(gcn_conv(h, edge_index, W, b))
        x_cat.append(h)
    hc = jnp.concatenate(x_cat, axis=-1)
    # BatchNorm1d (training mode: batch statistics, eps=1e-5)
    mean = jnp.mean(hc, axis=0)
    var = jnp.var(hc, axis=0)
    hn = (hc - mean) / jnp.sqrt(var + 1e-5) * bn_gamma + bn_beta
    return hn @ W_out + b_out

if __name__ == "__main__":
    import jax
    _d = setup_inputs()
    print(jax.jit(kernel)(*tuple(_d.values())))

</pallas_src>

<mosaic_0001>
#map = affine_map<(d0, d1) -> (0, 0)>
#map1 = affine_map<(d0, d1) -> (0, 0, 0)>
module attributes {stable_mosaic.version = 14 : i64} {
  func.func @_deg_body(%arg0: i32, %arg1: i32, %arg2: memref<1280x128xi32, #tpu.memory_space<hbm>>, %arg3: memref<128x16xf32, #tpu.memory_space<hbm>>, %arg4: memref<10240x16xf32, #tpu.memory_space<hbm>>, %arg5: memref<2x10240x16xf32, #tpu.memory_space<hbm>>, %arg6: memref<10240x16xf32, #tpu.memory_space<vmem_shared>>, %arg7: memref<40x128xi32, #tpu.memory_space<vmem>>, %arg8: memref<128x16xf32, #tpu.memory_space<vmem>>, %arg9: memref<!tpu.dma_semaphore, #tpu.memory_space<semaphore_mem>>) attributes {dimension_semantics = [#tpu.dimension_semantics<core_parallel>, #tpu.dimension_semantics<subcore_parallel>], iteration_bounds = array<i64: 2, 16>, scalar_prefetch = 0 : i64, scratch_operands = 4 : i64, tpu.core_type = #tpu.core_type<sc_vector_subcore>, window_params = [{transform_indices = #map}, {transform_indices = #map}, {transform_indices = #map}, {transform_indices = #map1}]} {
    %mul3A = arith.constant 640 : i32
    %mul3A_0 = arith.muli %arg1, %mul3A : i32
    %multiple_of3A = tpu.assume_multiple %mul3A_0, 8 : i32
    "tpu.region"() ({
      %run_scoped3A = tpu.sem_alloc : memref<!tpu.dma_semaphore, #tpu.memory_space<semaphore_mem>>
      %dma_start3A_17 = arith.constant 0 : i32
      %dma_start3A_18 = tpu.memref_slice %arg6[%multiple_of3A, %dma_start3A_17] : memref<10240x16xf32, #tpu.memory_space<vmem_shared>> -> memref<640x16xf32, #tpu.memory_space<vmem_shared>>
      %dma_start3A_19 = arith.constant 0 : i32
      %dma_start3A_20 = tpu.memref_slice %arg4[%multiple_of3A, %dma_start3A_19] : memref<10240x16xf32, #tpu.memory_space<hbm>> -> memref<640x16xf32, #tpu.memory_space<hbm>>
      tpu.enqueue_dma source(%dma_start3A_20 : memref<640x16xf32, #tpu.memory_space<hbm>>) target(%dma_start3A_18 : memref<640x16xf32, #tpu.memory_space<vmem_shared>>) target_semaphore(%run_scoped3A : memref<!tpu.dma_semaphore, #tpu.memory_space<semaphore_mem>>)
      %dma_wait3A_21 = arith.constant 0 : i32
      %dma_wait3A_22 = tpu.memref_slice %arg6[%multiple_of3A, %dma_wait3A_21] : memref<10240x16xf32, #tpu.memory_space<vmem_shared>> -> memref<640x16xf32, #tpu.memory_space<vmem_shared>>
      %dma_wait3A_23 = arith.constant 0 : i32
      %dma_wait3A_24 = tpu.memref_slice %arg4[%multiple_of3A, %dma_wait3A_23] : memref<10240x16xf32, #tpu.memory_space<hbm>> -> memref<640x16xf32, #tpu.memory_space<hbm>>
      tpu.wait_dma2 semaphore(%run_scoped3A : memref<!tpu.dma_semaphore, #tpu.memory_space<semaphore_mem>>) src(%dma_wait3A_24 : memref<640x16xf32, #tpu.memory_space<hbm>>) dst(%dma_wait3A_22 : memref<640x16xf32, #tpu.memory_space<vmem_shared>>)
      tpu.yield
    }) : () -> ()
    "tpu.region"() ({
      %run_scoped3A = tpu.sem_alloc : memref<!tpu.dma_semaphore, #tpu.memory_space<semaphore_mem>>
      tpu.enqueue_dma source(%arg3 : memref<128x16xf32, #tpu.memory_space<hbm>>) target(%arg8 : memref<128x16xf32, #tpu.memory_space<vmem>>) target_semaphore(%run_scoped3A : memref<!tpu.dma_semaphore, #tpu.memory_space<semaphore_mem>>)
      tpu.wait_dma2 semaphore(%run_scoped3A : memref<!tpu.dma_semaphore, #tpu.memory_space<semaphore_mem>>) src(%arg3 : memref<128x16xf32, #tpu.memory_space<hbm>>) dst(%arg8 : memref<128x16xf32, #tpu.memory_space<vmem>>)
      tpu.yield
    }) : () -> ()
    %mul3A_1 = arith.constant 16 : i32
    %mul3A_2 = arith.muli %arg0, %mul3A_1 : i32
    %add3A = arith.addi %mul3A_2, %arg1 : i32
    %mul3A_3 = arith.constant 40 : i32
    %mul3A_4 = arith.muli %add3A, %mul3A_3 : i32
    %multiple_of3A_5 = tpu.assume_multiple %mul3A_4, 8 : i32
    %dma_start3A = arith.constant 0 : i32
    %dma_start3A_6 = tpu.memref_slice %arg2[%multiple_of3A_5, %dma_start3A] : memref<1280x128xi32, #tpu.memory_space<hbm>> -> memref<40x128xi32, #tpu.memory_space<hbm>>
    %dma_start3A_7 = arith.constant 0 : i32
    %dma_start3A_8 = tpu.memref_slice %arg2[%multiple_of3A_5, %dma_start3A_7] : memref<1280x128xi32, #tpu.memory_space<hbm>> -> memref<40x128xi32, #tpu.memory_space<hbm>>
    tpu.enqueue_dma source(%dma_start3A_8 : memref<40x128xi32, #tpu.memory_space<hbm>>) target(%arg7 : memref<40x128xi32, #tpu.memory_space<vmem>>) target_semaphore(%arg9 : memref<!tpu.dma_semaphore, #tpu.memory_space<semaphore_mem>>)
    %dma_wait3A = arith.constant 0 : i32
    %dma_wait3A_9 = tpu.memref_slice %arg2[%multiple_of3A_5, %dma_wait3A] : memref<1280x128xi32, #tpu.memory_space<hbm>> -> memref<40x128xi32, #tpu.memory_space<hbm>>
    %dma_wait3A_10 = arith.constant 0 : i32
    %dma_wait3A_11 = tpu.memref_slice %arg2[%multiple_of3A_5, %dma_wait3A_10] : memref<1280x128xi32, #tpu.memory_space<hbm>> -> memref<40x128xi32, #tpu.memory_space<hbm>>
    tpu.wait_dma2 semaphore(%arg9 : memref<!tpu.dma_semaphore, #tpu.memory_space<semaphore_mem>>) src(%dma_wait3A_11 : memref<40x128xi32, #tpu.memory_space<hbm>>) dst(%arg7 : memref<40x128xi32, #tpu.memory_space<vmem>>)
    %barrier3A = arith.constant 0 : index
    tpu.barrier barrier_id(%barrier3A)
    %scan3A = arith.constant 0 : i32
    %scan3A_12 = arith.constant 40 : i32
    %scan3A_13 = arith.addi %scan3A, %scan3A_12 : i32
    %scan3A_14 = arith.constant 1 : i32
    scf.for %scan3A_17 = %scan3A to %scan3A_13 step %scan3A_14  : i32 {
      "tpu.region"() ({
        %run_scoped3A = tpu.sem_alloc : memref<!tpu.dma_semaphore, #tpu.memory_space<semaphore_mem>>
        %dma_start3A_18 = arith.constant 0 : i32
        %dma_start3A_19 = tpu.memref_slice %arg7[%scan3A_17, %dma_start3A_18] : memref<40x128xi32, #tpu.memory_space<vmem>> -> memref<1x128xi32, #tpu.memory_space<vmem>>
        %dma_start3A_20 = tpu.memref_squeeze %dma_start3A_19 : memref<1x128xi32, #tpu.memory_space<vmem>> -> memref<128xi32, #tpu.memory_space<vmem>>
        %dma_start3A_21 = arith.constant 0 : i32
        %dma_start3A_22 = arith.constant 0 : i32
        %dma_start3A_23 = tpu.memref_slice %arg6[%dma_start3A_21, %dma_start3A_22] : memref<10240x16xf32, #tpu.memory_space<vmem_shared>> -> memref<10240x16xf32, #tpu.memory_space<vmem_shared>>
        tpu.enqueue_indirect_dma source(%arg8 : memref<128x16xf32, #tpu.memory_space<vmem>>) target(%dma_start3A_23 : memref<10240x16xf32, #tpu.memory_space<vmem_shared>>) offsets(%dma_start3A_20 : memref<128xi32, #tpu.memory_space<vmem>>) semaphore(%run_scoped3A : memref<!tpu.dma_semaphore, #tpu.memory_space<semaphore_mem>>) {add = true}
        %dma_wait3A_24 = arith.constant 0 : i32
        %dma_wait3A_25 = tpu.memref_slice %arg7[%scan3A_17, %dma_wait3A_24] : memref<40x128xi32, #tpu.memory_space<vmem>> -> memref<1x128xi32, #tpu.memory_space<vmem>>
        %dma_wait3A_26 = tpu.memref_squeeze %dma_wait3A_25 : memref<1x128xi32, #tpu.memory_space<vmem>> -> memref<128xi32, #tpu.memory_space<vmem>>
        %dma_wait3A_27 = arith.constant 0 : i32
        %dma_wait3A_28 = arith.constant 0 : i32
        %dma_wait3A_29 = tpu.memref_slice %arg6[%dma_wait3A_27, %dma_wait3A_28] : memref<10240x16xf32, #tpu.memory_space<vmem_shared>> -> memref<10240x16xf32, #tpu.memory_space<vmem_shared>>
        tpu.wait_indirect_dma semaphore(%run_scoped3A : memref<!tpu.dma_semaphore, #tpu.memory_space<semaphore_mem>>) src(%arg8 : memref<128x16xf32, #tpu.memory_space<vmem>>) dst(%dma_wait3A_29 : memref<10240x16xf32, #tpu.memory_space<vmem_shared>>)
        tpu.yield
      }) : () -> ()
    }
    %scan3A_15 = arith.constant 40 : i32
    %barrier3A_16 = arith.constant 0 : index
    tpu.barrier barrier_id(%barrier3A_16)
    "tpu.region"() ({
      %run_scoped3A = tpu.sem_alloc : memref<!tpu.dma_semaphore, #tpu.memory_space<semaphore_mem>>
      %dma_start3A_17 = arith.constant 0 : i32
      %dma_start3A_18 = arith.constant 0 : i32
      %dma_start3A_19 = tpu.memref_slice %arg5[%arg0, %dma_start3A_17, %dma_start3A_18] : memref<2x10240x16xf32, #tpu.memory_space<hbm>> -> memref<1x10240x16xf32, #tpu.memory_space<hbm>>
      %dma_start3A_20 = tpu.memref_squeeze %dma_start3A_19 : memref<1x10240x16xf32, #tpu.memory_space<hbm>> -> memref<10240x16xf32, #tpu.memory_space<hbm>>
      %dma_start3A_21 = arith.constant 0 : i32
      %dma_start3A_22 = tpu.memref_slice %dma_start3A_20[%multiple_of3A, %dma_start3A_21] : memref<10240x16xf32, #tpu.memory_space<hbm>> -> memref<640x16xf32, #tpu.memory_space<hbm>>
      %dma_start3A_23 = arith.constant 0 : i32
      %dma_start3A_24 = tpu.memref_slice %arg6[%multiple_of3A, %dma_start3A_23] : memref<10240x16xf32, #tpu.memory_space<vmem_shared>> -> memref<640x16xf32, #tpu.memory_space<vmem_shared>>
      tpu.enqueue_dma source(%dma_start3A_24 : memref<640x16xf32, #tpu.memory_space<vmem_shared>>) target(%dma_start3A_22 : memref<640x16xf32, #tpu.memory_space<hbm>>) target_semaphore(%run_scoped3A : memref<!tpu.dma_semaphore, #tpu.memory_space<semaphore_mem>>)
      %dma_wait3A_25 = arith.constant 0 : i32
      %dma_wait3A_26 = arith.constant 0 : i32
      %dma_wait3A_27 = tpu.memref_slice %arg5[%arg0, %dma_wait3A_25, %dma_wait3A_26] : memref<2x10240x16xf32, #tpu.memory_space<hbm>> -> memref<1x10240x16xf32, #tpu.memory_space<hbm>>
      %dma_wait3A_28 = tpu.memref_squeeze %dma_wait3A_27 : memref<1x10240x16xf32, #tpu.memory_space<hbm>> -> memref<10240x16xf32, #tpu.memory_space<hbm>>
      %dma_wait3A_29 = arith.constant 0 : i32
      %dma_wait3A_30 = tpu.memref_slice %dma_wait3A_28[%multiple_of3A, %dma_wait3A_29] : memref<10240x16xf32, #tpu.memory_space<hbm>> -> memref<640x16xf32, #tpu.memory_space<hbm>>
      %dma_wait3A_31 = arith.constant 0 : i32
      %dma_wait3A_32 = tpu.memref_slice %arg6[%multiple_of3A, %dma_wait3A_31] : memref<10240x16xf32, #tpu.memory_space<vmem_shared>> -> memref<640x16xf32, #tpu.memory_space<vmem_shared>>
      tpu.wait_dma2 semaphore(%run_scoped3A : memref<!tpu.dma_semaphore, #tpu.memory_space<semaphore_mem>>) src(%dma_wait3A_32 : memref<640x16xf32, #tpu.memory_space<vmem_shared>>) dst(%dma_wait3A_30 : memref<640x16xf32, #tpu.memory_space<hbm>>)
      tpu.yield
    }) : () -> ()
    return
  }
}

#map = affine_map<(d0, d1) -> (0, 0, 0)>
#map1 = affine_map<(d0, d1) -> (0, 0)>
module attributes {stable_mosaic.version = 14 : i64} {
  func.func @_spmm_body(%arg0: i32, %arg1: i32, %arg2: memref<2x10240x128xf32, #tpu.memory_space<hbm>>, %arg3: memref<2x10240x128xf32, #tpu.memory_space<hbm>>, %arg4: memref<640x128xi32, #tpu.memory_space<hbm>>, %arg5: memref<640x128xi32, #tpu.memory_space<hbm>>, %arg6: memref<2x10240x128xf32, #tpu.memory_space<hbm>>, %arg7: memref<10240x128xf32, #tpu.memory_space<vmem_shared>>, %arg8: memref<40x128xi32, #tpu.memory_space<vmem>>, %arg9: memref<40x128xi32, #tpu.memory_space<vmem>>, %arg10: memref<128x128xf32, #tpu.memory_space<vmem>>, %arg11: memref<128x128xf32, #tpu.memory_space<vmem>>, %arg12: memref<!tpu.dma_semaphore, #tpu.memory_space<semaphore_mem>>, %arg13: memref<!tpu.dma_semaphore, #tpu.memory_space<semaphore_mem>>) attributes {dimension_semantics = [#tpu.dimension_semantics<core_parallel>, #tpu.dimension_semantics<subcore_parallel>], iteration_bounds = array<i64: 2, 16>, scalar_prefetch = 0 : i64, scratch_operands = 7 : i64, tpu.core_type = #tpu.core_type<sc_vector_subcore>, window_params = [{transform_indices = #map}, {transform_indices = #map}, {transform_indices = #map1}, {transform_indices = #map1}, {transform_indices = #map}]} {
    %mul3A = arith.constant 640 : i32
    %mul3A_0 = arith.muli %arg1, %mul3A : i32
    %multiple_of3A = tpu.assume_multiple %mul3A_0, 8 : i32
    %mul3A_1 = arith.constant 40 : i32
    %mul3A_2 = arith.muli %arg1, %mul3A_1 : i32
    %multiple_of3A_3 = tpu.assume_multiple %mul3A_2, 8 : i32
    %dma_start3A = arith.constant 0 : i32
    %dma_start3A_4 = tpu.memref_slice %arg4[%multiple_of3A_3, %dma_start3A] : memref<640x128xi32, #tpu.memory_space<hbm>> -> memref<40x128xi32, #tpu.memory_space<hbm>>
    %dma_start3A_5 = arith.constant 0 : i32
    %dma_start3A_6 = tpu.memref_slice %arg4[%multiple_of3A_3, %dma_start3A_5] : memref<640x128xi32, #tpu.memory_space<hbm>> -> memref<40x128xi32, #tpu.memory_space<hbm>>
    tpu.enqueue_dma source(%dma_start3A_6 : memref<40x128xi32, #tpu.memory_space<hbm>>) target(%arg8 : memref<40x128xi32, #tpu.memory_space<vmem>>) target_semaphore(%arg12 : memref<!tpu.dma_semaphore, #tpu.memory_space<semaphore_mem>>)
    %dma_wait3A = arith.constant 0 : i32
    %dma_wait3A_7 = tpu.memref_slice %arg4[%multiple_of3A_3, %dma_wait3A] : memref<640x128xi32, #tpu.memory_space<hbm>> -> memref<40x128xi32, #tpu.memory_space<hbm>>
    %dma_wait3A_8 = arith.constant 0 : i32
    %dma_wait3A_9 = tpu.memref_slice %arg4[%multiple_of3A_3, %dma_wait3A_8] : memref<640x128xi32, #tpu.memory_space<hbm>> -> memref<40x128xi32, #tpu.memory_space<hbm>>
    tpu.wait_dma2 semaphore(%arg12 : memref<!tpu.dma_semaphore, #tpu.memory_space<semaphore_mem>>) src(%dma_wait3A_9 : memref<40x128xi32, #tpu.memory_space<hbm>>) dst(%arg8 : memref<40x128xi32, #tpu.memory_space<vmem>>)
    %dma_start3A_10 = arith.constant 0 : i32
    %dma_start3A_11 = tpu.memref_slice %arg5[%multiple_of3A_3, %dma_start3A_10] : memref<640x128xi32, #tpu.memory_space<hbm>> -> memref<40x128xi32, #tpu.memory_space<hbm>>
    %dma_start3A_12 = arith.constant 0 : i32
    %dma_start3A_13 = tpu.memref_slice %arg5[%multiple_of3A_3, %dma_start3A_12] : memref<640x128xi32, #tpu.memory_space<hbm>> -> memref<40x128xi32, #tpu.memory_space<hbm>>
    tpu.enqueue_dma source(%dma_start3A_13 : memref<40x128xi32, #tpu.memory_space<hbm>>) target(%arg9 : memref<40x128xi32, #tpu.memory_space<vmem>>) target_semaphore(%arg12 : memref<!tpu.dma_semaphore, #tpu.memory_space<semaphore_mem>>)
    %dma_wait3A_14 = arith.constant 0 : i32
    %dma_wait3A_15 = tpu.memref_slice %arg5[%multiple_of3A_3, %dma_wait3A_14] : memref<640x128xi32, #tpu.memory_space<hbm>> -> memref<40x128xi32, #tpu.memory_space<hbm>>
    %dma_wait3A_16 = arith.constant 0 : i32
    %dma_wait3A_17 = tpu.memref_slice %arg5[%multiple_of3A_3, %dma_wait3A_16] : memref<640x128xi32, #tpu.memory_space<hbm>> -> memref<40x128xi32, #tpu.memory_space<hbm>>
    tpu.wait_dma2 semaphore(%arg12 : memref<!tpu.dma_semaphore, #tpu.memory_space<semaphore_mem>>) src(%dma_wait3A_17 : memref<40x128xi32, #tpu.memory_space<hbm>>) dst(%arg9 : memref<40x128xi32, #tpu.memory_space<vmem>>)
    "tpu.region"() ({
      %run_scoped3A = tpu.sem_alloc : memref<!tpu.dma_semaphore, #tpu.memory_space<semaphore_mem>>
      %dma_start3A_23 = arith.constant 0 : i32
      %dma_start3A_24 = tpu.memref_slice %arg7[%multiple_of3A, %dma_start3A_23] : memref<10240x128xf32, #tpu.memory_space<vmem_shared>> -> memref<640x128xf32, #tpu.memory_space<vmem_shared>>
      %dma_start3A_25 = arith.constant 0 : i32
      %dma_start3A_26 = arith.constant 0 : i32
      %dma_start3A_27 = tpu.memref_slice %arg3[%arg0, %dma_start3A_25, %dma_start3A_26] : memref<2x10240x128xf32, #tpu.memory_space<hbm>> -> memref<1x10240x128xf32, #tpu.memory_space<hbm>>
      %dma_start3A_28 = tpu.memref_squeeze %dma_start3A_27 : memref<1x10240x128xf32, #tpu.memory_space<hbm>> -> memref<10240x128xf32, #tpu.memory_space<hbm>>
      %dma_start3A_29 = arith.constant 0 : i32
      %dma_start3A_30 = tpu.memref_slice %dma_start3A_28[%multiple_of3A, %dma_start3A_29] : memref<10240x128xf32, #tpu.memory_space<hbm>> -> memref<640x128xf32, #tpu.memory_space<hbm>>
      tpu.enqueue_dma source(%dma_start3A_30 : memref<640x128xf32, #tpu.memory_space<hbm>>) target(%dma_start3A_24 : memref<640x128xf32, #tpu.memory_space<vmem_shared>>) target_semaphore(%run_scoped3A : memref<!tpu.dma_semaphore, #tpu.memory_space<semaphore_mem>>)
      %dma_wait3A_31 = arith.constant 0 : i32
      %dma_wait3A_32 = tpu.memref_slice %arg7[%multiple_of3A, %dma_wait3A_31] : memref<10240x128xf32, #tpu.memory_space<vmem_shared>> -> memref<640x128xf32, #tpu.memory_space<vmem_shared>>
      %dma_wait3A_33 = arith.constant 0 : i32
      %dma_wait3A_34 = arith.constant 0 : i32
      %dma_wait3A_35 = tpu.memref_slice %arg3[%arg0, %dma_wait3A_33, %dma_wait3A_34] : memref<2x10240x128xf32, #tpu.memory_space<hbm>> -> memref<1x10240x128xf32, #tpu.memory_space<hbm>>
      %dma_wait3A_36 = tpu.memref_squeeze %dma_wait3A_35 : memref<1x10240x128xf32, #tpu.memory_space<hbm>> -> memref<10240x128xf32, #tpu.memory_space<hbm>>
      %dma_wait3A_37 = arith.constant 0 : i32
      %dma_wait3A_38 = tpu.memref_slice %dma_wait3A_36[%multiple_of3A, %dma_wait3A_37] : memref<10240x128xf32, #tpu.memory_space<hbm>> -> memref<640x128xf32, #tpu.memory_space<hbm>>
      tpu.wait_dma2 semaphore(%run_scoped3A : memref<!tpu.dma_semaphore, #tpu.memory_space<semaphore_mem>>) src(%dma_wait3A_38 : memref<640x128xf32, #tpu.memory_space<hbm>>) dst(%dma_wait3A_32 : memref<640x128xf32, #tpu.memory_space<vmem_shared>>)
      tpu.yield
    }) : () -> ()
    %barrier3A = arith.constant 0 : index
    tpu.barrier barrier_id(%barrier3A)
    %scan3A = arith.constant 0 : i32
    %scan3A_18 = arith.constant 20 : i32
    %scan3A_19 = arith.addi %scan3A, %scan3A_18 : i32
    %scan3A_20 = arith.constant 1 : i32
    scf.for %scan3A_23 = %scan3A to %scan3A_19 step %scan3A_20  : i32 {
      %mul3A_24 = arith.constant 2 : i32
      %mul3A_25 = arith.muli %scan3A_23, %mul3A_24 : i32
      %dma_start3A_26 = arith.constant 0 : i32
      %dma_start3A_27 = tpu.memref_slice %arg8[%mul3A_25, %dma_start3A_26] : memref<40x128xi32, #tpu.memory_space<vmem>> -> memref<1x128xi32, #tpu.memory_space<vmem>>
      %dma_start3A_28 = tpu.memref_squeeze %dma_start3A_27 : memref<1x128xi32, #tpu.memory_space<vmem>> -> memref<128xi32, #tpu.memory_space<vmem>>
      %dma_start3A_29 = arith.constant 0 : i32
      %dma_start3A_30 = arith.constant 0 : i32
      %dma_start3A_31 = tpu.memref_slice %arg2[%arg0, %dma_start3A_29, %dma_start3A_30] : memref<2x10240x128xf32, #tpu.memory_space<hbm>> -> memref<1x10240x128xf32, #tpu.memory_space<hbm>>
      %dma_start3A_32 = tpu.memref_squeeze %dma_start3A_31 : memref<1x10240x128xf32, #tpu.memory_space<hbm>> -> memref<10240x128xf32, #tpu.memory_space<hbm>>
      %dma_start3A_33 = arith.constant 0 : i32
      %dma_start3A_34 = arith.constant 0 : i32
      %dma_start3A_35 = tpu.memref_slice %dma_start3A_32[%dma_start3A_33, %dma_start3A_34] : memref<10240x128xf32, #tpu.memory_space<hbm>> -> memref<10240x128xf32, #tpu.memory_space<hbm>>
      tpu.enqueue_indirect_dma source(%dma_start3A_35 : memref<10240x128xf32, #tpu.memory_space<hbm>>) target(%arg10 : memref<128x128xf32, #tpu.memory_space<vmem>>) offsets(%dma_start3A_28 : memref<128xi32, #tpu.memory_space<vmem>>) semaphore(%arg13 : memref<!tpu.dma_semaphore, #tpu.memory_space<semaphore_mem>>)
      %add3A = arith.constant 1 : i32
      %add3A_36 = arith.addi %mul3A_25, %add3A : i32
      %dma_start3A_37 = arith.constant 0 : i32
      %dma_start3A_38 = tpu.memref_slice %arg8[%add3A_36, %dma_start3A_37] : memref<40x128xi32, #tpu.memory_space<vmem>> -> memref<1x128xi32, #tpu.memory_space<vmem>>
      %dma_start3A_39 = tpu.memref_squeeze %dma_start3A_38 : memref<1x128xi32, #tpu.memory_space<vmem>> -> memref<128xi32, #tpu.memory_space<vmem>>
      %dma_start3A_40 = arith.constant 0 : i32
      %dma_start3A_41 = arith.constant 0 : i32
      %dma_start3A_42 = tpu.memref_slice %arg2[%arg0, %dma_start3A_40, %dma_start3A_41] : memref<2x10240x128xf32, #tpu.memory_space<hbm>> -> memref<1x10240x128xf32, #tpu.memory_space<hbm>>
      %dma_start3A_43 = tpu.memref_squeeze %dma_start3A_42 : memref<1x10240x128xf32, #tpu.memory_space<hbm>> -> memref<10240x128xf32, #tpu.memory_space<hbm>>
      %dma_start3A_44 = arith.constant 0 : i32
      %dma_start3A_45 = arith.constant 0 : i32
      %dma_start3A_46 = tpu.memref_slice %dma_start3A_43[%dma_start3A_44, %dma_start3A_45] : memref<10240x128xf32, #tpu.memory_space<hbm>> -> memref<10240x128xf32, #tpu.memory_space<hbm>>
      tpu.enqueue_indirect_dma source(%dma_start3A_46 : memref<10240x128xf32, #tpu.memory_space<hbm>>) target(%arg11 : memref<128x128xf32, #tpu.memory_space<vmem>>) offsets(%dma_start3A_39 : memref<128xi32, #tpu.memory_space<vmem>>) semaphore(%arg13 : memref<!tpu.dma_semaphore, #tpu.memory_space<semaphore_mem>>)
      %dma_wait3A_47 = arith.constant 0 : i32
      %dma_wait3A_48 = tpu.memref_slice %arg8[%mul3A_25, %dma_wait3A_47] : memref<40x128xi32, #tpu.memory_space<vmem>> -> memref<1x128xi32, #tpu.memory_space<vmem>>
      %dma_wait3A_49 = tpu.memref_squeeze %dma_wait3A_48 : memref<1x128xi32, #tpu.memory_space<vmem>> -> memref<128xi32, #tpu.memory_space<vmem>>
      %dma_wait3A_50 = arith.constant 0 : i32
      %dma_wait3A_51 = arith.constant 0 : i32
      %dma_wait3A_52 = tpu.memref_slice %arg2[%arg0, %dma_wait3A_50, %dma_wait3A_51] : memref<2x10240x128xf32, #tpu.memory_space<hbm>> -> memref<1x10240x128xf32, #tpu.memory_space<hbm>>
      %dma_wait3A_53 = tpu.memref_squeeze %dma_wait3A_52 : memref<1x10240x128xf32, #tpu.memory_space<hbm>> -> memref<10240x128xf32, #tpu.memory_space<hbm>>
      %dma_wait3A_54 = arith.constant 0 : i32
      %dma_wait3A_55 = arith.constant 0 : i32
      %dma_wait3A_56 = tpu.memref_slice %dma_wait3A_53[%dma_wait3A_54, %dma_wait3A_55] : memref<10240x128xf32, #tpu.memory_space<hbm>> -> memref<10240x128xf32, #tpu.memory_space<hbm>>
      tpu.wait_indirect_dma semaphore(%arg13 : memref<!tpu.dma_semaphore, #tpu.memory_space<semaphore_mem>>) src(%dma_wait3A_56 : memref<10240x128xf32, #tpu.memory_space<hbm>>) dst(%arg10 : memref<128x128xf32, #tpu.memory_space<vmem>>)
      %dma_wait3A_57 = arith.constant 0 : i32
      %dma_wait3A_58 = tpu.memref_slice %arg8[%add3A_36, %dma_wait3A_57] : memref<40x128xi32, #tpu.memory_space<vmem>> -> memref<1x128xi32, #tpu.memory_space<vmem>>
      %dma_wait3A_59 = tpu.memref_squeeze %dma_wait3A_58 : memref<1x128xi32, #tpu.memory_space<vmem>> -> memref<128xi32, #tpu.memory_space<vmem>>
      %dma_wait3A_60 = arith.constant 0 : i32
      %dma_wait3A_61 = arith.constant 0 : i32
      %dma_wait3A_62 = tpu.memref_slice %arg2[%arg0, %dma_wait3A_60, %dma_wait3A_61] : memref<2x10240x128xf32, #tpu.memory_space<hbm>> -> memref<1x10240x128xf32, #tpu.memory_space<hbm>>
      %dma_wait3A_63 = tpu.memref_squeeze %dma_wait3A_62 : memref<1x10240x128xf32, #tpu.memory_space<hbm>> -> memref<10240x128xf32, #tpu.memory_space<hbm>>
      %dma_wait3A_64 = arith.constant 0 : i32
      %dma_wait3A_65 = arith.constant 0 : i32
      %dma_wait3A_66 = tpu.memref_slice %dma_wait3A_63[%dma_wait3A_64, %dma_wait3A_65] : memref<10240x128xf32, #tpu.memory_space<hbm>> -> memref<10240x128xf32, #tpu.memory_space<hbm>>
      tpu.wait_indirect_dma semaphore(%arg13 : memref<!tpu.dma_semaphore, #tpu.memory_space<semaphore_mem>>) src(%dma_wait3A_66 : memref<10240x128xf32, #tpu.memory_space<hbm>>) dst(%arg11 : memref<128x128xf32, #tpu.memory_space<vmem>>)
      "tpu.region"() ({
        %run_scoped3A = tpu.sem_alloc : memref<!tpu.dma_semaphore, #tpu.memory_space<semaphore_mem>>
        %dma_start3A_69 = arith.constant 0 : i32
        %dma_start3A_70 = tpu.memref_slice %arg9[%mul3A_25, %dma_start3A_69] : memref<40x128xi32, #tpu.memory_space<vmem>> -> memref<1x128xi32, #tpu.memory_space<vmem>>
        %dma_start3A_71 = tpu.memref_squeeze %dma_start3A_70 : memref<1x128xi32, #tpu.memory_space<vmem>> -> memref<128xi32, #tpu.memory_space<vmem>>
        %dma_start3A_72 = arith.constant 0 : i32
        %dma_start3A_73 = arith.constant 0 : i32
        %dma_start3A_74 = tpu.memref_slice %arg7[%dma_start3A_72, %dma_start3A_73] : memref<10240x128xf32, #tpu.memory_space<vmem_shared>> -> memref<10240x128xf32, #tpu.memory_space<vmem_shared>>
        tpu.enqueue_indirect_dma source(%arg10 : memref<128x128xf32, #tpu.memory_space<vmem>>) target(%dma_start3A_74 : memref<10240x128xf32, #tpu.memory_space<vmem_shared>>) offsets(%dma_start3A_71 : memref<128xi32, #tpu.memory_space<vmem>>) semaphore(%run_scoped3A : memref<!tpu.dma_semaphore, #tpu.memory_space<semaphore_mem>>) {add = true}
        %dma_wait3A_75 = arith.constant 0 : i32
        %dma_wait3A_76 = tpu.memref_slice %arg9[%mul3A_25, %dma_wait3A_75] : memref<40x128xi32, #tpu.memory_space<vmem>> -> memref<1x128xi32, #tpu.memory_space<vmem>>
        %dma_wait3A_77 = tpu.memref_squeeze %dma_wait3A_76 : memref<1x128xi32, #tpu.memory_space<vmem>> -> memref<128xi32, #tpu.memory_space<vmem>>
        %dma_wait3A_78 = arith.constant 0 : i32
        %dma_wait3A_79 = arith.constant 0 : i32
        %dma_wait3A_80 = tpu.memref_slice %arg7[%dma_wait3A_78, %dma_wait3A_79] : memref<10240x128xf32, #tpu.memory_space<vmem_shared>> -> memref<10240x128xf32, #tpu.memory_space<vmem_shared>>
        tpu.wait_indirect_dma semaphore(%run_scoped3A : memref<!tpu.dma_semaphore, #tpu.memory_space<semaphore_mem>>) src(%arg10 : memref<128x128xf32, #tpu.memory_space<vmem>>) dst(%dma_wait3A_80 : memref<10240x128xf32, #tpu.memory_space<vmem_shared>>)
        tpu.yield
      }) : () -> ()
      %add3A_67 = arith.constant 1 : i32
      %add3A_68 = arith.addi %mul3A_25, %add3A_67 : i32
      "tpu.region"() ({
        %run_scoped3A = tpu.sem_alloc : memref<!tpu.dma_semaphore, #tpu.memory_space<semaphore_mem>>
        %dma_start3A_69 = arith.constant 0 : i32
        %dma_start3A_70 = tpu.memref_slice %arg9[%add3A_68, %dma_start3A_69] : memref<40x128xi32, #tpu.memory_space<vmem>> -> memref<1x128xi32, #tpu.memory_space<vmem>>
        %dma_start3A_71 = tpu.memref_squeeze %dma_start3A_70 : memref<1x128xi32, #tpu.memory_space<vmem>> -> memref<128xi32, #tpu.memory_space<vmem>>
        %dma_start3A_72 = arith.constant 0 : i32
        %dma_start3A_73 = arith.constant 0 : i32
        %dma_start3A_74 = tpu.memref_slice %arg7[%dma_start3A_72, %dma_start3A_73] : memref<10240x128xf32, #tpu.memory_space<vmem_shared>> -> memref<10240x128xf32, #tpu.memory_space<vmem_shared>>
        tpu.enqueue_indirect_dma source(%arg11 : memref<128x128xf32, #tpu.memory_space<vmem>>) target(%dma_start3A_74 : memref<10240x128xf32, #tpu.memory_space<vmem_shared>>) offsets(%dma_start3A_71 : memref<128xi32, #tpu.memory_space<vmem>>) semaphore(%run_scoped3A : memref<!tpu.dma_semaphore, #tpu.memory_space<semaphore_mem>>) {add = true}
        %dma_wait3A_75 = arith.constant 0 : i32
        %dma_wait3A_76 = tpu.memref_slice %arg9[%add3A_68, %dma_wait3A_75] : memref<40x128xi32, #tpu.memory_space<vmem>> -> memref<1x128xi32, #tpu.memory_space<vmem>>
        %dma_wait3A_77 = tpu.memref_squeeze %dma_wait3A_76 : memref<1x128xi32, #tpu.memory_space<vmem>> -> memref<128xi32, #tpu.memory_space<vmem>>
        %dma_wait3A_78 = arith.constant 0 : i32
        %dma_wait3A_79 = arith.constant 0 : i32
        %dma_wait3A_80 = tpu.memref_slice %arg7[%dma_wait3A_78, %dma_wait3A_79] : memref<10240x128xf32, #tpu.memory_space<vmem_shared>> -> memref<10240x128xf32, #tpu.memory_space<vmem_shared>>
        tpu.wait_indirect_dma semaphore(%run_scoped3A : memref<!tpu.dma_semaphore, #tpu.memory_space<semaphore_mem>>) src(%arg11 : memref<128x128xf32, #tpu.memory_space<vmem>>) dst(%dma_wait3A_80 : memref<10240x128xf32, #tpu.memory_space<vmem_shared>>)
        tpu.yield
      }) : () -> ()
    }
    %scan3A_21 = arith.constant 20 : i32
    %barrier3A_22 = arith.constant 0 : index
    tpu.barrier barrier_id(%barrier3A_22)
    "tpu.region"() ({
      %run_scoped3A = tpu.sem_alloc : memref<!tpu.dma_semaphore, #tpu.memory_space<semaphore_mem>>
      %dma_start3A_23 = arith.constant 0 : i32
      %dma_start3A_24 = arith.constant 0 : i32
      %dma_start3A_25 = tpu.memref_slice %arg6[%arg0, %dma_start3A_23, %dma_start3A_24] : memref<2x10240x128xf32, #tpu.memory_space<hbm>> -> memref<1x10240x128xf32, #tpu.memory_space<hbm>>
      %dma_start3A_26 = tpu.memref_squeeze %dma_start3A_25 : memref<1x10240x128xf32, #tpu.memory_space<hbm>> -> memref<10240x128xf32, #tpu.memory_space<hbm>>
      %dma_start3A_27 = arith.constant 0 : i32
      %dma_start3A_28 = tpu.memref_slice %dma_start3A_26[%multiple_of3A, %dma_start3A_27] : memref<10240x128xf32, #tpu.memory_space<hbm>> -> memref<640x128xf32, #tpu.memory_space<hbm>>
      %dma_start3A_29 = arith.constant 0 : i32
      %dma_start3A_30 = tpu.memref_slice %arg7[%multiple_of3A, %dma_start3A_29] : memref<10240x128xf32, #tpu.memory_space<vmem_shared>> -> memref<640x128xf32, #tpu.memory_space<vmem_shared>>
      tpu.enqueue_dma source(%dma_start3A_30 : memref<640x128xf32, #tpu.memory_space<vmem_shared>>) target(%dma_start3A_28 : memref<640x128xf32, #tpu.memory_space<hbm>>) target_semaphore(%run_scoped3A : memref<!tpu.dma_semaphore, #tpu.memory_space<semaphore_mem>>)
      %dma_wait3A_31 = arith.constant 0 : i32
      %dma_wait3A_32 = arith.constant 0 : i32
      %dma_wait3A_33 = tpu.memref_slice %arg6[%arg0, %dma_wait3A_31, %dma_wait3A_32] : memref<2x10240x128xf32, #tpu.memory_space<hbm>> -> memref<1x10240x128xf32, #tpu.memory_space<hbm>>
      %dma_wait3A_34 = tpu.memref_squeeze %dma_wait3A_33 : memref<1x10240x128xf32, #tpu.memory_space<hbm>> -> memref<10240x128xf32, #tpu.memory_space<hbm>>
      %dma_wait3A_35 = arith.constant 0 : i32
      %dma_wait3A_36 = tpu.memref_slice %dma_wait3A_34[%multiple_of3A, %dma_wait3A_35] : memref<10240x128xf32, #tpu.memory_space<hbm>> -> memref<640x128xf32, #tpu.memory_space<hbm>>
      %dma_wait3A_37 = arith.constant 0 : i32
      %dma_wait3A_38 = tpu.memref_slice %arg7[%multiple_of3A, %dma_wait3A_37] : memref<10240x128xf32, #tpu.memory_space<vmem_shared>> -> memref<640x128xf32, #tpu.memory_space<vmem_shared>>
      tpu.wait_dma2 semaphore(%run_scoped3A : memref<!tpu.dma_semaphore, #tpu.memory_space<semaphore_mem>>) src(%dma_wait3A_38 : memref<640x128xf32, #tpu.memory_space<vmem_shared>>) dst(%dma_wait3A_36 : memref<640x128xf32, #tpu.memory_space<hbm>>)
      tpu.yield
    }) : () -> ()
    return
  }
}

#map = affine_map<(d0, d1) -> (0, 0, 0)>
#map1 = affine_map<(d0, d1) -> (0, 0)>
module attributes {stable_mosaic.version = 14 : i64} {
  func.func @_spmm_body(%arg0: i32, %arg1: i32, %arg2: memref<2x10240x128xf32, #tpu.memory_space<hbm>>, %arg3: memref<2x10240x128xf32, #tpu.memory_space<hbm>>, %arg4: memref<640x128xi32, #tpu.memory_space<hbm>>, %arg5: memref<640x128xi32, #tpu.memory_space<hbm>>, %arg6: memref<2x10240x128xf32, #tpu.memory_space<hbm>>, %arg7: memref<10240x128xf32, #tpu.memory_space<vmem_shared>>, %arg8: memref<40x128xi32, #tpu.memory_space<vmem>>, %arg9: memref<40x128xi32, #tpu.memory_space<vmem>>, %arg10: memref<128x128xf32, #tpu.memory_space<vmem>>, %arg11: memref<128x128xf32, #tpu.memory_space<vmem>>, %arg12: memref<!tpu.dma_semaphore, #tpu.memory_space<semaphore_mem>>, %arg13: memref<!tpu.dma_semaphore, #tpu.memory_space<semaphore_mem>>) attributes {dimension_semantics = [#tpu.dimension_semantics<core_parallel>, #tpu.dimension_semantics<subcore_parallel>], iteration_bounds = array<i64: 2, 16>, scalar_prefetch = 0 : i64, scratch_operands = 7 : i64, tpu.core_type = #tpu.core_type<sc_vector_subcore>, window_params = [{transform_indices = #map}, {transform_indices = #map}, {transform_indices = #map1}, {transform_indices = #map1}, {transform_indices = #map}]} {
    %mul3A = arith.constant 640 : i32
    %mul3A_0 = arith.muli %arg1, %mul3A : i32
    %multiple_of3A = tpu.assume_multiple %mul3A_0, 8 : i32
    %mul3A_1 = arith.constant 40 : i32
    %mul3A_2 = arith.muli %arg1, %mul3A_1 : i32
    %multiple_of3A_3 = tpu.assume_multiple %mul3A_2, 8 : i32
    %dma_start3A = arith.constant 0 : i32
    %dma_start3A_4 = tpu.memref_slice %arg4[%multiple_of3A_3, %dma_start3A] : memref<640x128xi32, #tpu.memory_space<hbm>> -> memref<40x128xi32, #tpu.memory_space<hbm>>
    %dma_start3A_5 = arith.constant 0 : i32
    %dma_start3A_6 = tpu.memref_slice %arg4[%multiple_of3A_3, %dma_start3A_5] : memref<640x128xi32, #tpu.memory_space<hbm>> -> memref<40x128xi32, #tpu.memory_space<hbm>>
    tpu.enqueue_dma source(%dma_start3A_6 : memref<40x128xi32, #tpu.memory_space<hbm>>) target(%arg8 : memref<40x128xi32, #tpu.memory_space<vmem>>) target_semaphore(%arg12 : memref<!tpu.dma_semaphore, #tpu.memory_space<semaphore_mem>>)
    %dma_wait3A = arith.constant 0 : i32
    %dma_wait3A_7 = tpu.memref_slice %arg4[%multiple_of3A_3, %dma_wait3A] : memref<640x128xi32, #tpu.memory_space<hbm>> -> memref<40x128xi32, #tpu.memory_space<hbm>>
    %dma_wait3A_8 = arith.constant 0 : i32
    %dma_wait3A_9 = tpu.memref_slice %arg4[%multiple_of3A_3, %dma_wait3A_8] : memref<640x128xi32, #tpu.memory_space<hbm>> -> memref<40x128xi32, #tpu.memory_space<hbm>>
    tpu.wait_dma2 semaphore(%arg12 : memref<!tpu.dma_semaphore, #tpu.memory_space<semaphore_mem>>) src(%dma_wait3A_9 : memref<40x128xi32, #tpu.memory_space<hbm>>) dst(%arg8 : memref<40x128xi32, #tpu.memory_space<vmem>>)
    %dma_start3A_10 = arith.constant 0 : i32
    %dma_start3A_11 = tpu.memref_slice %arg5[%multiple_of3A_3, %dma_start3A_10] : memref<640x128xi32, #tpu.memory_space<hbm>> -> memref<40x128xi32, #tpu.memory_space<hbm>>
    %dma_start3A_12 = arith.constant 0 : i32
    %dma_start3A_13 = tpu.memref_slice %arg5[%multiple_of3A_3, %dma_start3A_12] : memref<640x128xi32, #tpu.memory_space<hbm>> -> memref<40x128xi32, #tpu.memory_space<hbm>>
    tpu.enqueue_dma source(%dma_start3A_13 : memref<40x128xi32, #tpu.memory_space<hbm>>) target(%arg9 : memref<40x128xi32, #tpu.memory_space<vmem>>) target_semaphore(%arg12 : memref<!tpu.dma_semaphore, #tpu.memory_space<semaphore_mem>>)
    %dma_wait3A_14 = arith.constant 0 : i32
    %dma_wait3A_15 = tpu.memref_slice %arg5[%multiple_of3A_3, %dma_wait3A_14] : memref<640x128xi32, #tpu.memory_space<hbm>> -> memref<40x128xi32, #tpu.memory_space<hbm>>
    %dma_wait3A_16 = arith.constant 0 : i32
    %dma_wait3A_17 = tpu.memref_slice %arg5[%multiple_of3A_3, %dma_wait3A_16] : memref<640x128xi32, #tpu.memory_space<hbm>> -> memref<40x128xi32, #tpu.memory_space<hbm>>
    tpu.wait_dma2 semaphore(%arg12 : memref<!tpu.dma_semaphore, #tpu.memory_space<semaphore_mem>>) src(%dma_wait3A_17 : memref<40x128xi32, #tpu.memory_space<hbm>>) dst(%arg9 : memref<40x128xi32, #tpu.memory_space<vmem>>)
    "tpu.region"() ({
      %run_scoped3A = tpu.sem_alloc : memref<!tpu.dma_semaphore, #tpu.memory_space<semaphore_mem>>
      %dma_start3A_23 = arith.constant 0 : i32
      %dma_start3A_24 = tpu.memref_slice %arg7[%multiple_of3A, %dma_start3A_23] : memref<10240x128xf32, #tpu.memory_space<vmem_shared>> -> memref<640x128xf32, #tpu.memory_space<vmem_shared>>
      %dma_start3A_25 = arith.constant 0 : i32
      %dma_start3A_26 = arith.constant 0 : i32
      %dma_start3A_27 = tpu.memref_slice %arg3[%arg0, %dma_start3A_25, %dma_start3A_26] : memref<2x10240x128xf32, #tpu.memory_space<hbm>> -> memref<1x10240x128xf32, #tpu.memory_space<hbm>>
      %dma_start3A_28 = tpu.memref_squeeze %dma_start3A_27 : memref<1x10240x128xf32, #tpu.memory_space<hbm>> -> memref<10240x128xf32, #tpu.memory_space<hbm>>
      %dma_start3A_29 = arith.constant 0 : i32
      %dma_start3A_30 = tpu.memref_slice %dma_start3A_28[%multiple_of3A, %dma_start3A_29] : memref<10240x128xf32, #tpu.memory_space<hbm>> -> memref<640x128xf32, #tpu.memory_space<hbm>>
      tpu.enqueue_dma source(%dma_start3A_30 : memref<640x128xf32, #tpu.memory_space<hbm>>) target(%dma_start3A_24 : memref<640x128xf32, #tpu.memory_space<vmem_shared>>) target_semaphore(%run_scoped3A : memref<!tpu.dma_semaphore, #tpu.memory_space<semaphore_mem>>)
      %dma_wait3A_31 = arith.constant 0 : i32
      %dma_wait3A_32 = tpu.memref_slice %arg7[%multiple_of3A, %dma_wait3A_31] : memref<10240x128xf32, #tpu.memory_space<vmem_shared>> -> memref<640x128xf32, #tpu.memory_space<vmem_shared>>
      %dma_wait3A_33 = arith.constant 0 : i32
      %dma_wait3A_34 = arith.constant 0 : i32
      %dma_wait3A_35 = tpu.memref_slice %arg3[%arg0, %dma_wait3A_33, %dma_wait3A_34] : memref<2x10240x128xf32, #tpu.memory_space<hbm>> -> memref<1x10240x128xf32, #tpu.memory_space<hbm>>
      %dma_wait3A_36 = tpu.memref_squeeze %dma_wait3A_35 : memref<1x10240x128xf32, #tpu.memory_space<hbm>> -> memref<10240x128xf32, #tpu.memory_space<hbm>>
      %dma_wait3A_37 = arith.constant 0 : i32
      %dma_wait3A_38 = tpu.memref_slice %dma_wait3A_36[%multiple_of3A, %dma_wait3A_37] : memref<10240x128xf32, #tpu.memory_space<hbm>> -> memref<640x128xf32, #tpu.memory_space<hbm>>
      tpu.wait_dma2 semaphore(%run_scoped3A : memref<!tpu.dma_semaphore, #tpu.memory_space<semaphore_mem>>) src(%dma_wait3A_38 : memref<640x128xf32, #tpu.memory_space<hbm>>) dst(%dma_wait3A_32 : memref<640x128xf32, #tpu.memory_space<vmem_shared>>)
      tpu.yield
    }) : () -> ()
    %barrier3A = arith.constant 0 : index
    tpu.barrier barrier_id(%barrier3A)
    %scan3A = arith.constant 0 : i32
    %scan3A_18 = arith.constant 20 : i32
    %scan3A_19 = arith.addi %scan3A, %scan3A_18 : i32
    %scan3A_20 = arith.constant 1 : i32
    scf.for %scan3A_23 = %scan3A to %scan3A_19 step %scan3A_20  : i32 {
      %mul3A_24 = arith.constant 2 : i32
      %mul3A_25 = arith.muli %scan3A_23, %mul3A_24 : i32
      %dma_start3A_26 = arith.constant 0 : i32
      %dma_start3A_27 = tpu.memref_slice %arg8[%mul3A_25, %dma_start3A_26] : memref<40x128xi32, #tpu.memory_space<vmem>> -> memref<1x128xi32, #tpu.memory_space<vmem>>
      %dma_start3A_28 = tpu.memref_squeeze %dma_start3A_27 : memref<1x128xi32, #tpu.memory_space<vmem>> -> memref<128xi32, #tpu.memory_space<vmem>>
      %dma_start3A_29 = arith.constant 0 : i32
      %dma_start3A_30 = arith.constant 0 : i32
      %dma_start3A_31 = tpu.memref_slice %arg2[%arg0, %dma_start3A_29, %dma_start3A_30] : memref<2x10240x128xf32, #tpu.memory_space<hbm>> -> memref<1x10240x128xf32, #tpu.memory_space<hbm>>
      %dma_start3A_32 = tpu.memref_squeeze %dma_start3A_31 : memref<1x10240x128xf32, #tpu.memory_space<hbm>> -> memref<10240x128xf32, #tpu.memory_space<hbm>>
      %dma_start3A_33 = arith.constant 0 : i32
      %dma_start3A_34 = arith.constant 0 : i32
      %dma_start3A_35 = tpu.memref_slice %dma_start3A_32[%dma_start3A_33, %dma_start3A_34] : memref<10240x128xf32, #tpu.memory_space<hbm>> -> memref<10240x128xf32, #tpu.memory_space<hbm>>
      tpu.enqueue_indirect_dma source(%dma_start3A_35 : memref<10240x128xf32, #tpu.memory_space<hbm>>) target(%arg10 : memref<128x128xf32, #tpu.memory_space<vmem>>) offsets(%dma_start3A_28 : memref<128xi32, #tpu.memory_space<vmem>>) semaphore(%arg13 : memref<!tpu.dma_semaphore, #tpu.memory_space<semaphore_mem>>)
      %add3A = arith.constant 1 : i32
      %add3A_36 = arith.addi %mul3A_25, %add3A : i32
      %dma_start3A_37 = arith.constant 0 : i32
      %dma_start3A_38 = tpu.memref_slice %arg8[%add3A_36, %dma_start3A_37] : memref<40x128xi32, #tpu.memory_space<vmem>> -> memref<1x128xi32, #tpu.memory_space<vmem>>
      %dma_start3A_39 = tpu.memref_squeeze %dma_start3A_38 : memref<1x128xi32, #tpu.memory_space<vmem>> -> memref<128xi32, #tpu.memory_space<vmem>>
      %dma_start3A_40 = arith.constant 0 : i32
      %dma_start3A_41 = arith.constant 0 : i32
      %dma_start3A_42 = tpu.memref_slice %arg2[%arg0, %dma_start3A_40, %dma_start3A_41] : memref<2x10240x128xf32, #tpu.memory_space<hbm>> -> memref<1x10240x128xf32, #tpu.memory_space<hbm>>
      %dma_start3A_43 = tpu.memref_squeeze %dma_start3A_42 : memref<1x10240x128xf32, #tpu.memory_space<hbm>> -> memref<10240x128xf32, #tpu.memory_space<hbm>>
      %dma_start3A_44 = arith.constant 0 : i32
      %dma_start3A_45 = arith.constant 0 : i32
      %dma_start3A_46 = tpu.memref_slice %dma_start3A_43[%dma_start3A_44, %dma_start3A_45] : memref<10240x128xf32, #tpu.memory_space<hbm>> -> memref<10240x128xf32, #tpu.memory_space<hbm>>
      tpu.enqueue_indirect_dma source(%dma_start3A_46 : memref<10240x128xf32, #tpu.memory_space<hbm>>) target(%arg11 : memref<128x128xf32, #tpu.memory_space<vmem>>) offsets(%dma_start3A_39 : memref<128xi32, #tpu.memory_space<vmem>>) semaphore(%arg13 : memref<!tpu.dma_semaphore, #tpu.memory_space<semaphore_mem>>)
      %dma_wait3A_47 = arith.constant 0 : i32
      %dma_wait3A_48 = tpu.memref_slice %arg8[%mul3A_25, %dma_wait3A_47] : memref<40x128xi32, #tpu.memory_space<vmem>> -> memref<1x128xi32, #tpu.memory_space<vmem>>
      %dma_wait3A_49 = tpu.memref_squeeze %dma_wait3A_48 : memref<1x128xi32, #tpu.memory_space<vmem>> -> memref<128xi32, #tpu.memory_space<vmem>>
      %dma_wait3A_50 = arith.constant 0 : i32
      %dma_wait3A_51 = arith.constant 0 : i32
      %dma_wait3A_52 = tpu.memref_slice %arg2[%arg0, %dma_wait3A_50, %dma_wait3A_51] : memref<2x10240x128xf32, #tpu.memory_space<hbm>> -> memref<1x10240x128xf32, #tpu.memory_space<hbm>>
      %dma_wait3A_53 = tpu.memref_squeeze %dma_wait3A_52 : memref<1x10240x128xf32, #tpu.memory_space<hbm>> -> memref<10240x128xf32, #tpu.memory_space<hbm>>
      %dma_wait3A_54 = arith.constant 0 : i32
      %dma_wait3A_55 = arith.constant 0 : i32
      %dma_wait3A_56 = tpu.memref_slice %dma_wait3A_53[%dma_wait3A_54, %dma_wait3A_55] : memref<10240x128xf32, #tpu.memory_space<hbm>> -> memref<10240x128xf32, #tpu.memory_space<hbm>>
      tpu.wait_indirect_dma semaphore(%arg13 : memref<!tpu.dma_semaphore, #tpu.memory_space<semaphore_mem>>) src(%dma_wait3A_56 : memref<10240x128xf32, #tpu.memory_space<hbm>>) dst(%arg10 : memref<128x128xf32, #tpu.memory_space<vmem>>)
      %dma_wait3A_57 = arith.constant 0 : i32
      %dma_wait3A_58 = tpu.memref_slice %arg8[%add3A_36, %dma_wait3A_57] : memref<40x128xi32, #tpu.memory_space<vmem>> -> memref<1x128xi32, #tpu.memory_space<vmem>>
      %dma_wait3A_59 = tpu.memref_squeeze %dma_wait3A_58 : memref<1x128xi32, #tpu.memory_space<vmem>> -> memref<128xi32, #tpu.memory_space<vmem>>
      %dma_wait3A_60 = arith.constant 0 : i32
      %dma_wait3A_61 = arith.constant 0 : i32
      %dma_wait3A_62 = tpu.memref_slice %arg2[%arg0, %dma_wait3A_60, %dma_wait3A_61] : memref<2x10240x128xf32, #tpu.memory_space<hbm>> -> memref<1x10240x128xf32, #tpu.memory_space<hbm>>
      %dma_wait3A_63 = tpu.memref_squeeze %dma_wait3A_62 : memref<1x10240x128xf32, #tpu.memory_space<hbm>> -> memref<10240x128xf32, #tpu.memory_space<hbm>>
      %dma_wait3A_64 = arith.constant 0 : i32
      %dma_wait3A_65 = arith.constant 0 : i32
      %dma_wait3A_66 = tpu.memref_slice %dma_wait3A_63[%dma_wait3A_64, %dma_wait3A_65] : memref<10240x128xf32, #tpu.memory_space<hbm>> -> memref<10240x128xf32, #tpu.memory_space<hbm>>
      tpu.wait_indirect_dma semaphore(%arg13 : memref<!tpu.dma_semaphore, #tpu.memory_space<semaphore_mem>>) src(%dma_wait3A_66 : memref<10240x128xf32, #tpu.memory_space<hbm>>) dst(%arg11 : memref<128x128xf32, #tpu.memory_space<vmem>>)
      "tpu.region"() ({
        %run_scoped3A = tpu.sem_alloc : memref<!tpu.dma_semaphore, #tpu.memory_space<semaphore_mem>>
        %dma_start3A_69 = arith.constant 0 : i32
        %dma_start3A_70 = tpu.memref_slice %arg9[%mul3A_25, %dma_start3A_69] : memref<40x128xi32, #tpu.memory_space<vmem>> -> memref<1x128xi32, #tpu.memory_space<vmem>>
        %dma_start3A_71 = tpu.memref_squeeze %dma_start3A_70 : memref<1x128xi32, #tpu.memory_space<vmem>> -> memref<128xi32, #tpu.memory_space<vmem>>
        %dma_start3A_72 = arith.constant 0 : i32
        %dma_start3A_73 = arith.constant 0 : i32
        %dma_start3A_74 = tpu.memref_slice %arg7[%dma_start3A_72, %dma_start3A_73] : memref<10240x128xf32, #tpu.memory_space<vmem_shared>> -> memref<10240x128xf32, #tpu.memory_space<vmem_shared>>
        tpu.enqueue_indirect_dma source(%arg10 : memref<128x128xf32, #tpu.memory_space<vmem>>) target(%dma_start3A_74 : memref<10240x128xf32, #tpu.memory_space<vmem_shared>>) offsets(%dma_start3A_71 : memref<128xi32, #tpu.memory_space<vmem>>) semaphore(%run_scoped3A : memref<!tpu.dma_semaphore, #tpu.memory_space<semaphore_mem>>) {add = true}
        %dma_wait3A_75 = arith.constant 0 : i32
        %dma_wait3A_76 = tpu.memref_slice %arg9[%mul3A_25, %dma_wait3A_75] : memref<40x128xi32, #tpu.memory_space<vmem>> -> memref<1x128xi32, #tpu.memory_space<vmem>>
        %dma_wait3A_77 = tpu.memref_squeeze %dma_wait3A_76 : memref<1x128xi32, #tpu.memory_space<vmem>> -> memref<128xi32, #tpu.memory_space<vmem>>
        %dma_wait3A_78 = arith.constant 0 : i32
        %dma_wait3A_79 = arith.constant 0 : i32
        %dma_wait3A_80 = tpu.memref_slice %arg7[%dma_wait3A_78, %dma_wait3A_79] : memref<10240x128xf32, #tpu.memory_space<vmem_shared>> -> memref<10240x128xf32, #tpu.memory_space<vmem_shared>>
        tpu.wait_indirect_dma semaphore(%run_scoped3A : memref<!tpu.dma_semaphore, #tpu.memory_space<semaphore_mem>>) src(%arg10 : memref<128x128xf32, #tpu.memory_space<vmem>>) dst(%dma_wait3A_80 : memref<10240x128xf32, #tpu.memory_space<vmem_shared>>)
        tpu.yield
      }) : () -> ()
      %add3A_67 = arith.constant 1 : i32
      %add3A_68 = arith.addi %mul3A_25, %add3A_67 : i32
      "tpu.region"() ({
        %run_scoped3A = tpu.sem_alloc : memref<!tpu.dma_semaphore, #tpu.memory_space<semaphore_mem>>
        %dma_start3A_69 = arith.constant 0 : i32
        %dma_start3A_70 = tpu.memref_slice %arg9[%add3A_68, %dma_start3A_69] : memref<40x128xi32, #tpu.memory_space<vmem>> -> memref<1x128xi32, #tpu.memory_space<vmem>>
        %dma_start3A_71 = tpu.memref_squeeze %dma_start3A_70 : memref<1x128xi32, #tpu.memory_space<vmem>> -> memref<128xi32, #tpu.memory_space<vmem>>
        %dma_start3A_72 = arith.constant 0 : i32
        %dma_start3A_73 = arith.constant 0 : i32
        %dma_start3A_74 = tpu.memref_slice %arg7[%dma_start3A_72, %dma_start3A_73] : memref<10240x128xf32, #tpu.memory_space<vmem_shared>> -> memref<10240x128xf32, #tpu.memory_space<vmem_shared>>
        tpu.enqueue_indirect_dma source(%arg11 : memref<128x128xf32, #tpu.memory_space<vmem>>) target(%dma_start3A_74 : memref<10240x128xf32, #tpu.memory_space<vmem_shared>>) offsets(%dma_start3A_71 : memref<128xi32, #tpu.memory_space<vmem>>) semaphore(%run_scoped3A : memref<!tpu.dma_semaphore, #tpu.memory_space<semaphore_mem>>) {add = true}
        %dma_wait3A_75 = arith.constant 0 : i32
        %dma_wait3A_76 = tpu.memref_slice %arg9[%add3A_68, %dma_wait3A_75] : memref<40x128xi32, #tpu.memory_space<vmem>> -> memref<1x128xi32, #tpu.memory_space<vmem>>
        %dma_wait3A_77 = tpu.memref_squeeze %dma_wait3A_76 : memref<1x128xi32, #tpu.memory_space<vmem>> -> memref<128xi32, #tpu.memory_space<vmem>>
        %dma_wait3A_78 = arith.constant 0 : i32
        %dma_wait3A_79 = arith.constant 0 : i32
        %dma_wait3A_80 = tpu.memref_slice %arg7[%dma_wait3A_78, %dma_wait3A_79] : memref<10240x128xf32, #tpu.memory_space<vmem_shared>> -> memref<10240x128xf32, #tpu.memory_space<vmem_shared>>
        tpu.wait_indirect_dma semaphore(%run_scoped3A : memref<!tpu.dma_semaphore, #tpu.memory_space<semaphore_mem>>) src(%arg11 : memref<128x128xf32, #tpu.memory_space<vmem>>) dst(%dma_wait3A_80 : memref<10240x128xf32, #tpu.memory_space<vmem_shared>>)
        tpu.yield
      }) : () -> ()
    }
    %scan3A_21 = arith.constant 20 : i32
    %barrier3A_22 = arith.constant 0 : index
    tpu.barrier barrier_id(%barrier3A_22)
    "tpu.region"() ({
      %run_scoped3A = tpu.sem_alloc : memref<!tpu.dma_semaphore, #tpu.memory_space<semaphore_mem>>
      %dma_start3A_23 = arith.constant 0 : i32
      %dma_start3A_24 = arith.constant 0 : i32
      %dma_start3A_25 = tpu.memref_slice %arg6[%arg0, %dma_start3A_23, %dma_start3A_24] : memref<2x10240x128xf32, #tpu.memory_space<hbm>> -> memref<1x10240x128xf32, #tpu.memory_space<hbm>>
      %dma_start3A_26 = tpu.memref_squeeze %dma_start3A_25 : memref<1x10240x128xf32, #tpu.memory_space<hbm>> -> memref<10240x128xf32, #tpu.memory_space<hbm>>
      %dma_start3A_27 = arith.constant 0 : i32
      %dma_start3A_28 = tpu.memref_slice %dma_start3A_26[%multiple_of3A, %dma_start3A_27] : memref<10240x128xf32, #tpu.memory_space<hbm>> -> memref<640x128xf32, #tpu.memory_space<hbm>>
      %dma_start3A_29 = arith.constant 0 : i32
      %dma_start3A_30 = tpu.memref_slice %arg7[%multiple_of3A, %dma_start3A_29] : memref<10240x128xf32, #tpu.memory_space<vmem_shared>> -> memref<640x128xf32, #tpu.memory_space<vmem_shared>>
      tpu.enqueue_dma source(%dma_start3A_30 : memref<640x128xf32, #tpu.memory_space<vmem_shared>>) target(%dma_start3A_28 : memref<640x128xf32, #tpu.memory_space<hbm>>) target_semaphore(%run_scoped3A : memref<!tpu.dma_semaphore, #tpu.memory_space<semaphore_mem>>)
      %dma_wait3A_31 = arith.constant 0 : i32
      %dma_wait3A_32 = arith.constant 0 : i32
      %dma_wait3A_33 = tpu.memref_slice %arg6[%arg0, %dma_wait3A_31, %dma_wait3A_32] : memref<2x10240x128xf32, #tpu.memory_space<hbm>> -> memref<1x10240x128xf32, #tpu.memory_space<hbm>>
      %dma_wait3A_34 = tpu.memref_squeeze %dma_wait3A_33 : memref<1x10240x128xf32, #tpu.memory_space<hbm>> -> memref<10240x128xf32, #tpu.memory_space<hbm>>
      %dma_wait3A_35 = arith.constant 0 : i32
      %dma_wait3A_36 = tpu.memref_slice %dma_wait3A_34[%multiple_of3A, %dma_wait3A_35] : memref<10240x128xf32, #tpu.memory_space<hbm>> -> memref<640x128xf32, #tpu.memory_space<hbm>>
      %dma_wait3A_37 = arith.constant 0 : i32
      %dma_wait3A_38 = tpu.memref_slice %arg7[%multiple_of3A, %dma_wait3A_37] : memref<10240x128xf32, #tpu.memory_space<vmem_shared>> -> memref<640x128xf32, #tpu.memory_space<vmem_shared>>
      tpu.wait_dma2 semaphore(%run_scoped3A : memref<!tpu.dma_semaphore, #tpu.memory_space<semaphore_mem>>) src(%dma_wait3A_38 : memref<640x128xf32, #tpu.memory_space<vmem_shared>>) dst(%dma_wait3A_36 : memref<640x128xf32, #tpu.memory_space<hbm>>)
      tpu.yield
    }) : () -> ()
    return
  }
}

#map = affine_map<(d0, d1) -> (0, 0, 0)>
#map1 = affine_map<(d0, d1) -> (0, 0)>
module attributes {stable_mosaic.version = 14 : i64} {
  func.func @_spmm_body(%arg0: i32, %arg1: i32, %arg2: memref<2x10240x128xf32, #tpu.memory_space<hbm>>, %arg3: memref<2x10240x128xf32, #tpu.memory_space<hbm>>, %arg4: memref<640x128xi32, #tpu.memory_space<hbm>>, %arg5: memref<640x128xi32, #tpu.memory_space<hbm>>, %arg6: memref<2x10240x128xf32, #tpu.memory_space<hbm>>, %arg7: memref<10240x128xf32, #tpu.memory_space<vmem_shared>>, %arg8: memref<40x128xi32, #tpu.memory_space<vmem>>, %arg9: memref<40x128xi32, #tpu.memory_space<vmem>>, %arg10: memref<128x128xf32, #tpu.memory_space<vmem>>, %arg11: memref<128x128xf32, #tpu.memory_space<vmem>>, %arg12: memref<!tpu.dma_semaphore, #tpu.memory_space<semaphore_mem>>, %arg13: memref<!tpu.dma_semaphore, #tpu.memory_space<semaphore_mem>>) attributes {dimension_semantics = [#tpu.dimension_semantics<core_parallel>, #tpu.dimension_semantics<subcore_parallel>], iteration_bounds = array<i64: 2, 16>, scalar_prefetch = 0 : i64, scratch_operands = 7 : i64, tpu.core_type = #tpu.core_type<sc_vector_subcore>, window_params = [{transform_indices = #map}, {transform_indices = #map}, {transform_indices = #map1}, {transform_indices = #map1}, {transform_indices = #map}]} {
    %mul3A = arith.constant 640 : i32
    %mul3A_0 = arith.muli %arg1, %mul3A : i32
    %multiple_of3A = tpu.assume_multiple %mul3A_0, 8 : i32
    %mul3A_1 = arith.constant 40 : i32
    %mul3A_2 = arith.muli %arg1, %mul3A_1 : i32
    %multiple_of3A_3 = tpu.assume_multiple %mul3A_2, 8 : i32
    %dma_start3A = arith.constant 0 : i32
    %dma_start3A_4 = tpu.memref_slice %arg4[%multiple_of3A_3, %dma_start3A] : memref<640x128xi32, #tpu.memory_space<hbm>> -> memref<40x128xi32, #tpu.memory_space<hbm>>
    %dma_start3A_5 = arith.constant 0 : i32
    %dma_start3A_6 = tpu.memref_slice %arg4[%multiple_of3A_3, %dma_start3A_5] : memref<640x128xi32, #tpu.memory_space<hbm>> -> memref<40x128xi32, #tpu.memory_space<hbm>>
    tpu.enqueue_dma source(%dma_start3A_6 : memref<40x128xi32, #tpu.memory_space<hbm>>) target(%arg8 : memref<40x128xi32, #tpu.memory_space<vmem>>) target_semaphore(%arg12 : memref<!tpu.dma_semaphore, #tpu.memory_space<semaphore_mem>>)
    %dma_wait3A = arith.constant 0 : i32
    %dma_wait3A_7 = tpu.memref_slice %arg4[%multiple_of3A_3, %dma_wait3A] : memref<640x128xi32, #tpu.memory_space<hbm>> -> memref<40x128xi32, #tpu.memory_space<hbm>>
    %dma_wait3A_8 = arith.constant 0 : i32
    %dma_wait3A_9 = tpu.memref_slice %arg4[%multiple_of3A_3, %dma_wait3A_8] : memref<640x128xi32, #tpu.memory_space<hbm>> -> memref<40x128xi32, #tpu.memory_space<hbm>>
    tpu.wait_dma2 semaphore(%arg12 : memref<!tpu.dma_semaphore, #tpu.memory_space<semaphore_mem>>) src(%dma_wait3A_9 : memref<40x128xi32, #tpu.memory_space<hbm>>) dst(%arg8 : memref<40x128xi32, #tpu.memory_space<vmem>>)
    %dma_start3A_10 = arith.constant 0 : i32
    %dma_start3A_11 = tpu.memref_slice %arg5[%multiple_of3A_3, %dma_start3A_10] : memref<640x128xi32, #tpu.memory_space<hbm>> -> memref<40x128xi32, #tpu.memory_space<hbm>>
    %dma_start3A_12 = arith.constant 0 : i32
    %dma_start3A_13 = tpu.memref_slice %arg5[%multiple_of3A_3, %dma_start3A_12] : memref<640x128xi32, #tpu.memory_space<hbm>> -> memref<40x128xi32, #tpu.memory_space<hbm>>
    tpu.enqueue_dma source(%dma_start3A_13 : memref<40x128xi32, #tpu.memory_space<hbm>>) target(%arg9 : memref<40x128xi32, #tpu.memory_space<vmem>>) target_semaphore(%arg12 : memref<!tpu.dma_semaphore, #tpu.memory_space<semaphore_mem>>)
    %dma_wait3A_14 = arith.constant 0 : i32
    %dma_wait3A_15 = tpu.memref_slice %arg5[%multiple_of3A_3, %dma_wait3A_14] : memref<640x128xi32, #tpu.memory_space<hbm>> -> memref<40x128xi32, #tpu.memory_space<hbm>>
    %dma_wait3A_16 = arith.constant 0 : i32
    %dma_wait3A_17 = tpu.memref_slice %arg5[%multiple_of3A_3, %dma_wait3A_16] : memref<640x128xi32, #tpu.memory_space<hbm>> -> memref<40x128xi32, #tpu.memory_space<hbm>>
    tpu.wait_dma2 semaphore(%arg12 : memref<!tpu.dma_semaphore, #tpu.memory_space<semaphore_mem>>) src(%dma_wait3A_17 : memref<40x128xi32, #tpu.memory_space<hbm>>) dst(%arg9 : memref<40x128xi32, #tpu.memory_space<vmem>>)
    "tpu.region"() ({
      %run_scoped3A = tpu.sem_alloc : memref<!tpu.dma_semaphore, #tpu.memory_space<semaphore_mem>>
      %dma_start3A_23 = arith.constant 0 : i32
      %dma_start3A_24 = tpu.memref_slice %arg7[%multiple_of3A, %dma_start3A_23] : memref<10240x128xf32, #tpu.memory_space<vmem_shared>> -> memref<640x128xf32, #tpu.memory_space<vmem_shared>>
      %dma_start3A_25 = arith.constant 0 : i32
      %dma_start3A_26 = arith.constant 0 : i32
      %dma_start3A_27 = tpu.memref_slice %arg3[%arg0, %dma_start3A_25, %dma_start3A_26] : memref<2x10240x128xf32, #tpu.memory_space<hbm>> -> memref<1x10240x128xf32, #tpu.memory_space<hbm>>
      %dma_start3A_28 = tpu.memref_squeeze %dma_start3A_27 : memref<1x10240x128xf32, #tpu.memory_space<hbm>> -> memref<10240x128xf32, #tpu.memory_space<hbm>>
      %dma_start3A_29 = arith.constant 0 : i32
      %dma_start3A_30 = tpu.memref_slice %dma_start3A_28[%multiple_of3A, %dma_start3A_29] : memref<10240x128xf32, #tpu.memory_space<hbm>> -> memref<640x128xf32, #tpu.memory_space<hbm>>
      tpu.enqueue_dma source(%dma_start3A_30 : memref<640x128xf32, #tpu.memory_space<hbm>>) target(%dma_start3A_24 : memref<640x128xf32, #tpu.memory_space<vmem_shared>>) target_semaphore(%run_scoped3A : memref<!tpu.dma_semaphore, #tpu.memory_space<semaphore_mem>>)
      %dma_wait3A_31 = arith.constant 0 : i32
      %dma_wait3A_32 = tpu.memref_slice %arg7[%multiple_of3A, %dma_wait3A_31] : memref<10240x128xf32, #tpu.memory_space<vmem_shared>> -> memref<640x128xf32, #tpu.memory_space<vmem_shared>>
      %dma_wait3A_33 = arith.constant 0 : i32
      %dma_wait3A_34 = arith.constant 0 : i32
      %dma_wait3A_35 = tpu.memref_slice %arg3[%arg0, %dma_wait3A_33, %dma_wait3A_34] : memref<2x10240x128xf32, #tpu.memory_space<hbm>> -> memref<1x10240x128xf32, #tpu.memory_space<hbm>>
      %dma_wait3A_36 = tpu.memref_squeeze %dma_wait3A_35 : memref<1x10240x128xf32, #tpu.memory_space<hbm>> -> memref<10240x128xf32, #tpu.memory_space<hbm>>
      %dma_wait3A_37 = arith.constant 0 : i32
      %dma_wait3A_38 = tpu.memref_slice %dma_wait3A_36[%multiple_of3A, %dma_wait3A_37] : memref<10240x128xf32, #tpu.memory_space<hbm>> -> memref<640x128xf32, #tpu.memory_space<hbm>>
      tpu.wait_dma2 semaphore(%run_scoped3A : memref<!tpu.dma_semaphore, #tpu.memory_space<semaphore_mem>>) src(%dma_wait3A_38 : memref<640x128xf32, #tpu.memory_space<hbm>>) dst(%dma_wait3A_32 : memref<640x128xf32, #tpu.memory_space<vmem_shared>>)
      tpu.yield
    }) : () -> ()
    %barrier3A = arith.constant 0 : index
    tpu.barrier barrier_id(%barrier3A)
    %scan3A = arith.constant 0 : i32
    %scan3A_18 = arith.constant 20 : i32
    %scan3A_19 = arith.addi %scan3A, %scan3A_18 : i32
    %scan3A_20 = arith.constant 1 : i32
    scf.for %scan3A_23 = %scan3A to %scan3A_19 step %scan3A_20  : i32 {
      %mul3A_24 = arith.constant 2 : i32
      %mul3A_25 = arith.muli %scan3A_23, %mul3A_24 : i32
      %dma_start3A_26 = arith.constant 0 : i32
      %dma_start3A_27 = tpu.memref_slice %arg8[%mul3A_25, %dma_start3A_26] : memref<40x128xi32, #tpu.memory_space<vmem>> -> memref<1x128xi32, #tpu.memory_space<vmem>>
      %dma_start3A_28 = tpu.memref_squeeze %dma_start3A_27 : memref<1x128xi32, #tpu.memory_space<vmem>> -> memref<128xi32, #tpu.memory_space<vmem>>
      %dma_start3A_29 = arith.constant 0 : i32
      %dma_start3A_30 = arith.constant 0 : i32
      %dma_start3A_31 = tpu.memref_slice %arg2[%arg0, %dma_start3A_29, %dma_start3A_30] : memref<2x10240x128xf32, #tpu.memory_space<hbm>> -> memref<1x10240x128xf32, #tpu.memory_space<hbm>>
      %dma_start3A_32 = tpu.memref_squeeze %dma_start3A_31 : memref<1x10240x128xf32, #tpu.memory_space<hbm>> -> memref<10240x128xf32, #tpu.memory_space<hbm>>
      %dma_start3A_33 = arith.constant 0 : i32
      %dma_start3A_34 = arith.constant 0 : i32
      %dma_start3A_35 = tpu.memref_slice %dma_start3A_32[%dma_start3A_33, %dma_start3A_34] : memref<10240x128xf32, #tpu.memory_space<hbm>> -> memref<10240x128xf32, #tpu.memory_space<hbm>>
      tpu.enqueue_indirect_dma source(%dma_start3A_35 : memref<10240x128xf32, #tpu.memory_space<hbm>>) target(%arg10 : memref<128x128xf32, #tpu.memory_space<vmem>>) offsets(%dma_start3A_28 : memref<128xi32, #tpu.memory_space<vmem>>) semaphore(%arg13 : memref<!tpu.dma_semaphore, #tpu.memory_space<semaphore_mem>>)
      %add3A = arith.constant 1 : i32
      %add3A_36 = arith.addi %mul3A_25, %add3A : i32
      %dma_start3A_37 = arith.constant 0 : i32
      %dma_start3A_38 = tpu.memref_slice %arg8[%add3A_36, %dma_start3A_37] : memref<40x128xi32, #tpu.memory_space<vmem>> -> memref<1x128xi32, #tpu.memory_space<vmem>>
      %dma_start3A_39 = tpu.memref_squeeze %dma_start3A_38 : memref<1x128xi32, #tpu.memory_space<vmem>> -> memref<128xi32, #tpu.memory_space<vmem>>
      %dma_start3A_40 = arith.constant 0 : i32
      %dma_start3A_41 = arith.constant 0 : i32
      %dma_start3A_42 = tpu.memref_slice %arg2[%arg0, %dma_start3A_40, %dma_start3A_41] : memref<2x10240x128xf32, #tpu.memory_space<hbm>> -> memref<1x10240x128xf32, #tpu.memory_space<hbm>>
      %dma_start3A_43 = tpu.memref_squeeze %dma_start3A_42 : memref<1x10240x128xf32, #tpu.memory_space<hbm>> -> memref<10240x128xf32, #tpu.memory_space<hbm>>
      %dma_start3A_44 = arith.constant 0 : i32
      %dma_start3A_45 = arith.constant 0 : i32
      %dma_start3A_46 = tpu.memref_slice %dma_start3A_43[%dma_start3A_44, %dma_start3A_45] : memref<10240x128xf32, #tpu.memory_space<hbm>> -> memref<10240x128xf32, #tpu.memory_space<hbm>>
      tpu.enqueue_indirect_dma source(%dma_start3A_46 : memref<10240x128xf32, #tpu.memory_space<hbm>>) target(%arg11 : memref<128x128xf32, #tpu.memory_space<vmem>>) offsets(%dma_start3A_39 : memref<128xi32, #tpu.memory_space<vmem>>) semaphore(%arg13 : memref<!tpu.dma_semaphore, #tpu.memory_space<semaphore_mem>>)
      %dma_wait3A_47 = arith.constant 0 : i32
      %dma_wait3A_48 = tpu.memref_slice %arg8[%mul3A_25, %dma_wait3A_47] : memref<40x128xi32, #tpu.memory_space<vmem>> -> memref<1x128xi32, #tpu.memory_space<vmem>>
      %dma_wait3A_49 = tpu.memref_squeeze %dma_wait3A_48 : memref<1x128xi32, #tpu.memory_space<vmem>> -> memref<128xi32, #tpu.memory_space<vmem>>
      %dma_wait3A_50 = arith.constant 0 : i32
      %dma_wait3A_51 = arith.constant 0 : i32
      %dma_wait3A_52 = tpu.memref_slice %arg2[%arg0, %dma_wait3A_50, %dma_wait3A_51] : memref<2x10240x128xf32, #tpu.memory_space<hbm>> -> memref<1x10240x128xf32, #tpu.memory_space<hbm>>
      %dma_wait3A_53 = tpu.memref_squeeze %dma_wait3A_52 : memref<1x10240x128xf32, #tpu.memory_space<hbm>> -> memref<10240x128xf32, #tpu.memory_space<hbm>>
      %dma_wait3A_54 = arith.constant 0 : i32
      %dma_wait3A_55 = arith.constant 0 : i32
      %dma_wait3A_56 = tpu.memref_slice %dma_wait3A_53[%dma_wait3A_54, %dma_wait3A_55] : memref<10240x128xf32, #tpu.memory_space<hbm>> -> memref<10240x128xf32, #tpu.memory_space<hbm>>
      tpu.wait_indirect_dma semaphore(%arg13 : memref<!tpu.dma_semaphore, #tpu.memory_space<semaphore_mem>>) src(%dma_wait3A_56 : memref<10240x128xf32, #tpu.memory_space<hbm>>) dst(%arg10 : memref<128x128xf32, #tpu.memory_space<vmem>>)
      %dma_wait3A_57 = arith.constant 0 : i32
      %dma_wait3A_58 = tpu.memref_slice %arg8[%add3A_36, %dma_wait3A_57] : memref<40x128xi32, #tpu.memory_space<vmem>> -> memref<1x128xi32, #tpu.memory_space<vmem>>
      %dma_wait3A_59 = tpu.memref_squeeze %dma_wait3A_58 : memref<1x128xi32, #tpu.memory_space<vmem>> -> memref<128xi32, #tpu.memory_space<vmem>>
      %dma_wait3A_60 = arith.constant 0 : i32
      %dma_wait3A_61 = arith.constant 0 : i32
      %dma_wait3A_62 = tpu.memref_slice %arg2[%arg0, %dma_wait3A_60, %dma_wait3A_61] : memref<2x10240x128xf32, #tpu.memory_space<hbm>> -> memref<1x10240x128xf32, #tpu.memory_space<hbm>>
      %dma_wait3A_63 = tpu.memref_squeeze %dma_wait3A_62 : memref<1x10240x128xf32, #tpu.memory_space<hbm>> -> memref<10240x128xf32, #tpu.memory_space<hbm>>
      %dma_wait3A_64 = arith.constant 0 : i32
      %dma_wait3A_65 = arith.constant 0 : i32
      %dma_wait3A_66 = tpu.memref_slice %dma_wait3A_63[%dma_wait3A_64, %dma_wait3A_65] : memref<10240x128xf32, #tpu.memory_space<hbm>> -> memref<10240x128xf32, #tpu.memory_space<hbm>>
      tpu.wait_indirect_dma semaphore(%arg13 : memref<!tpu.dma_semaphore, #tpu.memory_space<semaphore_mem>>) src(%dma_wait3A_66 : memref<10240x128xf32, #tpu.memory_space<hbm>>) dst(%arg11 : memref<128x128xf32, #tpu.memory_space<vmem>>)
      "tpu.region"() ({
        %run_scoped3A = tpu.sem_alloc : memref<!tpu.dma_semaphore, #tpu.memory_space<semaphore_mem>>
        %dma_start3A_69 = arith.constant 0 : i32
        %dma_start3A_70 = tpu.memref_slice %arg9[%mul3A_25, %dma_start3A_69] : memref<40x128xi32, #tpu.memory_space<vmem>> -> memref<1x128xi32, #tpu.memory_space<vmem>>
        %dma_start3A_71 = tpu.memref_squeeze %dma_start3A_70 : memref<1x128xi32, #tpu.memory_space<vmem>> -> memref<128xi32, #tpu.memory_space<vmem>>
        %dma_start3A_72 = arith.constant 0 : i32
        %dma_start3A_73 = arith.constant 0 : i32
        %dma_start3A_74 = tpu.memref_slice %arg7[%dma_start3A_72, %dma_start3A_73] : memref<10240x128xf32, #tpu.memory_space<vmem_shared>> -> memref<10240x128xf32, #tpu.memory_space<vmem_shared>>
        tpu.enqueue_indirect_dma source(%arg10 : memref<128x128xf32, #tpu.memory_space<vmem>>) target(%dma_start3A_74 : memref<10240x128xf32, #tpu.memory_space<vmem_shared>>) offsets(%dma_start3A_71 : memref<128xi32, #tpu.memory_space<vmem>>) semaphore(%run_scoped3A : memref<!tpu.dma_semaphore, #tpu.memory_space<semaphore_mem>>) {add = true}
        %dma_wait3A_75 = arith.constant 0 : i32
        %dma_wait3A_76 = tpu.memref_slice %arg9[%mul3A_25, %dma_wait3A_75] : memref<40x128xi32, #tpu.memory_space<vmem>> -> memref<1x128xi32, #tpu.memory_space<vmem>>
        %dma_wait3A_77 = tpu.memref_squeeze %dma_wait3A_76 : memref<1x128xi32, #tpu.memory_space<vmem>> -> memref<128xi32, #tpu.memory_space<vmem>>
        %dma_wait3A_78 = arith.constant 0 : i32
        %dma_wait3A_79 = arith.constant 0 : i32
        %dma_wait3A_80 = tpu.memref_slice %arg7[%dma_wait3A_78, %dma_wait3A_79] : memref<10240x128xf32, #tpu.memory_space<vmem_shared>> -> memref<10240x128xf32, #tpu.memory_space<vmem_shared>>
        tpu.wait_indirect_dma semaphore(%run_scoped3A : memref<!tpu.dma_semaphore, #tpu.memory_space<semaphore_mem>>) src(%arg10 : memref<128x128xf32, #tpu.memory_space<vmem>>) dst(%dma_wait3A_80 : memref<10240x128xf32, #tpu.memory_space<vmem_shared>>)
        tpu.yield
      }) : () -> ()
      %add3A_67 = arith.constant 1 : i32
      %add3A_68 = arith.addi %mul3A_25, %add3A_67 : i32
      "tpu.region"() ({
        %run_scoped3A = tpu.sem_alloc : memref<!tpu.dma_semaphore, #tpu.memory_space<semaphore_mem>>
        %dma_start3A_69 = arith.constant 0 : i32
        %dma_start3A_70 = tpu.memref_slice %arg9[%add3A_68, %dma_start3A_69] : memref<40x128xi32, #tpu.memory_space<vmem>> -> memref<1x128xi32, #tpu.memory_space<vmem>>
        %dma_start3A_71 = tpu.memref_squeeze %dma_start3A_70 : memref<1x128xi32, #tpu.memory_space<vmem>> -> memref<128xi32, #tpu.memory_space<vmem>>
        %dma_start3A_72 = arith.constant 0 : i32
        %dma_start3A_73 = arith.constant 0 : i32
        %dma_start3A_74 = tpu.memref_slice %arg7[%dma_start3A_72, %dma_start3A_73] : memref<10240x128xf32, #tpu.memory_space<vmem_shared>> -> memref<10240x128xf32, #tpu.memory_space<vmem_shared>>
        tpu.enqueue_indirect_dma source(%arg11 : memref<128x128xf32, #tpu.memory_space<vmem>>) target(%dma_start3A_74 : memref<10240x128xf32, #tpu.memory_space<vmem_shared>>) offsets(%dma_start3A_71 : memref<128xi32, #tpu.memory_space<vmem>>) semaphore(%run_scoped3A : memref<!tpu.dma_semaphore, #tpu.memory_space<semaphore_mem>>) {add = true}
        %dma_wait3A_75 = arith.constant 0 : i32
        %dma_wait3A_76 = tpu.memref_slice %arg9[%add3A_68, %dma_wait3A_75] : memref<40x128xi32, #tpu.memory_space<vmem>> -> memref<1x128xi32, #tpu.memory_space<vmem>>
        %dma_wait3A_77 = tpu.memref_squeeze %dma_wait3A_76 : memref<1x128xi32, #tpu.memory_space<vmem>> -> memref<128xi32, #tpu.memory_space<vmem>>
        %dma_wait3A_78 = arith.constant 0 : i32
        %dma_wait3A_79 = arith.constant 0 : i32
        %dma_wait3A_80 = tpu.memref_slice %arg7[%dma_wait3A_78, %dma_wait3A_79] : memref<10240x128xf32, #tpu.memory_space<vmem_shared>> -> memref<10240x128xf32, #tpu.memory_space<vmem_shared>>
        tpu.wait_indirect_dma semaphore(%run_scoped3A : memref<!tpu.dma_semaphore, #tpu.memory_space<semaphore_mem>>) src(%arg11 : memref<128x128xf32, #tpu.memory_space<vmem>>) dst(%dma_wait3A_80 : memref<10240x128xf32, #tpu.memory_space<vmem_shared>>)
        tpu.yield
      }) : () -> ()
    }
    %scan3A_21 = arith.constant 20 : i32
    %barrier3A_22 = arith.constant 0 : index
    tpu.barrier barrier_id(%barrier3A_22)
    "tpu.region"() ({
      %run_scoped3A = tpu.sem_alloc : memref<!tpu.dma_semaphore, #tpu.memory_space<semaphore_mem>>
      %dma_start3A_23 = arith.constant 0 : i32
      %dma_start3A_24 = arith.constant 0 : i32
      %dma_start3A_25 = tpu.memref_slice %arg6[%arg0, %dma_start3A_23, %dma_start3A_24] : memref<2x10240x128xf32, #tpu.memory_space<hbm>> -> memref<1x10240x128xf32, #tpu.memory_space<hbm>>
      %dma_start3A_26 = tpu.memref_squeeze %dma_start3A_25 : memref<1x10240x128xf32, #tpu.memory_space<hbm>> -> memref<10240x128xf32, #tpu.memory_space<hbm>>
      %dma_start3A_27 = arith.constant 0 : i32
      %dma_start3A_28 = tpu.memref_slice %dma_start3A_26[%multiple_of3A, %dma_start3A_27] : memref<10240x128xf32, #tpu.memory_space<hbm>> -> memref<640x128xf32, #tpu.memory_space<hbm>>
      %dma_start3A_29 = arith.constant 0 : i32
      %dma_start3A_30 = tpu.memref_slice %arg7[%multiple_of3A, %dma_start3A_29] : memref<10240x128xf32, #tpu.memory_space<vmem_shared>> -> memref<640x128xf32, #tpu.memory_space<vmem_shared>>
      tpu.enqueue_dma source(%dma_start3A_30 : memref<640x128xf32, #tpu.memory_space<vmem_shared>>) target(%dma_start3A_28 : memref<640x128xf32, #tpu.memory_space<hbm>>) target_semaphore(%run_scoped3A : memref<!tpu.dma_semaphore, #tpu.memory_space<semaphore_mem>>)
      %dma_wait3A_31 = arith.constant 0 : i32
      %dma_wait3A_32 = arith.constant 0 : i32
      %dma_wait3A_33 = tpu.memref_slice %arg6[%arg0, %dma_wait3A_31, %dma_wait3A_32] : memref<2x10240x128xf32, #tpu.memory_space<hbm>> -> memref<1x10240x128xf32, #tpu.memory_space<hbm>>
      %dma_wait3A_34 = tpu.memref_squeeze %dma_wait3A_33 : memref<1x10240x128xf32, #tpu.memory_space<hbm>> -> memref<10240x128xf32, #tpu.memory_space<hbm>>
      %dma_wait3A_35 = arith.constant 0 : i32
      %dma_wait3A_36 = tpu.memref_slice %dma_wait3A_34[%multiple_of3A, %dma_wait3A_35] : memref<10240x128xf32, #tpu.memory_space<hbm>> -> memref<640x128xf32, #tpu.memory_space<hbm>>
      %dma_wait3A_37 = arith.constant 0 : i32
      %dma_wait3A_38 = tpu.memref_slice %arg7[%multiple_of3A, %dma_wait3A_37] : memref<10240x128xf32, #tpu.memory_space<vmem_shared>> -> memref<640x128xf32, #tpu.memory_space<vmem_shared>>
      tpu.wait_dma2 semaphore(%run_scoped3A : memref<!tpu.dma_semaphore, #tpu.memory_space<semaphore_mem>>) src(%dma_wait3A_38 : memref<640x128xf32, #tpu.memory_space<vmem_shared>>) dst(%dma_wait3A_36 : memref<640x128xf32, #tpu.memory_space<hbm>>)
      tpu.yield
    }) : () -> ()
    return
  }
}

#map = affine_map<(d0, d1) -> (0, 0, 0)>
#map1 = affine_map<(d0, d1) -> (0, 0)>
module attributes {stable_mosaic.version = 14 : i64} {
  func.func @_spmm_body(%arg0: i32, %arg1: i32, %arg2: memref<2x10240x128xf32, #tpu.memory_space<hbm>>, %arg3: memref<2x10240x128xf32, #tpu.memory_space<hbm>>, %arg4: memref<640x128xi32, #tpu.memory_space<hbm>>, %arg5: memref<640x128xi32, #tpu.memory_space<hbm>>, %arg6: memref<2x10240x128xf32, #tpu.memory_space<hbm>>, %arg7: memref<10240x128xf32, #tpu.memory_space<vmem_shared>>, %arg8: memref<40x128xi32, #tpu.memory_space<vmem>>, %arg9: memref<40x128xi32, #tpu.memory_space<vmem>>, %arg10: memref<128x128xf32, #tpu.memory_space<vmem>>, %arg11: memref<128x128xf32, #tpu.memory_space<vmem>>, %arg12: memref<!tpu.dma_semaphore, #tpu.memory_space<semaphore_mem>>, %arg13: memref<!tpu.dma_semaphore, #tpu.memory_space<semaphore_mem>>) attributes {dimension_semantics = [#tpu.dimension_semantics<core_parallel>, #tpu.dimension_semantics<subcore_parallel>], iteration_bounds = array<i64: 2, 16>, scalar_prefetch = 0 : i64, scratch_operands = 7 : i64, tpu.core_type = #tpu.core_type<sc_vector_subcore>, window_params = [{transform_indices = #map}, {transform_indices = #map}, {transform_indices = #map1}, {transform_indices = #map1}, {transform_indices = #map}]} {
    %mul3A = arith.constant 640 : i32
    %mul3A_0 = arith.muli %arg1, %mul3A : i32
    %multiple_of3A = tpu.assume_multiple %mul3A_0, 8 : i32
    %mul3A_1 = arith.constant 40 : i32
    %mul3A_2 = arith.muli %arg1, %mul3A_1 : i32
    %multiple_of3A_3 = tpu.assume_multiple %mul3A_2, 8 : i32
    %dma_start3A = arith.constant 0 : i32
    %dma_start3A_4 = tpu.memref_slice %arg4[%multiple_of3A_3, %dma_start3A] : memref<640x128xi32, #tpu.memory_space<hbm>> -> memref<40x128xi32, #tpu.memory_space<hbm>>
    %dma_start3A_5 = arith.constant 0 : i32
    %dma_start3A_6 = tpu.memref_slice %arg4[%multiple_of3A_3, %dma_start3A_5] : memref<640x128xi32, #tpu.memory_space<hbm>> -> memref<40x128xi32, #tpu.memory_space<hbm>>
    tpu.enqueue_dma source(%dma_start3A_6 : memref<40x128xi32, #tpu.memory_space<hbm>>) target(%arg8 : memref<40x128xi32, #tpu.memory_space<vmem>>) target_semaphore(%arg12 : memref<!tpu.dma_semaphore, #tpu.memory_space<semaphore_mem>>)
    %dma_wait3A = arith.constant 0 : i32
    %dma_wait3A_7 = tpu.memref_slice %arg4[%multiple_of3A_3, %dma_wait3A] : memref<640x128xi32, #tpu.memory_space<hbm>> -> memref<40x128xi32, #tpu.memory_space<hbm>>
    %dma_wait3A_8 = arith.constant 0 : i32
    %dma_wait3A_9 = tpu.memref_slice %arg4[%multiple_of3A_3, %dma_wait3A_8] : memref<640x128xi32, #tpu.memory_space<hbm>> -> memref<40x128xi32, #tpu.memory_space<hbm>>
    tpu.wait_dma2 semaphore(%arg12 : memref<!tpu.dma_semaphore, #tpu.memory_space<semaphore_mem>>) src(%dma_wait3A_9 : memref<40x128xi32, #tpu.memory_space<hbm>>) dst(%arg8 : memref<40x128xi32, #tpu.memory_space<vmem>>)
    %dma_start3A_10 = arith.constant 0 : i32
    %dma_start3A_11 = tpu.memref_slice %arg5[%multiple_of3A_3, %dma_start3A_10] : memref<640x128xi32, #tpu.memory_space<hbm>> -> memref<40x128xi32, #tpu.memory_space<hbm>>
    %dma_start3A_12 = arith.constant 0 : i32
    %dma_start3A_13 = tpu.memref_slice %arg5[%multiple_of3A_3, %dma_start3A_12] : memref<640x128xi32, #tpu.memory_space<hbm>> -> memref<40x128xi32, #tpu.memory_space<hbm>>
    tpu.enqueue_dma source(%dma_start3A_13 : memref<40x128xi32, #tpu.memory_space<hbm>>) target(%arg9 : memref<40x128xi32, #tpu.memory_space<vmem>>) target_semaphore(%arg12 : memref<!tpu.dma_semaphore, #tpu.memory_space<semaphore_mem>>)
    %dma_wait3A_14 = arith.constant 0 : i32
    %dma_wait3A_15 = tpu.memref_slice %arg5[%multiple_of3A_3, %dma_wait3A_14] : memref<640x128xi32, #tpu.memory_space<hbm>> -> memref<40x128xi32, #tpu.memory_space<hbm>>
    %dma_wait3A_16 = arith.constant 0 : i32
    %dma_wait3A_17 = tpu.memref_slice %arg5[%multiple_of3A_3, %dma_wait3A_16] : memref<640x128xi32, #tpu.memory_space<hbm>> -> memref<40x128xi32, #tpu.memory_space<hbm>>
    tpu.wait_dma2 semaphore(%arg12 : memref<!tpu.dma_semaphore, #tpu.memory_space<semaphore_mem>>) src(%dma_wait3A_17 : memref<40x128xi32, #tpu.memory_space<hbm>>) dst(%arg9 : memref<40x128xi32, #tpu.memory_space<vmem>>)
    "tpu.region"() ({
      %run_scoped3A = tpu.sem_alloc : memref<!tpu.dma_semaphore, #tpu.memory_space<semaphore_mem>>
      %dma_start3A_23 = arith.constant 0 : i32
      %dma_start3A_24 = tpu.memref_slice %arg7[%multiple_of3A, %dma_start3A_23] : memref<10240x128xf32, #tpu.memory_space<vmem_shared>> -> memref<640x128xf32, #tpu.memory_space<vmem_shared>>
      %dma_start3A_25 = arith.constant 0 : i32
      %dma_start3A_26 = arith.constant 0 : i32
      %dma_start3A_27 = tpu.memref_slice %arg3[%arg0, %dma_start3A_25, %dma_start3A_26] : memref<2x10240x128xf32, #tpu.memory_space<hbm>> -> memref<1x10240x128xf32, #tpu.memory_space<hbm>>
      %dma_start3A_28 = tpu.memref_squeeze %dma_start3A_27 : memref<1x10240x128xf32, #tpu.memory_space<hbm>> -> memref<10240x128xf32, #tpu.memory_space<hbm>>
      %dma_start3A_29 = arith.constant 0 : i32
      %dma_start3A_30 = tpu.memref_slice %dma_start3A_28[%multiple_of3A, %dma_start3A_29] : memref<10240x128xf32, #tpu.memory_space<hbm>> -> memref<640x128xf32, #tpu.memory_space<hbm>>
      tpu.enqueue_dma source(%dma_start3A_30 : memref<640x128xf32, #tpu.memory_space<hbm>>) target(%dma_start3A_24 : memref<640x128xf32, #tpu.memory_space<vmem_shared>>) target_semaphore(%run_scoped3A : memref<!tpu.dma_semaphore, #tpu.memory_space<semaphore_mem>>)
      %dma_wait3A_31 = arith.constant 0 : i32
      %dma_wait3A_32 = tpu.memref_slice %arg7[%multiple_of3A, %dma_wait3A_31] : memref<10240x128xf32, #tpu.memory_space<vmem_shared>> -> memref<640x128xf32, #tpu.memory_space<vmem_shared>>
      %dma_wait3A_33 = arith.constant 0 : i32
      %dma_wait3A_34 = arith.constant 0 : i32
      %dma_wait3A_35 = tpu.memref_slice %arg3[%arg0, %dma_wait3A_33, %dma_wait3A_34] : memref<2x10240x128xf32, #tpu.memory_space<hbm>> -> memref<1x10240x128xf32, #tpu.memory_space<hbm>>
      %dma_wait3A_36 = tpu.memref_squeeze %dma_wait3A_35 : memref<1x10240x128xf32, #tpu.memory_space<hbm>> -> memref<10240x128xf32, #tpu.memory_space<hbm>>
      %dma_wait3A_37 = arith.constant 0 : i32
      %dma_wait3A_38 = tpu.memref_slice %dma_wait3A_36[%multiple_of3A, %dma_wait3A_37] : memref<10240x128xf32, #tpu.memory_space<hbm>> -> memref<640x128xf32, #tpu.memory_space<hbm>>
      tpu.wait_dma2 semaphore(%run_scoped3A : memref<!tpu.dma_semaphore, #tpu.memory_space<semaphore_mem>>) src(%dma_wait3A_38 : memref<640x128xf32, #tpu.memory_space<hbm>>) dst(%dma_wait3A_32 : memref<640x128xf32, #tpu.memory_space<vmem_shared>>)
      tpu.yield
    }) : () -> ()
    %barrier3A = arith.constant 0 : index
    tpu.barrier barrier_id(%barrier3A)
    %scan3A = arith.constant 0 : i32
    %scan3A_18 = arith.constant 20 : i32
    %scan3A_19 = arith.addi %scan3A, %scan3A_18 : i32
    %scan3A_20 = arith.constant 1 : i32
    scf.for %scan3A_23 = %scan3A to %scan3A_19 step %scan3A_20  : i32 {
      %mul3A_24 = arith.constant 2 : i32
      %mul3A_25 = arith.muli %scan3A_23, %mul3A_24 : i32
      %dma_start3A_26 = arith.constant 0 : i32
      %dma_start3A_27 = tpu.memref_slice %arg8[%mul3A_25, %dma_start3A_26] : memref<40x128xi32, #tpu.memory_space<vmem>> -> memref<1x128xi32, #tpu.memory_space<vmem>>
      %dma_start3A_28 = tpu.memref_squeeze %dma_start3A_27 : memref<1x128xi32, #tpu.memory_space<vmem>> -> memref<128xi32, #tpu.memory_space<vmem>>
      %dma_start3A_29 = arith.constant 0 : i32
      %dma_start3A_30 = arith.constant 0 : i32
      %dma_start3A_31 = tpu.memref_slice %arg2[%arg0, %dma_start3A_29, %dma_start3A_30] : memref<2x10240x128xf32, #tpu.memory_space<hbm>> -> memref<1x10240x128xf32, #tpu.memory_space<hbm>>
      %dma_start3A_32 = tpu.memref_squeeze %dma_start3A_31 : memref<1x10240x128xf32, #tpu.memory_space<hbm>> -> memref<10240x128xf32, #tpu.memory_space<hbm>>
      %dma_start3A_33 = arith.constant 0 : i32
      %dma_start3A_34 = arith.constant 0 : i32
      %dma_start3A_35 = tpu.memref_slice %dma_start3A_32[%dma_start3A_33, %dma_start3A_34] : memref<10240x128xf32, #tpu.memory_space<hbm>> -> memref<10240x128xf32, #tpu.memory_space<hbm>>
      tpu.enqueue_indirect_dma source(%dma_start3A_35 : memref<10240x128xf32, #tpu.memory_space<hbm>>) target(%arg10 : memref<128x128xf32, #tpu.memory_space<vmem>>) offsets(%dma_start3A_28 : memref<128xi32, #tpu.memory_space<vmem>>) semaphore(%arg13 : memref<!tpu.dma_semaphore, #tpu.memory_space<semaphore_mem>>)
      %add3A = arith.constant 1 : i32
      %add3A_36 = arith.addi %mul3A_25, %add3A : i32
      %dma_start3A_37 = arith.constant 0 : i32
      %dma_start3A_38 = tpu.memref_slice %arg8[%add3A_36, %dma_start3A_37] : memref<40x128xi32, #tpu.memory_space<vmem>> -> memref<1x128xi32, #tpu.memory_space<vmem>>
      %dma_start3A_39 = tpu.memref_squeeze %dma_start3A_38 : memref<1x128xi32, #tpu.memory_space<vmem>> -> memref<128xi32, #tpu.memory_space<vmem>>
      %dma_start3A_40 = arith.constant 0 : i32
      %dma_start3A_41 = arith.constant 0 : i32
      %dma_start3A_42 = tpu.memref_slice %arg2[%arg0, %dma_start3A_40, %dma_start3A_41] : memref<2x10240x128xf32, #tpu.memory_space<hbm>> -> memref<1x10240x128xf32, #tpu.memory_space<hbm>>
      %dma_start3A_43 = tpu.memref_squeeze %dma_start3A_42 : memref<1x10240x128xf32, #tpu.memory_space<hbm>> -> memref<10240x128xf32, #tpu.memory_space<hbm>>
      %dma_start3A_44 = arith.constant 0 : i32
      %dma_start3A_45 = arith.constant 0 : i32
      %dma_start3A_46 = tpu.memref_slice %dma_start3A_43[%dma_start3A_44, %dma_start3A_45] : memref<10240x128xf32, #tpu.memory_space<hbm>> -> memref<10240x128xf32, #tpu.memory_space<hbm>>
      tpu.enqueue_indirect_dma source(%dma_start3A_46 : memref<10240x128xf32, #tpu.memory_space<hbm>>) target(%arg11 : memref<128x128xf32, #tpu.memory_space<vmem>>) offsets(%dma_start3A_39 : memref<128xi32, #tpu.memory_space<vmem>>) semaphore(%arg13 : memref<!tpu.dma_semaphore, #tpu.memory_space<semaphore_mem>>)
      %dma_wait3A_47 = arith.constant 0 : i32
      %dma_wait3A_48 = tpu.memref_slice %arg8[%mul3A_25, %dma_wait3A_47] : memref<40x128xi32, #tpu.memory_space<vmem>> -> memref<1x128xi32, #tpu.memory_space<vmem>>
      %dma_wait3A_49 = tpu.memref_squeeze %dma_wait3A_48 : memref<1x128xi32, #tpu.memory_space<vmem>> -> memref<128xi32, #tpu.memory_space<vmem>>
      %dma_wait3A_50 = arith.constant 0 : i32
      %dma_wait3A_51 = arith.constant 0 : i32
      %dma_wait3A_52 = tpu.memref_slice %arg2[%arg0, %dma_wait3A_50, %dma_wait3A_51] : memref<2x10240x128xf32, #tpu.memory_space<hbm>> -> memref<1x10240x128xf32, #tpu.memory_space<hbm>>
      %dma_wait3A_53 = tpu.memref_squeeze %dma_wait3A_52 : memref<1x10240x128xf32, #tpu.memory_space<hbm>> -> memref<10240x128xf32, #tpu.memory_space<hbm>>
      %dma_wait3A_54 = arith.constant 0 : i32
      %dma_wait3A_55 = arith.constant 0 : i32
      %dma_wait3A_56 = tpu.memref_slice %dma_wait3A_53[%dma_wait3A_54, %dma_wait3A_55] : memref<10240x128xf32, #tpu.memory_space<hbm>> -> memref<10240x128xf32, #tpu.memory_space<hbm>>
      tpu.wait_indirect_dma semaphore(%arg13 : memref<!tpu.dma_semaphore, #tpu.memory_space<semaphore_mem>>) src(%dma_wait3A_56 : memref<10240x128xf32, #tpu.memory_space<hbm>>) dst(%arg10 : memref<128x128xf32, #tpu.memory_space<vmem>>)
      %dma_wait3A_57 = arith.constant 0 : i32
      %dma_wait3A_58 = tpu.memref_slice %arg8[%add3A_36, %dma_wait3A_57] : memref<40x128xi32, #tpu.memory_space<vmem>> -> memref<1x128xi32, #tpu.memory_space<vmem>>
      %dma_wait3A_59 = tpu.memref_squeeze %dma_wait3A_58 : memref<1x128xi32, #tpu.memory_space<vmem>> -> memref<128xi32, #tpu.memory_space<vmem>>
      %dma_wait3A_60 = arith.constant 0 : i32
      %dma_wait3A_61 = arith.constant 0 : i32
      %dma_wait3A_62 = tpu.memref_slice %arg2[%arg0, %dma_wait3A_60, %dma_wait3A_61] : memref<2x10240x128xf32, #tpu.memory_space<hbm>> -> memref<1x10240x128xf32, #tpu.memory_space<hbm>>
      %dma_wait3A_63 = tpu.memref_squeeze %dma_wait3A_62 : memref<1x10240x128xf32, #tpu.memory_space<hbm>> -> memref<10240x128xf32, #tpu.memory_space<hbm>>
      %dma_wait3A_64 = arith.constant 0 : i32
      %dma_wait3A_65 = arith.constant 0 : i32
      %dma_wait3A_66 = tpu.memref_slice %dma_wait3A_63[%dma_wait3A_64, %dma_wait3A_65] : memref<10240x128xf32, #tpu.memory_space<hbm>> -> memref<10240x128xf32, #tpu.memory_space<hbm>>
      tpu.wait_indirect_dma semaphore(%arg13 : memref<!tpu.dma_semaphore, #tpu.memory_space<semaphore_mem>>) src(%dma_wait3A_66 : memref<10240x128xf32, #tpu.memory_space<hbm>>) dst(%arg11 : memref<128x128xf32, #tpu.memory_space<vmem>>)
      "tpu.region"() ({
        %run_scoped3A = tpu.sem_alloc : memref<!tpu.dma_semaphore, #tpu.memory_space<semaphore_mem>>
        %dma_start3A_69 = arith.constant 0 : i32
        %dma_start3A_70 = tpu.memref_slice %arg9[%mul3A_25, %dma_start3A_69] : memref<40x128xi32, #tpu.memory_space<vmem>> -> memref<1x128xi32, #tpu.memory_space<vmem>>
        %dma_start3A_71 = tpu.memref_squeeze %dma_start3A_70 : memref<1x128xi32, #tpu.memory_space<vmem>> -> memref<128xi32, #tpu.memory_space<vmem>>
        %dma_start3A_72 = arith.constant 0 : i32
        %dma_start3A_73 = arith.constant 0 : i32
        %dma_start3A_74 = tpu.memref_slice %arg7[%dma_start3A_72, %dma_start3A_73] : memref<10240x128xf32, #tpu.memory_space<vmem_shared>> -> memref<10240x128xf32, #tpu.memory_space<vmem_shared>>
        tpu.enqueue_indirect_dma source(%arg10 : memref<128x128xf32, #tpu.memory_space<vmem>>) target(%dma_start3A_74 : memref<10240x128xf32, #tpu.memory_space<vmem_shared>>) offsets(%dma_start3A_71 : memref<128xi32, #tpu.memory_space<vmem>>) semaphore(%run_scoped3A : memref<!tpu.dma_semaphore, #tpu.memory_space<semaphore_mem>>) {add = true}
        %dma_wait3A_75 = arith.constant 0 : i32
        %dma_wait3A_76 = tpu.memref_slice %arg9[%mul3A_25, %dma_wait3A_75] : memref<40x128xi32, #tpu.memory_space<vmem>> -> memref<1x128xi32, #tpu.memory_space<vmem>>
        %dma_wait3A_77 = tpu.memref_squeeze %dma_wait3A_76 : memref<1x128xi32, #tpu.memory_space<vmem>> -> memref<128xi32, #tpu.memory_space<vmem>>
        %dma_wait3A_78 = arith.constant 0 : i32
        %dma_wait3A_79 = arith.constant 0 : i32
        %dma_wait3A_80 = tpu.memref_slice %arg7[%dma_wait3A_78, %dma_wait3A_79] : memref<10240x128xf32, #tpu.memory_space<vmem_shared>> -> memref<10240x128xf32, #tpu.memory_space<vmem_shared>>
        tpu.wait_indirect_dma semaphore(%run_scoped3A : memref<!tpu.dma_semaphore, #tpu.memory_space<semaphore_mem>>) src(%arg10 : memref<128x128xf32, #tpu.memory_space<vmem>>) dst(%dma_wait3A_80 : memref<10240x128xf32, #tpu.memory_space<vmem_shared>>)
        tpu.yield
      }) : () -> ()
      %add3A_67 = arith.constant 1 : i32
      %add3A_68 = arith.addi %mul3A_25, %add3A_67 : i32
      "tpu.region"() ({
        %run_scoped3A = tpu.sem_alloc : memref<!tpu.dma_semaphore, #tpu.memory_space<semaphore_mem>>
        %dma_start3A_69 = arith.constant 0 : i32
        %dma_start3A_70 = tpu.memref_slice %arg9[%add3A_68, %dma_start3A_69] : memref<40x128xi32, #tpu.memory_space<vmem>> -> memref<1x128xi32, #tpu.memory_space<vmem>>
        %dma_start3A_71 = tpu.memref_squeeze %dma_start3A_70 : memref<1x128xi32, #tpu.memory_space<vmem>> -> memref<128xi32, #tpu.memory_space<vmem>>
        %dma_start3A_72 = arith.constant 0 : i32
        %dma_start3A_73 = arith.constant 0 : i32
        %dma_start3A_74 = tpu.memref_slice %arg7[%dma_start3A_72, %dma_start3A_73] : memref<10240x128xf32, #tpu.memory_space<vmem_shared>> -> memref<10240x128xf32, #tpu.memory_space<vmem_shared>>
        tpu.enqueue_indirect_dma source(%arg11 : memref<128x128xf32, #tpu.memory_space<vmem>>) target(%dma_start3A_74 : memref<10240x128xf32, #tpu.memory_space<vmem_shared>>) offsets(%dma_start3A_71 : memref<128xi32, #tpu.memory_space<vmem>>) semaphore(%run_scoped3A : memref<!tpu.dma_semaphore, #tpu.memory_space<semaphore_mem>>) {add = true}
        %dma_wait3A_75 = arith.constant 0 : i32
        %dma_wait3A_76 = tpu.memref_slice %arg9[%add3A_68, %dma_wait3A_75] : memref<40x128xi32, #tpu.memory_space<vmem>> -> memref<1x128xi32, #tpu.memory_space<vmem>>
        %dma_wait3A_77 = tpu.memref_squeeze %dma_wait3A_76 : memref<1x128xi32, #tpu.memory_space<vmem>> -> memref<128xi32, #tpu.memory_space<vmem>>
        %dma_wait3A_78 = arith.constant 0 : i32
        %dma_wait3A_79 = arith.constant 0 : i32
        %dma_wait3A_80 = tpu.memref_slice %arg7[%dma_wait3A_78, %dma_wait3A_79] : memref<10240x128xf32, #tpu.memory_space<vmem_shared>> -> memref<10240x128xf32, #tpu.memory_space<vmem_shared>>
        tpu.wait_indirect_dma semaphore(%run_scoped3A : memref<!tpu.dma_semaphore, #tpu.memory_space<semaphore_mem>>) src(%arg11 : memref<128x128xf32, #tpu.memory_space<vmem>>) dst(%dma_wait3A_80 : memref<10240x128xf32, #tpu.memory_space<vmem_shared>>)
        tpu.yield
      }) : () -> ()
    }
    %scan3A_21 = arith.constant 20 : i32
    %barrier3A_22 = arith.constant 0 : index
    tpu.barrier barrier_id(%barrier3A_22)
    "tpu.region"() ({
      %run_scoped3A = tpu.sem_alloc : memref<!tpu.dma_semaphore, #tpu.memory_space<semaphore_mem>>
      %dma_start3A_23 = arith.constant 0 : i32
      %dma_start3A_24 = arith.constant 0 : i32
      %dma_start3A_25 = tpu.memref_slice %arg6[%arg0, %dma_start3A_23, %dma_start3A_24] : memref<2x10240x128xf32, #tpu.memory_space<hbm>> -> memref<1x10240x128xf32, #tpu.memory_space<hbm>>
      %dma_start3A_26 = tpu.memref_squeeze %dma_start3A_25 : memref<1x10240x128xf32, #tpu.memory_space<hbm>> -> memref<10240x128xf32, #tpu.memory_space<hbm>>
      %dma_start3A_27 = arith.constant 0 : i32
      %dma_start3A_28 = tpu.memref_slice %dma_start3A_26[%multiple_of3A, %dma_start3A_27] : memref<10240x128xf32, #tpu.memory_space<hbm>> -> memref<640x128xf32, #tpu.memory_space<hbm>>
      %dma_start3A_29 = arith.constant 0 : i32
      %dma_start3A_30 = tpu.memref_slice %arg7[%multiple_of3A, %dma_start3A_29] : memref<10240x128xf32, #tpu.memory_space<vmem_shared>> -> memref<640x128xf32, #tpu.memory_space<vmem_shared>>
      tpu.enqueue_dma source(%dma_start3A_30 : memref<640x128xf32, #tpu.memory_space<vmem_shared>>) target(%dma_start3A_28 : memref<640x128xf32, #tpu.memory_space<hbm>>) target_semaphore(%run_scoped3A : memref<!tpu.dma_semaphore, #tpu.memory_space<semaphore_mem>>)
      %dma_wait3A_31 = arith.constant 0 : i32
      %dma_wait3A_32 = arith.constant 0 : i32
      %dma_wait3A_33 = tpu.memref_slice %arg6[%arg0, %dma_wait3A_31, %dma_wait3A_32] : memref<2x10240x128xf32, #tpu.memory_space<hbm>> -> memref<1x10240x128xf32, #tpu.memory_space<hbm>>
      %dma_wait3A_34 = tpu.memref_squeeze %dma_wait3A_33 : memref<1x10240x128xf32, #tpu.memory_space<hbm>> -> memref<10240x128xf32, #tpu.memory_space<hbm>>
      %dma_wait3A_35 = arith.constant 0 : i32
      %dma_wait3A_36 = tpu.memref_slice %dma_wait3A_34[%multiple_of3A, %dma_wait3A_35] : memref<10240x128xf32, #tpu.memory_space<hbm>> -> memref<640x128xf32, #tpu.memory_space<hbm>>
      %dma_wait3A_37 = arith.constant 0 : i32
      %dma_wait3A_38 = tpu.memref_slice %arg7[%multiple_of3A, %dma_wait3A_37] : memref<10240x128xf32, #tpu.memory_space<vmem_shared>> -> memref<640x128xf32, #tpu.memory_space<vmem_shared>>
      tpu.wait_dma2 semaphore(%run_scoped3A : memref<!tpu.dma_semaphore, #tpu.memory_space<semaphore_mem>>) src(%dma_wait3A_38 : memref<640x128xf32, #tpu.memory_space<vmem_shared>>) dst(%dma_wait3A_36 : memref<640x128xf32, #tpu.memory_space<hbm>>)
      tpu.yield
    }) : () -> ()
    return
  }
}

#map = affine_map<(d0, d1) -> (0, 0, 0)>
#map1 = affine_map<(d0, d1) -> (0, 0)>
module attributes {stable_mosaic.version = 14 : i64} {
  func.func @_spmm_body(%arg0: i32, %arg1: i32, %arg2: memref<2x10240x128xf32, #tpu.memory_space<hbm>>, %arg3: memref<2x10240x128xf32, #tpu.memory_space<hbm>>, %arg4: memref<640x128xi32, #tpu.memory_space<hbm>>, %arg5: memref<640x128xi32, #tpu.memory_space<hbm>>, %arg6: memref<2x10240x128xf32, #tpu.memory_space<hbm>>, %arg7: memref<10240x128xf32, #tpu.memory_space<vmem_shared>>, %arg8: memref<40x128xi32, #tpu.memory_space<vmem>>, %arg9: memref<40x128xi32, #tpu.memory_space<vmem>>, %arg10: memref<128x128xf32, #tpu.memory_space<vmem>>, %arg11: memref<128x128xf32, #tpu.memory_space<vmem>>, %arg12: memref<!tpu.dma_semaphore, #tpu.memory_space<semaphore_mem>>, %arg13: memref<!tpu.dma_semaphore, #tpu.memory_space<semaphore_mem>>) attributes {dimension_semantics = [#tpu.dimension_semantics<core_parallel>, #tpu.dimension_semantics<subcore_parallel>], iteration_bounds = array<i64: 2, 16>, scalar_prefetch = 0 : i64, scratch_operands = 7 : i64, tpu.core_type = #tpu.core_type<sc_vector_subcore>, window_params = [{transform_indices = #map}, {transform_indices = #map}, {transform_indices = #map1}, {transform_indices = #map1}, {transform_indices = #map}]} {
    %mul3A = arith.constant 640 : i32
    %mul3A_0 = arith.muli %arg1, %mul3A : i32
    %multiple_of3A = tpu.assume_multiple %mul3A_0, 8 : i32
    %mul3A_1 = arith.constant 40 : i32
    %mul3A_2 = arith.muli %arg1, %mul3A_1 : i32
    %multiple_of3A_3 = tpu.assume_multiple %mul3A_2, 8 : i32
    %dma_start3A = arith.constant 0 : i32
    %dma_start3A_4 = tpu.memref_slice %arg4[%multiple_of3A_3, %dma_start3A] : memref<640x128xi32, #tpu.memory_space<hbm>> -> memref<40x128xi32, #tpu.memory_space<hbm>>
    %dma_start3A_5 = arith.constant 0 : i32
    %dma_start3A_6 = tpu.memref_slice %arg4[%multiple_of3A_3, %dma_start3A_5] : memref<640x128xi32, #tpu.memory_space<hbm>> -> memref<40x128xi32, #tpu.memory_space<hbm>>
    tpu.enqueue_dma source(%dma_start3A_6 : memref<40x128xi32, #tpu.memory_space<hbm>>) target(%arg8 : memref<40x128xi32, #tpu.memory_space<vmem>>) target_semaphore(%arg12 : memref<!tpu.dma_semaphore, #tpu.memory_space<semaphore_mem>>)
    %dma_wait3A = arith.constant 0 : i32
    %dma_wait3A_7 = tpu.memref_slice %arg4[%multiple_of3A_3, %dma_wait3A] : memref<640x128xi32, #tpu.memory_space<hbm>> -> memref<40x128xi32, #tpu.memory_space<hbm>>
    %dma_wait3A_8 = arith.constant 0 : i32
    %dma_wait3A_9 = tpu.memref_slice %arg4[%multiple_of3A_3, %dma_wait3A_8] : memref<640x128xi32, #tpu.memory_space<hbm>> -> memref<40x128xi32, #tpu.memory_space<hbm>>
    tpu.wait_dma2 semaphore(%arg12 : memref<!tpu.dma_semaphore, #tpu.memory_space<semaphore_mem>>) src(%dma_wait3A_9 : memref<40x128xi32, #tpu.memory_space<hbm>>) dst(%arg8 : memref<40x128xi32, #tpu.memory_space<vmem>>)
    %dma_start3A_10 = arith.constant 0 : i32
    %dma_start3A_11 = tpu.memref_slice %arg5[%multiple_of3A_3, %dma_start3A_10] : memref<640x128xi32, #tpu.memory_space<hbm>> -> memref<40x128xi32, #tpu.memory_space<hbm>>
    %dma_start3A_12 = arith.constant 0 : i32
    %dma_start3A_13 = tpu.memref_slice %arg5[%multiple_of3A_3, %dma_start3A_12] : memref<640x128xi32, #tpu.memory_space<hbm>> -> memref<40x128xi32, #tpu.memory_space<hbm>>
    tpu.enqueue_dma source(%dma_start3A_13 : memref<40x128xi32, #tpu.memory_space<hbm>>) target(%arg9 : memref<40x128xi32, #tpu.memory_space<vmem>>) target_semaphore(%arg12 : memref<!tpu.dma_semaphore, #tpu.memory_space<semaphore_mem>>)
    %dma_wait3A_14 = arith.constant 0 : i32
    %dma_wait3A_15 = tpu.memref_slice %arg5[%multiple_of3A_3, %dma_wait3A_14] : memref<640x128xi32, #tpu.memory_space<hbm>> -> memref<40x128xi32, #tpu.memory_space<hbm>>
    %dma_wait3A_16 = arith.constant 0 : i32
    %dma_wait3A_17 = tpu.memref_slice %arg5[%multiple_of3A_3, %dma_wait3A_16] : memref<640x128xi32, #tpu.memory_space<hbm>> -> memref<40x128xi32, #tpu.memory_space<hbm>>
    tpu.wait_dma2 semaphore(%arg12 : memref<!tpu.dma_semaphore, #tpu.memory_space<semaphore_mem>>) src(%dma_wait3A_17 : memref<40x128xi32, #tpu.memory_space<hbm>>) dst(%arg9 : memref<40x128xi32, #tpu.memory_space<vmem>>)
    "tpu.region"() ({
      %run_scoped3A = tpu.sem_alloc : memref<!tpu.dma_semaphore, #tpu.memory_space<semaphore_mem>>
      %dma_start3A_23 = arith.constant 0 : i32
      %dma_start3A_24 = tpu.memref_slice %arg7[%multiple_of3A, %dma_start3A_23] : memref<10240x128xf32, #tpu.memory_space<vmem_shared>> -> memref<640x128xf32, #tpu.memory_space<vmem_shared>>
      %dma_start3A_25 = arith.constant 0 : i32
      %dma_start3A_26 = arith.constant 0 : i32
      %dma_start3A_27 = tpu.memref_slice %arg3[%arg0, %dma_start3A_25, %dma_start3A_26] : memref<2x10240x128xf32, #tpu.memory_space<hbm>> -> memref<1x10240x128xf32, #tpu.memory_space<hbm>>
      %dma_start3A_28 = tpu.memref_squeeze %dma_start3A_27 : memref<1x10240x128xf32, #tpu.memory_space<hbm>> -> memref<10240x128xf32, #tpu.memory_space<hbm>>
      %dma_start3A_29 = arith.constant 0 : i32
      %dma_start3A_30 = tpu.memref_slice %dma_start3A_28[%multiple_of3A, %dma_start3A_29] : memref<10240x128xf32, #tpu.memory_space<hbm>> -> memref<640x128xf32, #tpu.memory_space<hbm>>
      tpu.enqueue_dma source(%dma_start3A_30 : memref<640x128xf32, #tpu.memory_space<hbm>>) target(%dma_start3A_24 : memref<640x128xf32, #tpu.memory_space<vmem_shared>>) target_semaphore(%run_scoped3A : memref<!tpu.dma_semaphore, #tpu.memory_space<semaphore_mem>>)
      %dma_wait3A_31 = arith.constant 0 : i32
      %dma_wait3A_32 = tpu.memref_slice %arg7[%multiple_of3A, %dma_wait3A_31] : memref<10240x128xf32, #tpu.memory_space<vmem_shared>> -> memref<640x128xf32, #tpu.memory_space<vmem_shared>>
      %dma_wait3A_33 = arith.constant 0 : i32
      %dma_wait3A_34 = arith.constant 0 : i32
      %dma_wait3A_35 = tpu.memref_slice %arg3[%arg0, %dma_wait3A_33, %dma_wait3A_34] : memref<2x10240x128xf32, #tpu.memory_space<hbm>> -> memref<1x10240x128xf32, #tpu.memory_space<hbm>>
      %dma_wait3A_36 = tpu.memref_squeeze %dma_wait3A_35 : memref<1x10240x128xf32, #tpu.memory_space<hbm>> -> memref<10240x128xf32, #tpu.memory_space<hbm>>
      %dma_wait3A_37 = arith.constant 0 : i32
      %dma_wait3A_38 = tpu.memref_slice %dma_wait3A_36[%multiple_of3A, %dma_wait3A_37] : memref<10240x128xf32, #tpu.memory_space<hbm>> -> memref<640x128xf32, #tpu.memory_space<hbm>>
      tpu.wait_dma2 semaphore(%run_scoped3A : memref<!tpu.dma_semaphore, #tpu.memory_space<semaphore_mem>>) src(%dma_wait3A_38 : memref<640x128xf32, #tpu.memory_space<hbm>>) dst(%dma_wait3A_32 : memref<640x128xf32, #tpu.memory_space<vmem_shared>>)
      tpu.yield
    }) : () -> ()
    %barrier3A = arith.constant 0 : index
    tpu.barrier barrier_id(%barrier3A)
    %scan3A = arith.constant 0 : i32
    %scan3A_18 = arith.constant 20 : i32
    %scan3A_19 = arith.addi %scan3A, %scan3A_18 : i32
    %scan3A_20 = arith.constant 1 : i32
    scf.for %scan3A_23 = %scan3A to %scan3A_19 step %scan3A_20  : i32 {
      %mul3A_24 = arith.constant 2 : i32
      %mul3A_25 = arith.muli %scan3A_23, %mul3A_24 : i32
      %dma_start3A_26 = arith.constant 0 : i32
      %dma_start3A_27 = tpu.memref_slice %arg8[%mul3A_25, %dma_start3A_26] : memref<40x128xi32, #tpu.memory_space<vmem>> -> memref<1x128xi32, #tpu.memory_space<vmem>>
      %dma_start3A_28 = tpu.memref_squeeze %dma_start3A_27 : memref<1x128xi32, #tpu.memory_space<vmem>> -> memref<128xi32, #tpu.memory_space<vmem>>
      %dma_start3A_29 = arith.constant 0 : i32
      %dma_start3A_30 = arith.constant 0 : i32
      %dma_start3A_31 = tpu.memref_slice %arg2[%arg0, %dma_start3A_29, %dma_start3A_30] : memref<2x10240x128xf32, #tpu.memory_space<hbm>> -> memref<1x10240x128xf32, #tpu.memory_space<hbm>>
      %dma_start3A_32 = tpu.memref_squeeze %dma_start3A_31 : memref<1x10240x128xf32, #tpu.memory_space<hbm>> -> memref<10240x128xf32, #tpu.memory_space<hbm>>
      %dma_start3A_33 = arith.constant 0 : i32
      %dma_start3A_34 = arith.constant 0 : i32
      %dma_start3A_35 = tpu.memref_slice %dma_start3A_32[%dma_start3A_33, %dma_start3A_34] : memref<10240x128xf32, #tpu.memory_space<hbm>> -> memref<10240x128xf32, #tpu.memory_space<hbm>>
      tpu.enqueue_indirect_dma source(%dma_start3A_35 : memref<10240x128xf32, #tpu.memory_space<hbm>>) target(%arg10 : memref<128x128xf32, #tpu.memory_space<vmem>>) offsets(%dma_start3A_28 : memref<128xi32, #tpu.memory_space<vmem>>) semaphore(%arg13 : memref<!tpu.dma_semaphore, #tpu.memory_space<semaphore_mem>>)
      %add3A = arith.constant 1 : i32
      %add3A_36 = arith.addi %mul3A_25, %add3A : i32
      %dma_start3A_37 = arith.constant 0 : i32
      %dma_start3A_38 = tpu.memref_slice %arg8[%add3A_36, %dma_start3A_37] : memref<40x128xi32, #tpu.memory_space<vmem>> -> memref<1x128xi32, #tpu.memory_space<vmem>>
      %dma_start3A_39 = tpu.memref_squeeze %dma_start3A_38 : memref<1x128xi32, #tpu.memory_space<vmem>> -> memref<128xi32, #tpu.memory_space<vmem>>
      %dma_start3A_40 = arith.constant 0 : i32
      %dma_start3A_41 = arith.constant 0 : i32
      %dma_start3A_42 = tpu.memref_slice %arg2[%arg0, %dma_start3A_40, %dma_start3A_41] : memref<2x10240x128xf32, #tpu.memory_space<hbm>> -> memref<1x10240x128xf32, #tpu.memory_space<hbm>>
      %dma_start3A_43 = tpu.memref_squeeze %dma_start3A_42 : memref<1x10240x128xf32, #tpu.memory_space<hbm>> -> memref<10240x128xf32, #tpu.memory_space<hbm>>
      %dma_start3A_44 = arith.constant 0 : i32
      %dma_start3A_45 = arith.constant 0 : i32
      %dma_start3A_46 = tpu.memref_slice %dma_start3A_43[%dma_start3A_44, %dma_start3A_45] : memref<10240x128xf32, #tpu.memory_space<hbm>> -> memref<10240x128xf32, #tpu.memory_space<hbm>>
      tpu.enqueue_indirect_dma source(%dma_start3A_46 : memref<10240x128xf32, #tpu.memory_space<hbm>>) target(%arg11 : memref<128x128xf32, #tpu.memory_space<vmem>>) offsets(%dma_start3A_39 : memref<128xi32, #tpu.memory_space<vmem>>) semaphore(%arg13 : memref<!tpu.dma_semaphore, #tpu.memory_space<semaphore_mem>>)
      %dma_wait3A_47 = arith.constant 0 : i32
      %dma_wait3A_48 = tpu.memref_slice %arg8[%mul3A_25, %dma_wait3A_47] : memref<40x128xi32, #tpu.memory_space<vmem>> -> memref<1x128xi32, #tpu.memory_space<vmem>>
      %dma_wait3A_49 = tpu.memref_squeeze %dma_wait3A_48 : memref<1x128xi32, #tpu.memory_space<vmem>> -> memref<128xi32, #tpu.memory_space<vmem>>
      %dma_wait3A_50 = arith.constant 0 : i32
      %dma_wait3A_51 = arith.constant 0 : i32
      %dma_wait3A_52 = tpu.memref_slice %arg2[%arg0, %dma_wait3A_50, %dma_wait3A_51] : memref<2x10240x128xf32, #tpu.memory_space<hbm>> -> memref<1x10240x128xf32, #tpu.memory_space<hbm>>
      %dma_wait3A_53 = tpu.memref_squeeze %dma_wait3A_52 : memref<1x10240x128xf32, #tpu.memory_space<hbm>> -> memref<10240x128xf32, #tpu.memory_space<hbm>>
      %dma_wait3A_54 = arith.constant 0 : i32
      %dma_wait3A_55 = arith.constant 0 : i32
      %dma_wait3A_56 = tpu.memref_slice %dma_wait3A_53[%dma_wait3A_54, %dma_wait3A_55] : memref<10240x128xf32, #tpu.memory_space<hbm>> -> memref<10240x128xf32, #tpu.memory_space<hbm>>
      tpu.wait_indirect_dma semaphore(%arg13 : memref<!tpu.dma_semaphore, #tpu.memory_space<semaphore_mem>>) src(%dma_wait3A_56 : memref<10240x128xf32, #tpu.memory_space<hbm>>) dst(%arg10 : memref<128x128xf32, #tpu.memory_space<vmem>>)
      %dma_wait3A_57 = arith.constant 0 : i32
      %dma_wait3A_58 = tpu.memref_slice %arg8[%add3A_36, %dma_wait3A_57] : memref<40x128xi32, #tpu.memory_space<vmem>> -> memref<1x128xi32, #tpu.memory_space<vmem>>
      %dma_wait3A_59 = tpu.memref_squeeze %dma_wait3A_58 : memref<1x128xi32, #tpu.memory_space<vmem>> -> memref<128xi32, #tpu.memory_space<vmem>>
      %dma_wait3A_60 = arith.constant 0 : i32
      %dma_wait3A_61 = arith.constant 0 : i32
      %dma_wait3A_62 = tpu.memref_slice %arg2[%arg0, %dma_wait3A_60, %dma_wait3A_61] : memref<2x10240x128xf32, #tpu.memory_space<hbm>> -> memref<1x10240x128xf32, #tpu.memory_space<hbm>>
      %dma_wait3A_63 = tpu.memref_squeeze %dma_wait3A_62 : memref<1x10240x128xf32, #tpu.memory_space<hbm>> -> memref<10240x128xf32, #tpu.memory_space<hbm>>
      %dma_wait3A_64 = arith.constant 0 : i32
      %dma_wait3A_65 = arith.constant 0 : i32
      %dma_wait3A_66 = tpu.memref_slice %dma_wait3A_63[%dma_wait3A_64, %dma_wait3A_65] : memref<10240x128xf32, #tpu.memory_space<hbm>> -> memref<10240x128xf32, #tpu.memory_space<hbm>>
      tpu.wait_indirect_dma semaphore(%arg13 : memref<!tpu.dma_semaphore, #tpu.memory_space<semaphore_mem>>) src(%dma_wait3A_66 : memref<10240x128xf32, #tpu.memory_space<hbm>>) dst(%arg11 : memref<128x128xf32, #tpu.memory_space<vmem>>)
      "tpu.region"() ({
        %run_scoped3A = tpu.sem_alloc : memref<!tpu.dma_semaphore, #tpu.memory_space<semaphore_mem>>
        %dma_start3A_69 = arith.constant 0 : i32
        %dma_start3A_70 = tpu.memref_slice %arg9[%mul3A_25, %dma_start3A_69] : memref<40x128xi32, #tpu.memory_space<vmem>> -> memref<1x128xi32, #tpu.memory_space<vmem>>
        %dma_start3A_71 = tpu.memref_squeeze %dma_start3A_70 : memref<1x128xi32, #tpu.memory_space<vmem>> -> memref<128xi32, #tpu.memory_space<vmem>>
        %dma_start3A_72 = arith.constant 0 : i32
        %dma_start3A_73 = arith.constant 0 : i32
        %dma_start3A_74 = tpu.memref_slice %arg7[%dma_start3A_72, %dma_start3A_73] : memref<10240x128xf32, #tpu.memory_space<vmem_shared>> -> memref<10240x128xf32, #tpu.memory_space<vmem_shared>>
        tpu.enqueue_indirect_dma source(%arg10 : memref<128x128xf32, #tpu.memory_space<vmem>>) target(%dma_start3A_74 : memref<10240x128xf32, #tpu.memory_space<vmem_shared>>) offsets(%dma_start3A_71 : memref<128xi32, #tpu.memory_space<vmem>>) semaphore(%run_scoped3A : memref<!tpu.dma_semaphore, #tpu.memory_space<semaphore_mem>>) {add = true}
        %dma_wait3A_75 = arith.constant 0 : i32
        %dma_wait3A_76 = tpu.memref_slice %arg9[%mul3A_25, %dma_wait3A_75] : memref<40x128xi32, #tpu.memory_space<vmem>> -> memref<1x128xi32, #tpu.memory_space<vmem>>
        %dma_wait3A_77 = tpu.memref_squeeze %dma_wait3A_76 : memref<1x128xi32, #tpu.memory_space<vmem>> -> memref<128xi32, #tpu.memory_space<vmem>>
        %dma_wait3A_78 = arith.constant 0 : i32
        %dma_wait3A_79 = arith.constant 0 : i32
        %dma_wait3A_80 = tpu.memref_slice %arg7[%dma_wait3A_78, %dma_wait3A_79] : memref<10240x128xf32, #tpu.memory_space<vmem_shared>> -> memref<10240x128xf32, #tpu.memory_space<vmem_shared>>
        tpu.wait_indirect_dma semaphore(%run_scoped3A : memref<!tpu.dma_semaphore, #tpu.memory_space<semaphore_mem>>) src(%arg10 : memref<128x128xf32, #tpu.memory_space<vmem>>) dst(%dma_wait3A_80 : memref<10240x128xf32, #tpu.memory_space<vmem_shared>>)
        tpu.yield
      }) : () -> ()
      %add3A_67 = arith.constant 1 : i32
      %add3A_68 = arith.addi %mul3A_25, %add3A_67 : i32
      "tpu.region"() ({
        %run_scoped3A = tpu.sem_alloc : memref<!tpu.dma_semaphore, #tpu.memory_space<semaphore_mem>>
        %dma_start3A_69 = arith.constant 0 : i32
        %dma_start3A_70 = tpu.memref_slice %arg9[%add3A_68, %dma_start3A_69] : memref<40x128xi32, #tpu.memory_space<vmem>> -> memref<1x128xi32, #tpu.memory_space<vmem>>
        %dma_start3A_71 = tpu.memref_squeeze %dma_start3A_70 : memref<1x128xi32, #tpu.memory_space<vmem>> -> memref<128xi32, #tpu.memory_space<vmem>>
        %dma_start3A_72 = arith.constant 0 : i32
        %dma_start3A_73 = arith.constant 0 : i32
        %dma_start3A_74 = tpu.memref_slice %arg7[%dma_start3A_72, %dma_start3A_73] : memref<10240x128xf32, #tpu.memory_space<vmem_shared>> -> memref<10240x128xf32, #tpu.memory_space<vmem_shared>>
        tpu.enqueue_indirect_dma source(%arg11 : memref<128x128xf32, #tpu.memory_space<vmem>>) target(%dma_start3A_74 : memref<10240x128xf32, #tpu.memory_space<vmem_shared>>) offsets(%dma_start3A_71 : memref<128xi32, #tpu.memory_space<vmem>>) semaphore(%run_scoped3A : memref<!tpu.dma_semaphore, #tpu.memory_space<semaphore_mem>>) {add = true}
        %dma_wait3A_75 = arith.constant 0 : i32
        %dma_wait3A_76 = tpu.memref_slice %arg9[%add3A_68, %dma_wait3A_75] : memref<40x128xi32, #tpu.memory_space<vmem>> -> memref<1x128xi32, #tpu.memory_space<vmem>>
        %dma_wait3A_77 = tpu.memref_squeeze %dma_wait3A_76 : memref<1x128xi32, #tpu.memory_space<vmem>> -> memref<128xi32, #tpu.memory_space<vmem>>
        %dma_wait3A_78 = arith.constant 0 : i32
        %dma_wait3A_79 = arith.constant 0 : i32
        %dma_wait3A_80 = tpu.memref_slice %arg7[%dma_wait3A_78, %dma_wait3A_79] : memref<10240x128xf32, #tpu.memory_space<vmem_shared>> -> memref<10240x128xf32, #tpu.memory_space<vmem_shared>>
        tpu.wait_indirect_dma semaphore(%run_scoped3A : memref<!tpu.dma_semaphore, #tpu.memory_space<semaphore_mem>>) src(%arg11 : memref<128x128xf32, #tpu.memory_space<vmem>>) dst(%dma_wait3A_80 : memref<10240x128xf32, #tpu.memory_space<vmem_shared>>)
        tpu.yield
      }) : () -> ()
    }
    %scan3A_21 = arith.constant 20 : i32
    %barrier3A_22 = arith.constant 0 : index
    tpu.barrier barrier_id(%barrier3A_22)
    "tpu.region"() ({
      %run_scoped3A = tpu.sem_alloc : memref<!tpu.dma_semaphore, #tpu.memory_space<semaphore_mem>>
      %dma_start3A_23 = arith.constant 0 : i32
      %dma_start3A_24 = arith.constant 0 : i32
      %dma_start3A_25 = tpu.memref_slice %arg6[%arg0, %dma_start3A_23, %dma_start3A_24] : memref<2x10240x128xf32, #tpu.memory_space<hbm>> -> memref<1x10240x128xf32, #tpu.memory_space<hbm>>
      %dma_start3A_26 = tpu.memref_squeeze %dma_start3A_25 : memref<1x10240x128xf32, #tpu.memory_space<hbm>> -> memref<10240x128xf32, #tpu.memory_space<hbm>>
      %dma_start3A_27 = arith.constant 0 : i32
      %dma_start3A_28 = tpu.memref_slice %dma_start3A_26[%multiple_of3A, %dma_start3A_27] : memref<10240x128xf32, #tpu.memory_space<hbm>> -> memref<640x128xf32, #tpu.memory_space<hbm>>
      %dma_start3A_29 = arith.constant 0 : i32
      %dma_start3A_30 = tpu.memref_slice %arg7[%multiple_of3A, %dma_start3A_29] : memref<10240x128xf32, #tpu.memory_space<vmem_shared>> -> memref<640x128xf32, #tpu.memory_space<vmem_shared>>
      tpu.enqueue_dma source(%dma_start3A_30 : memref<640x128xf32, #tpu.memory_space<vmem_shared>>) target(%dma_start3A_28 : memref<640x128xf32, #tpu.memory_space<hbm>>) target_semaphore(%run_scoped3A : memref<!tpu.dma_semaphore, #tpu.memory_space<semaphore_mem>>)
      %dma_wait3A_31 = arith.constant 0 : i32
      %dma_wait3A_32 = arith.constant 0 : i32
      %dma_wait3A_33 = tpu.memref_slice %arg6[%arg0, %dma_wait3A_31, %dma_wait3A_32] : memref<2x10240x128xf32, #tpu.memory_space<hbm>> -> memref<1x10240x128xf32, #tpu.memory_space<hbm>>
      %dma_wait3A_34 = tpu.memref_squeeze %dma_wait3A_33 : memref<1x10240x128xf32, #tpu.memory_space<hbm>> -> memref<10240x128xf32, #tpu.memory_space<hbm>>
      %dma_wait3A_35 = arith.constant 0 : i32
      %dma_wait3A_36 = tpu.memref_slice %dma_wait3A_34[%multiple_of3A, %dma_wait3A_35] : memref<10240x128xf32, #tpu.memory_space<hbm>> -> memref<640x128xf32, #tpu.memory_space<hbm>>
      %dma_wait3A_37 = arith.constant 0 : i32
      %dma_wait3A_38 = tpu.memref_slice %arg7[%multiple_of3A, %dma_wait3A_37] : memref<10240x128xf32, #tpu.memory_space<vmem_shared>> -> memref<640x128xf32, #tpu.memory_space<vmem_shared>>
      tpu.wait_dma2 semaphore(%run_scoped3A : memref<!tpu.dma_semaphore, #tpu.memory_space<semaphore_mem>>) src(%dma_wait3A_38 : memref<640x128xf32, #tpu.memory_space<vmem_shared>>) dst(%dma_wait3A_36 : memref<640x128xf32, #tpu.memory_space<hbm>>)
      tpu.yield
    }) : () -> ()
    return
  }
}

#map = affine_map<(d0, d1) -> (0, 0, 0)>
#map1 = affine_map<(d0, d1) -> (0, 0)>
module attributes {stable_mosaic.version = 14 : i64} {
  func.func @_spmm_body(%arg0: i32, %arg1: i32, %arg2: memref<2x10240x128xf32, #tpu.memory_space<hbm>>, %arg3: memref<2x10240x128xf32, #tpu.memory_space<hbm>>, %arg4: memref<640x128xi32, #tpu.memory_space<hbm>>, %arg5: memref<640x128xi32, #tpu.memory_space<hbm>>, %arg6: memref<2x10240x128xf32, #tpu.memory_space<hbm>>, %arg7: memref<10240x128xf32, #tpu.memory_space<vmem_shared>>, %arg8: memref<40x128xi32, #tpu.memory_space<vmem>>, %arg9: memref<40x128xi32, #tpu.memory_space<vmem>>, %arg10: memref<128x128xf32, #tpu.memory_space<vmem>>, %arg11: memref<128x128xf32, #tpu.memory_space<vmem>>, %arg12: memref<!tpu.dma_semaphore, #tpu.memory_space<semaphore_mem>>, %arg13: memref<!tpu.dma_semaphore, #tpu.memory_space<semaphore_mem>>) attributes {dimension_semantics = [#tpu.dimension_semantics<core_parallel>, #tpu.dimension_semantics<subcore_parallel>], iteration_bounds = array<i64: 2, 16>, scalar_prefetch = 0 : i64, scratch_operands = 7 : i64, tpu.core_type = #tpu.core_type<sc_vector_subcore>, window_params = [{transform_indices = #map}, {transform_indices = #map}, {transform_indices = #map1}, {transform_indices = #map1}, {transform_indices = #map}]} {
    %mul3A = arith.constant 640 : i32
    %mul3A_0 = arith.muli %arg1, %mul3A : i32
    %multiple_of3A = tpu.assume_multiple %mul3A_0, 8 : i32
    %mul3A_1 = arith.constant 40 : i32
    %mul3A_2 = arith.muli %arg1, %mul3A_1 : i32
    %multiple_of3A_3 = tpu.assume_multiple %mul3A_2, 8 : i32
    %dma_start3A = arith.constant 0 : i32
    %dma_start3A_4 = tpu.memref_slice %arg4[%multiple_of3A_3, %dma_start3A] : memref<640x128xi32, #tpu.memory_space<hbm>> -> memref<40x128xi32, #tpu.memory_space<hbm>>
    %dma_start3A_5 = arith.constant 0 : i32
    %dma_start3A_6 = tpu.memref_slice %arg4[%multiple_of3A_3, %dma_start3A_5] : memref<640x128xi32, #tpu.memory_space<hbm>> -> memref<40x128xi32, #tpu.memory_space<hbm>>
    tpu.enqueue_dma source(%dma_start3A_6 : memref<40x128xi32, #tpu.memory_space<hbm>>) target(%arg8 : memref<40x128xi32, #tpu.memory_space<vmem>>) target_semaphore(%arg12 : memref<!tpu.dma_semaphore, #tpu.memory_space<semaphore_mem>>)
    %dma_wait3A = arith.constant 0 : i32
    %dma_wait3A_7 = tpu.memref_slice %arg4[%multiple_of3A_3, %dma_wait3A] : memref<640x128xi32, #tpu.memory_space<hbm>> -> memref<40x128xi32, #tpu.memory_space<hbm>>
    %dma_wait3A_8 = arith.constant 0 : i32
    %dma_wait3A_9 = tpu.memref_slice %arg4[%multiple_of3A_3, %dma_wait3A_8] : memref<640x128xi32, #tpu.memory_space<hbm>> -> memref<40x128xi32, #tpu.memory_space<hbm>>
    tpu.wait_dma2 semaphore(%arg12 : memref<!tpu.dma_semaphore, #tpu.memory_space<semaphore_mem>>) src(%dma_wait3A_9 : memref<40x128xi32, #tpu.memory_space<hbm>>) dst(%arg8 : memref<40x128xi32, #tpu.memory_space<vmem>>)
    %dma_start3A_10 = arith.constant 0 : i32
    %dma_start3A_11 = tpu.memref_slice %arg5[%multiple_of3A_3, %dma_start3A_10] : memref<640x128xi32, #tpu.memory_space<hbm>> -> memref<40x128xi32, #tpu.memory_space<hbm>>
    %dma_start3A_12 = arith.constant 0 : i32
    %dma_start3A_13 = tpu.memref_slice %arg5[%multiple_of3A_3, %dma_start3A_12] : memref<640x128xi32, #tpu.memory_space<hbm>> -> memref<40x128xi32, #tpu.memory_space<hbm>>
    tpu.enqueue_dma source(%dma_start3A_13 : memref<40x128xi32, #tpu.memory_space<hbm>>) target(%arg9 : memref<40x128xi32, #tpu.memory_space<vmem>>) target_semaphore(%arg12 : memref<!tpu.dma_semaphore, #tpu.memory_space<semaphore_mem>>)
    %dma_wait3A_14 = arith.constant 0 : i32
    %dma_wait3A_15 = tpu.memref_slice %arg5[%multiple_of3A_3, %dma_wait3A_14] : memref<640x128xi32, #tpu.memory_space<hbm>> -> memref<40x128xi32, #tpu.memory_space<hbm>>
    %dma_wait3A_16 = arith.constant 0 : i32
    %dma_wait3A_17 = tpu.memref_slice %arg5[%multiple_of3A_3, %dma_wait3A_16] : memref<640x128xi32, #tpu.memory_space<hbm>> -> memref<40x128xi32, #tpu.memory_space<hbm>>
    tpu.wait_dma2 semaphore(%arg12 : memref<!tpu.dma_semaphore, #tpu.memory_space<semaphore_mem>>) src(%dma_wait3A_17 : memref<40x128xi32, #tpu.memory_space<hbm>>) dst(%arg9 : memref<40x128xi32, #tpu.memory_space<vmem>>)
    "tpu.region"() ({
      %run_scoped3A = tpu.sem_alloc : memref<!tpu.dma_semaphore, #tpu.memory_space<semaphore_mem>>
      %dma_start3A_23 = arith.constant 0 : i32
      %dma_start3A_24 = tpu.memref_slice %arg7[%multiple_of3A, %dma_start3A_23] : memref<10240x128xf32, #tpu.memory_space<vmem_shared>> -> memref<640x128xf32, #tpu.memory_space<vmem_shared>>
      %dma_start3A_25 = arith.constant 0 : i32
      %dma_start3A_26 = arith.constant 0 : i32
      %dma_start3A_27 = tpu.memref_slice %arg3[%arg0, %dma_start3A_25, %dma_start3A_26] : memref<2x10240x128xf32, #tpu.memory_space<hbm>> -> memref<1x10240x128xf32, #tpu.memory_space<hbm>>
      %dma_start3A_28 = tpu.memref_squeeze %dma_start3A_27 : memref<1x10240x128xf32, #tpu.memory_space<hbm>> -> memref<10240x128xf32, #tpu.memory_space<hbm>>
      %dma_start3A_29 = arith.constant 0 : i32
      %dma_start3A_30 = tpu.memref_slice %dma_start3A_28[%multiple_of3A, %dma_start3A_29] : memref<10240x128xf32, #tpu.memory_space<hbm>> -> memref<640x128xf32, #tpu.memory_space<hbm>>
      tpu.enqueue_dma source(%dma_start3A_30 : memref<640x128xf32, #tpu.memory_space<hbm>>) target(%dma_start3A_24 : memref<640x128xf32, #tpu.memory_space<vmem_shared>>) target_semaphore(%run_scoped3A : memref<!tpu.dma_semaphore, #tpu.memory_space<semaphore_mem>>)
      %dma_wait3A_31 = arith.constant 0 : i32
      %dma_wait3A_32 = tpu.memref_slice %arg7[%multiple_of3A, %dma_wait3A_31] : memref<10240x128xf32, #tpu.memory_space<vmem_shared>> -> memref<640x128xf32, #tpu.memory_space<vmem_shared>>
      %dma_wait3A_33 = arith.constant 0 : i32
      %dma_wait3A_34 = arith.constant 0 : i32
      %dma_wait3A_35 = tpu.memref_slice %arg3[%arg0, %dma_wait3A_33, %dma_wait3A_34] : memref<2x10240x128xf32, #tpu.memory_space<hbm>> -> memref<1x10240x128xf32, #tpu.memory_space<hbm>>
      %dma_wait3A_36 = tpu.memref_squeeze %dma_wait3A_35 : memref<1x10240x128xf32, #tpu.memory_space<hbm>> -> memref<10240x128xf32, #tpu.memory_space<hbm>>
      %dma_wait3A_37 = arith.constant 0 : i32
      %dma_wait3A_38 = tpu.memref_slice %dma_wait3A_36[%multiple_of3A, %dma_wait3A_37] : memref<10240x128xf32, #tpu.memory_space<hbm>> -> memref<640x128xf32, #tpu.memory_space<hbm>>
      tpu.wait_dma2 semaphore(%run_scoped3A : memref<!tpu.dma_semaphore, #tpu.memory_space<semaphore_mem>>) src(%dma_wait3A_38 : memref<640x128xf32, #tpu.memory_space<hbm>>) dst(%dma_wait3A_32 : memref<640x128xf32, #tpu.memory_space<vmem_shared>>)
      tpu.yield
    }) : () -> ()
    %barrier3A = arith.constant 0 : index
    tpu.barrier barrier_id(%barrier3A)
    %scan3A = arith.constant 0 : i32
    %scan3A_18 = arith.constant 20 : i32
    %scan3A_19 = arith.addi %scan3A, %scan3A_18 : i32
    %scan3A_20 = arith.constant 1 : i32
    scf.for %scan3A_23 = %scan3A to %scan3A_19 step %scan3A_20  : i32 {
      %mul3A_24 = arith.constant 2 : i32
      %mul3A_25 = arith.muli %scan3A_23, %mul3A_24 : i32
      %dma_start3A_26 = arith.constant 0 : i32
      %dma_start3A_27 = tpu.memref_slice %arg8[%mul3A_25, %dma_start3A_26] : memref<40x128xi32, #tpu.memory_space<vmem>> -> memref<1x128xi32, #tpu.memory_space<vmem>>
      %dma_start3A_28 = tpu.memref_squeeze %dma_start3A_27 : memref<1x128xi32, #tpu.memory_space<vmem>> -> memref<128xi32, #tpu.memory_space<vmem>>
      %dma_start3A_29 = arith.constant 0 : i32
      %dma_start3A_30 = arith.constant 0 : i32
      %dma_start3A_31 = tpu.memref_slice %arg2[%arg0, %dma_start3A_29, %dma_start3A_30] : memref<2x10240x128xf32, #tpu.memory_space<hbm>> -> memref<1x10240x128xf32, #tpu.memory_space<hbm>>
      %dma_start3A_32 = tpu.memref_squeeze %dma_start3A_31 : memref<1x10240x128xf32, #tpu.memory_space<hbm>> -> memref<10240x128xf32, #tpu.memory_space<hbm>>
      %dma_start3A_33 = arith.constant 0 : i32
      %dma_start3A_34 = arith.constant 0 : i32
      %dma_start3A_35 = tpu.memref_slice %dma_start3A_32[%dma_start3A_33, %dma_start3A_34] : memref<10240x128xf32, #tpu.memory_space<hbm>> -> memref<10240x128xf32, #tpu.memory_space<hbm>>
      tpu.enqueue_indirect_dma source(%dma_start3A_35 : memref<10240x128xf32, #tpu.memory_space<hbm>>) target(%arg10 : memref<128x128xf32, #tpu.memory_space<vmem>>) offsets(%dma_start3A_28 : memref<128xi32, #tpu.memory_space<vmem>>) semaphore(%arg13 : memref<!tpu.dma_semaphore, #tpu.memory_space<semaphore_mem>>)
      %add3A = arith.constant 1 : i32
      %add3A_36 = arith.addi %mul3A_25, %add3A : i32
      %dma_start3A_37 = arith.constant 0 : i32
      %dma_start3A_38 = tpu.memref_slice %arg8[%add3A_36, %dma_start3A_37] : memref<40x128xi32, #tpu.memory_space<vmem>> -> memref<1x128xi32, #tpu.memory_space<vmem>>
      %dma_start3A_39 = tpu.memref_squeeze %dma_start3A_38 : memref<1x128xi32, #tpu.memory_space<vmem>> -> memref<128xi32, #tpu.memory_space<vmem>>
      %dma_start3A_40 = arith.constant 0 : i32
      %dma_start3A_41 = arith.constant 0 : i32
      %dma_start3A_42 = tpu.memref_slice %arg2[%arg0, %dma_start3A_40, %dma_start3A_41] : memref<2x10240x128xf32, #tpu.memory_space<hbm>> -> memref<1x10240x128xf32, #tpu.memory_space<hbm>>
      %dma_start3A_43 = tpu.memref_squeeze %dma_start3A_42 : memref<1x10240x128xf32, #tpu.memory_space<hbm>> -> memref<10240x128xf32, #tpu.memory_space<hbm>>
      %dma_start3A_44 = arith.constant 0 : i32
      %dma_start3A_45 = arith.constant 0 : i32
      %dma_start3A_46 = tpu.memref_slice %dma_start3A_43[%dma_start3A_44, %dma_start3A_45] : memref<10240x128xf32, #tpu.memory_space<hbm>> -> memref<10240x128xf32, #tpu.memory_space<hbm>>
      tpu.enqueue_indirect_dma source(%dma_start3A_46 : memref<10240x128xf32, #tpu.memory_space<hbm>>) target(%arg11 : memref<128x128xf32, #tpu.memory_space<vmem>>) offsets(%dma_start3A_39 : memref<128xi32, #tpu.memory_space<vmem>>) semaphore(%arg13 : memref<!tpu.dma_semaphore, #tpu.memory_space<semaphore_mem>>)
      %dma_wait3A_47 = arith.constant 0 : i32
      %dma_wait3A_48 = tpu.memref_slice %arg8[%mul3A_25, %dma_wait3A_47] : memref<40x128xi32, #tpu.memory_space<vmem>> -> memref<1x128xi32, #tpu.memory_space<vmem>>
      %dma_wait3A_49 = tpu.memref_squeeze %dma_wait3A_48 : memref<1x128xi32, #tpu.memory_space<vmem>> -> memref<128xi32, #tpu.memory_space<vmem>>
      %dma_wait3A_50 = arith.constant 0 : i32
      %dma_wait3A_51 = arith.constant 0 : i32
      %dma_wait3A_52 = tpu.memref_slice %arg2[%arg0, %dma_wait3A_50, %dma_wait3A_51] : memref<2x10240x128xf32, #tpu.memory_space<hbm>> -> memref<1x10240x128xf32, #tpu.memory_space<hbm>>
      %dma_wait3A_53 = tpu.memref_squeeze %dma_wait3A_52 : memref<1x10240x128xf32, #tpu.memory_space<hbm>> -> memref<10240x128xf32, #tpu.memory_space<hbm>>
      %dma_wait3A_54 = arith.constant 0 : i32
      %dma_wait3A_55 = arith.constant 0 : i32
      %dma_wait3A_56 = tpu.memref_slice %dma_wait3A_53[%dma_wait3A_54, %dma_wait3A_55] : memref<10240x128xf32, #tpu.memory_space<hbm>> -> memref<10240x128xf32, #tpu.memory_space<hbm>>
      tpu.wait_indirect_dma semaphore(%arg13 : memref<!tpu.dma_semaphore, #tpu.memory_space<semaphore_mem>>) src(%dma_wait3A_56 : memref<10240x128xf32, #tpu.memory_space<hbm>>) dst(%arg10 : memref<128x128xf32, #tpu.memory_space<vmem>>)
      %dma_wait3A_57 = arith.constant 0 : i32
      %dma_wait3A_58 = tpu.memref_slice %arg8[%add3A_36, %dma_wait3A_57] : memref<40x128xi32, #tpu.memory_space<vmem>> -> memref<1x128xi32, #tpu.memory_space<vmem>>
      %dma_wait3A_59 = tpu.memref_squeeze %dma_wait3A_58 : memref<1x128xi32, #tpu.memory_space<vmem>> -> memref<128xi32, #tpu.memory_space<vmem>>
      %dma_wait3A_60 = arith.constant 0 : i32
      %dma_wait3A_61 = arith.constant 0 : i32
      %dma_wait3A_62 = tpu.memref_slice %arg2[%arg0, %dma_wait3A_60, %dma_wait3A_61] : memref<2x10240x128xf32, #tpu.memory_space<hbm>> -> memref<1x10240x128xf32, #tpu.memory_space<hbm>>
      %dma_wait3A_63 = tpu.memref_squeeze %dma_wait3A_62 : memref<1x10240x128xf32, #tpu.memory_space<hbm>> -> memref<10240x128xf32, #tpu.memory_space<hbm>>
      %dma_wait3A_64 = arith.constant 0 : i32
      %dma_wait3A_65 = arith.constant 0 : i32
      %dma_wait3A_66 = tpu.memref_slice %dma_wait3A_63[%dma_wait3A_64, %dma_wait3A_65] : memref<10240x128xf32, #tpu.memory_space<hbm>> -> memref<10240x128xf32, #tpu.memory_space<hbm>>
      tpu.wait_indirect_dma semaphore(%arg13 : memref<!tpu.dma_semaphore, #tpu.memory_space<semaphore_mem>>) src(%dma_wait3A_66 : memref<10240x128xf32, #tpu.memory_space<hbm>>) dst(%arg11 : memref<128x128xf32, #tpu.memory_space<vmem>>)
      "tpu.region"() ({
        %run_scoped3A = tpu.sem_alloc : memref<!tpu.dma_semaphore, #tpu.memory_space<semaphore_mem>>
        %dma_start3A_69 = arith.constant 0 : i32
        %dma_start3A_70 = tpu.memref_slice %arg9[%mul3A_25, %dma_start3A_69] : memref<40x128xi32, #tpu.memory_space<vmem>> -> memref<1x128xi32, #tpu.memory_space<vmem>>
        %dma_start3A_71 = tpu.memref_squeeze %dma_start3A_70 : memref<1x128xi32, #tpu.memory_space<vmem>> -> memref<128xi32, #tpu.memory_space<vmem>>
        %dma_start3A_72 = arith.constant 0 : i32
        %dma_start3A_73 = arith.constant 0 : i32
        %dma_start3A_74 = tpu.memref_slice %arg7[%dma_start3A_72, %dma_start3A_73] : memref<10240x128xf32, #tpu.memory_space<vmem_shared>> -> memref<10240x128xf32, #tpu.memory_space<vmem_shared>>
        tpu.enqueue_indirect_dma source(%arg10 : memref<128x128xf32, #tpu.memory_space<vmem>>) target(%dma_start3A_74 : memref<10240x128xf32, #tpu.memory_space<vmem_shared>>) offsets(%dma_start3A_71 : memref<128xi32, #tpu.memory_space<vmem>>) semaphore(%run_scoped3A : memref<!tpu.dma_semaphore, #tpu.memory_space<semaphore_mem>>) {add = true}
        %dma_wait3A_75 = arith.constant 0 : i32
        %dma_wait3A_76 = tpu.memref_slice %arg9[%mul3A_25, %dma_wait3A_75] : memref<40x128xi32, #tpu.memory_space<vmem>> -> memref<1x128xi32, #tpu.memory_space<vmem>>
        %dma_wait3A_77 = tpu.memref_squeeze %dma_wait3A_76 : memref<1x128xi32, #tpu.memory_space<vmem>> -> memref<128xi32, #tpu.memory_space<vmem>>
        %dma_wait3A_78 = arith.constant 0 : i32
        %dma_wait3A_79 = arith.constant 0 : i32
        %dma_wait3A_80 = tpu.memref_slice %arg7[%dma_wait3A_78, %dma_wait3A_79] : memref<10240x128xf32, #tpu.memory_space<vmem_shared>> -> memref<10240x128xf32, #tpu.memory_space<vmem_shared>>
        tpu.wait_indirect_dma semaphore(%run_scoped3A : memref<!tpu.dma_semaphore, #tpu.memory_space<semaphore_mem>>) src(%arg10 : memref<128x128xf32, #tpu.memory_space<vmem>>) dst(%dma_wait3A_80 : memref<10240x128xf32, #tpu.memory_space<vmem_shared>>)
        tpu.yield
      }) : () -> ()
      %add3A_67 = arith.constant 1 : i32
      %add3A_68 = arith.addi %mul3A_25, %add3A_67 : i32
      "tpu.region"() ({
        %run_scoped3A = tpu.sem_alloc : memref<!tpu.dma_semaphore, #tpu.memory_space<semaphore_mem>>
        %dma_start3A_69 = arith.constant 0 : i32
        %dma_start3A_70 = tpu.memref_slice %arg9[%add3A_68, %dma_start3A_69] : memref<40x128xi32, #tpu.memory_space<vmem>> -> memref<1x128xi32, #tpu.memory_space<vmem>>
        %dma_start3A_71 = tpu.memref_squeeze %dma_start3A_70 : memref<1x128xi32, #tpu.memory_space<vmem>> -> memref<128xi32, #tpu.memory_space<vmem>>
        %dma_start3A_72 = arith.constant 0 : i32
        %dma_start3A_73 = arith.constant 0 : i32
        %dma_start3A_74 = tpu.memref_slice %arg7[%dma_start3A_72, %dma_start3A_73] : memref<10240x128xf32, #tpu.memory_space<vmem_shared>> -> memref<10240x128xf32, #tpu.memory_space<vmem_shared>>
        tpu.enqueue_indirect_dma source(%arg11 : memref<128x128xf32, #tpu.memory_space<vmem>>) target(%dma_start3A_74 : memref<10240x128xf32, #tpu.memory_space<vmem_shared>>) offsets(%dma_start3A_71 : memref<128xi32, #tpu.memory_space<vmem>>) semaphore(%run_scoped3A : memref<!tpu.dma_semaphore, #tpu.memory_space<semaphore_mem>>) {add = true}
        %dma_wait3A_75 = arith.constant 0 : i32
        %dma_wait3A_76 = tpu.memref_slice %arg9[%add3A_68, %dma_wait3A_75] : memref<40x128xi32, #tpu.memory_space<vmem>> -> memref<1x128xi32, #tpu.memory_space<vmem>>
        %dma_wait3A_77 = tpu.memref_squeeze %dma_wait3A_76 : memref<1x128xi32, #tpu.memory_space<vmem>> -> memref<128xi32, #tpu.memory_space<vmem>>
        %dma_wait3A_78 = arith.constant 0 : i32
        %dma_wait3A_79 = arith.constant 0 : i32
        %dma_wait3A_80 = tpu.memref_slice %arg7[%dma_wait3A_78, %dma_wait3A_79] : memref<10240x128xf32, #tpu.memory_space<vmem_shared>> -> memref<10240x128xf32, #tpu.memory_space<vmem_shared>>
        tpu.wait_indirect_dma semaphore(%run_scoped3A : memref<!tpu.dma_semaphore, #tpu.memory_space<semaphore_mem>>) src(%arg11 : memref<128x128xf32, #tpu.memory_space<vmem>>) dst(%dma_wait3A_80 : memref<10240x128xf32, #tpu.memory_space<vmem_shared>>)
        tpu.yield
      }) : () -> ()
    }
    %scan3A_21 = arith.constant 20 : i32
    %barrier3A_22 = arith.constant 0 : index
    tpu.barrier barrier_id(%barrier3A_22)
    "tpu.region"() ({
      %run_scoped3A = tpu.sem_alloc : memref<!tpu.dma_semaphore, #tpu.memory_space<semaphore_mem>>
      %dma_start3A_23 = arith.constant 0 : i32
      %dma_start3A_24 = arith.constant 0 : i32
      %dma_start3A_25 = tpu.memref_slice %arg6[%arg0, %dma_start3A_23, %dma_start3A_24] : memref<2x10240x128xf32, #tpu.memory_space<hbm>> -> memref<1x10240x128xf32, #tpu.memory_space<hbm>>
      %dma_start3A_26 = tpu.memref_squeeze %dma_start3A_25 : memref<1x10240x128xf32, #tpu.memory_space<hbm>> -> memref<10240x128xf32, #tpu.memory_space<hbm>>
      %dma_start3A_27 = arith.constant 0 : i32
      %dma_start3A_28 = tpu.memref_slice %dma_start3A_26[%multiple_of3A, %dma_start3A_27] : memref<10240x128xf32, #tpu.memory_space<hbm>> -> memref<640x128xf32, #tpu.memory_space<hbm>>
      %dma_start3A_29 = arith.constant 0 : i32
      %dma_start3A_30 = tpu.memref_slice %arg7[%multiple_of3A, %dma_start3A_29] : memref<10240x128xf32, #tpu.memory_space<vmem_shared>> -> memref<640x128xf32, #tpu.memory_space<vmem_shared>>
      tpu.enqueue_dma source(%dma_start3A_30 : memref<640x128xf32, #tpu.memory_space<vmem_shared>>) target(%dma_start3A_28 : memref<640x128xf32, #tpu.memory_space<hbm>>) target_semaphore(%run_scoped3A : memref<!tpu.dma_semaphore, #tpu.memory_space<semaphore_mem>>)
      %dma_wait3A_31 = arith.constant 0 : i32
      %dma_wait3A_32 = arith.constant 0 : i32
      %dma_wait3A_33 = tpu.memref_slice %arg6[%arg0, %dma_wait3A_31, %dma_wait3A_32] : memref<2x10240x128xf32, #tpu.memory_space<hbm>> -> memref<1x10240x128xf32, #tpu.memory_space<hbm>>
      %dma_wait3A_34 = tpu.memref_squeeze %dma_wait3A_33 : memref<1x10240x128xf32, #tpu.memory_space<hbm>> -> memref<10240x128xf32, #tpu.memory_space<hbm>>
      %dma_wait3A_35 = arith.constant 0 : i32
      %dma_wait3A_36 = tpu.memref_slice %dma_wait3A_34[%multiple_of3A, %dma_wait3A_35] : memref<10240x128xf32, #tpu.memory_space<hbm>> -> memref<640x128xf32, #tpu.memory_space<hbm>>
      %dma_wait3A_37 = arith.constant 0 : i32
      %dma_wait3A_38 = tpu.memref_slice %arg7[%multiple_of3A, %dma_wait3A_37] : memref<10240x128xf32, #tpu.memory_space<vmem_shared>> -> memref<640x128xf32, #tpu.memory_space<vmem_shared>>
      tpu.wait_dma2 semaphore(%run_scoped3A : memref<!tpu.dma_semaphore, #tpu.memory_space<semaphore_mem>>) src(%dma_wait3A_38 : memref<640x128xf32, #tpu.memory_space<vmem_shared>>) dst(%dma_wait3A_36 : memref<640x128xf32, #tpu.memory_space<hbm>>)
      tpu.yield
    }) : () -> ()
    return
  }
}

module attributes {stable_mosaic.version = 14 : i64} {
  func.func @_layer1_body(%arg0: i32, %arg1: memref<1000x256xf32, #tpu.memory_space<vmem>>, %arg2: memref<2x1000x16xf32, #tpu.memory_space<vmem>>, %arg3: memref<256x256xf32, #tpu.memory_space<vmem>>, %arg4: memref<2x1000x128xf32, #tpu.memory_space<vmem>>, %arg5: memref<1x256xf32, #tpu.memory_space<vmem>>, %arg6: memref<1x256xf32, #tpu.memory_space<vmem>>) attributes {dimension_semantics = [#tpu.dimension_semantics<arbitrary>], iteration_bounds = array<i64: 10>, scalar_prefetch = 0 : i64, scratch_operands = 0 : i64, tpu.core_type = #tpu.core_type<tc>, window_params = [{transform_indices = @transform_0, window_bounds = array<i64: 1000, 256>}, {transform_indices = @transform_1, window_bounds = array<i64: 2, 1000, 16>}, {pipeline_mode = #tpu.pipeline_mode<synchronous>, transform_indices = @transform_2, window_bounds = array<i64: 256, 256>}, {transform_indices = @transform_3, window_bounds = array<i64: 2, 1000, 128>}, {pipeline_mode = #tpu.pipeline_mode<synchronous>, transform_indices = @transform_4, window_bounds = array<i64: 1, 256>}, {pipeline_mode = #tpu.pipeline_mode<synchronous>, transform_indices = @transform_5, window_bounds = array<i64: 1, 256>}]} {
    %get3A = arith.constant 0 : index
    %get3A_0 = arith.constant 0 : index
    %get3A_1 = vector.load %arg1[%get3A, %get3A_0] : memref<1000x256xf32, #tpu.memory_space<vmem>>, vector<1000x256xf32>
    %get3A_2 = arith.constant 0 : index
    %get3A_3 = arith.constant 0 : index
    %get3A_4 = arith.constant 0 : index
    %get3A_5 = vector.load %arg2[%get3A_2, %get3A_3, %get3A_4] : memref<2x1000x16xf32, #tpu.memory_space<vmem>>, vector<2x1000x16xf32>
    %slice3A = vector.extract_strided_slice %get3A_5 {offsets = [0, 0, 0], sizes = [1, 1000, 1], strides = [1, 1, 1]} : vector<2x1000x16xf32> to vector<1x1000x1xf32>
    %squeeze3A = vector.shape_cast %slice3A : vector<1x1000x1xf32> to vector<1000x1xf32>
    %slice3A_6 = vector.extract_strided_slice %get3A_5 {offsets = [1, 0, 0], sizes = [1, 1000, 1], strides = [1, 1, 1]} : vector<2x1000x16xf32> to vector<1x1000x1xf32>
    %squeeze3A_7 = vector.shape_cast %slice3A_6 : vector<1x1000x1xf32> to vector<1000x1xf32>
    %add3A = arith.addf %squeeze3A, %squeeze3A_7 : vector<1000x1xf32>
    %add3A_8 = arith.constant 1.000000e+00 : f32
    %add3A_9 = vector.broadcast %add3A_8 : f32 to vector<1000x1xf32>
    %add3A_10 = arith.addf %add3A, %add3A_9 : vector<1000x1xf32>
    %rsqrt3A = math.rsqrt %add3A_10 : vector<1000x1xf32>
    %get3A_11 = arith.constant 0 : index
    %get3A_12 = arith.constant 0 : index
    %get3A_13 = vector.load %arg3[%get3A_11, %get3A_12] : memref<256x256xf32, #tpu.memory_space<vmem>>, vector<256x256xf32>
    %dot_general3A = arith.constant dense<0.000000e+00> : vector<1000x256xf32>
    %dot_general3A_14 = tpu.matmul %get3A_1, %get3A_13, %dot_general3A {dimension_numbers = #tpu.dot_dimension_numbers<[1], [0], [0], [1], [0, 0, 1, 1], [], []>, transpose_lhs_hint = false} : vector<1000x256xf32>, vector<256x256xf32>, vector<1000x256xf32> -> vector<1000x256xf32>
    %mul3A = vector.broadcast %rsqrt3A : vector<1000x1xf32> to vector<1000x256xf32>
    %mul3A_15 = arith.mulf %mul3A, %dot_general3A_14 : vector<1000x256xf32>
    %slice3A_16 = vector.extract_strided_slice %mul3A_15 {offsets = [0, 0], sizes = [1000, 128], strides = [1, 1]} : vector<1000x256xf32> to vector<1000x128xf32>
    %swap3A = arith.constant 0 : index
    %swap3A_17 = arith.constant 0 : index
    %swap3A_18 = arith.constant 0 : index
    %swap3A_19 = vector.load %arg4[%swap3A, %swap3A_17, %swap3A_18] : memref<2x1000x128xf32, #tpu.memory_space<vmem>>, vector<1x1000x128xf32>
    %swap3A_20 = vector.shape_cast %swap3A_19 : vector<1x1000x128xf32> to vector<1000x128xf32>
    %swap3A_21 = vector.shape_cast %slice3A_16 : vector<1000x128xf32> to vector<1x1000x128xf32>
    tpu.vector_store %arg4[%swap3A, %swap3A_17, %swap3A_18], %swap3A_21 {strides = array<i32>} : memref<2x1000x128xf32, #tpu.memory_space<vmem>>, vector<1x1000x128xf32>,
    %slice3A_22 = vector.extract_strided_slice %mul3A_15 {offsets = [0, 128], sizes = [1000, 128], strides = [1, 1]} : vector<1000x256xf32> to vector<1000x128xf32>
    %swap3A_23 = arith.constant 1 : index
    %swap3A_24 = arith.constant 0 : index
    %swap3A_25 = arith.constant 0 : index
    %swap3A_26 = vector.load %arg4[%swap3A_23, %swap3A_24, %swap3A_25] : memref<2x1000x128xf32, #tpu.memory_space<vmem>>, vector<1x1000x128xf32>
    %swap3A_27 = vector.shape_cast %swap3A_26 : vector<1x1000x128xf32> to vector<1000x128xf32>
    %swap3A_28 = vector.shape_cast %slice3A_22 : vector<1000x128xf32> to vector<1x1000x128xf32>
    tpu.vector_store %arg4[%swap3A_23, %swap3A_24, %swap3A_25], %swap3A_28 {strides = array<i32>} : memref<2x1000x128xf32, #tpu.memory_space<vmem>>, vector<1x1000x128xf32>,
    %eq3A = arith.constant 0 : i32
    %eq3A_29 = arith.cmpi eq, %arg0, %eq3A : i32
    %convert_element_type3A = arith.extui %eq3A_29 : i1 to i32
    %cond3A = arith.constant 0 : i32
    %cond3A_30 = arith.cmpi ne, %convert_element_type3A, %cond3A : i32
    scf.if %cond3A_30 {
      %broadcast_in_dim3A_50 = arith.constant 0.000000e+00 : f32
      %broadcast_in_dim3A_51 = vector.broadcast %broadcast_in_dim3A_50 : f32 to vector<1x256xf32>
      %swap3A_52 = arith.constant 0 : index
      %swap3A_53 = arith.constant 0 : index
      %swap3A_54 = vector.load %arg5[%swap3A_52, %swap3A_53] : memref<1x256xf32, #tpu.memory_space<vmem>>, vector<1x256xf32>
      tpu.vector_store %arg5[%swap3A_52, %swap3A_53], %broadcast_in_dim3A_51 {strides = array<i32>} : memref<1x256xf32, #tpu.memory_space<vmem>>, vector<1x256xf32>,
      %broadcast_in_dim3A_55 = arith.constant 0.000000e+00 : f32
      %broadcast_in_dim3A_56 = vector.broadcast %broadcast_in_dim3A_55 : f32 to vector<1x256xf32>
      %swap3A_57 = arith.constant 0 : index
      %swap3A_58 = arith.constant 0 : index
      %swap3A_59 = vector.load %arg6[%swap3A_57, %swap3A_58] : memref<1x256xf32, #tpu.memory_space<vmem>>, vector<1x256xf32>
      tpu.vector_store %arg6[%swap3A_57, %swap3A_58], %broadcast_in_dim3A_56 {strides = array<i32>} : memref<1x256xf32, #tpu.memory_space<vmem>>, vector<1x256xf32>,
    } else {
    }
    %get3A_31 = arith.constant 0 : index
    %get3A_32 = arith.constant 0 : index
    %get3A_33 = vector.load %arg5[%get3A_31, %get3A_32] : memref<1x256xf32, #tpu.memory_space<vmem>>, vector<1x256xf32>
    %reduce_sum3A = arith.constant dense<0.000000e+00> : vector<256xf32>
    %reduce_sum3A_34 = vector.multi_reduction <add>, %get3A_1, %reduce_sum3A [0] : vector<1000x256xf32> to vector<256xf32>
    %broadcast_in_dim3A = vector.shape_cast %reduce_sum3A_34 : vector<256xf32> to vector<1x256xf32>
    %add3A_35 = arith.addf %get3A_33, %broadcast_in_dim3A : vector<1x256xf32>
    %swap3A_36 = arith.constant 0 : index
    %swap3A_37 = arith.constant 0 : index
    %swap3A_38 = vector.load %arg5[%swap3A_36, %swap3A_37] : memref<1x256xf32, #tpu.memory_space<vmem>>, vector<1x256xf32>
    tpu.vector_store %arg5[%swap3A_36, %swap3A_37], %add3A_35 {strides = array<i32>} : memref<1x256xf32, #tpu.memory_space<vmem>>, vector<1x256xf32>,
    %get3A_39 = arith.constant 0 : index
    %get3A_40 = arith.constant 0 : index
    %get3A_41 = vector.load %arg6[%get3A_39, %get3A_40] : memref<1x256xf32, #tpu.memory_space<vmem>>, vector<1x256xf32>
    %mul3A_42 = arith.mulf %get3A_1, %get3A_1 : vector<1000x256xf32>
    %reduce_sum3A_43 = arith.constant dense<0.000000e+00> : vector<256xf32>
    %reduce_sum3A_44 = vector.multi_reduction <add>, %mul3A_42, %reduce_sum3A_43 [0] : vector<1000x256xf32> to vector<256xf32>
    %broadcast_in_dim3A_45 = vector.shape_cast %reduce_sum3A_44 : vector<256xf32> to vector<1x256xf32>
    %add3A_46 = arith.addf %get3A_41, %broadcast_in_dim3A_45 : vector<1x256xf32>
    %swap3A_47 = arith.constant 0 : index
    %swap3A_48 = arith.constant 0 : index
    %swap3A_49 = vector.load %arg6[%swap3A_47, %swap3A_48] : memref<1x256xf32, #tpu.memory_space<vmem>>, vector<1x256xf32>
    tpu.vector_store %arg6[%swap3A_47, %swap3A_48], %add3A_46 {strides = array<i32>} : memref<1x256xf32, #tpu.memory_space<vmem>>, vector<1x256xf32>,
    return
  }
  func.func @transform_0(%arg0: i32) -> (i32, i32) {
    %c0_i32 = arith.constant 0 : i32
    %c0_i32_0 = arith.constant 0 : i32
    return %arg0, %c0_i32 : i32, i32
  }
  func.func @transform_1(%arg0: i32) -> (i32, i32, i32) {
    %c0_i32 = arith.constant 0 : i32
    %c0_i32_0 = arith.constant 0 : i32
    %c0_i32_1 = arith.constant 0 : i32
    return %c0_i32, %arg0, %c0_i32_0 : i32, i32, i32
  }
  func.func @transform_2(%arg0: i32) -> (i32, i32) {
    %c0_i32 = arith.constant 0 : i32
    %c0_i32_0 = arith.constant 0 : i32
    %c0_i32_1 = arith.constant 0 : i32
    return %c0_i32, %c0_i32_0 : i32, i32
  }
  func.func @transform_3(%arg0: i32) -> (i32, i32, i32) {
    %c0_i32 = arith.constant 0 : i32
    %c0_i32_0 = arith.constant 0 : i32
    %c0_i32_1 = arith.constant 0 : i32
    return %c0_i32, %arg0, %c0_i32_0 : i32, i32, i32
  }
  func.func @transform_4(%arg0: i32) -> (i32, i32) {
    %c0_i32 = arith.constant 0 : i32
    %c0_i32_0 = arith.constant 0 : i32
    %c0_i32_1 = arith.constant 0 : i32
    return %c0_i32, %c0_i32_0 : i32, i32
  }
  func.func @transform_5(%arg0: i32) -> (i32, i32) {
    %c0_i32 = arith.constant 0 : i32
    %c0_i32_0 = arith.constant 0 : i32
    %c0_i32_1 = arith.constant 0 : i32
    return %c0_i32, %c0_i32_0 : i32, i32
  }
}

module attributes {stable_mosaic.version = 14 : i64} {
  func.func @_layer_mid_body(%arg0: i32, %arg1: memref<2x1000x128xf32, #tpu.memory_space<vmem>>, %arg2: memref<2x1000x16xf32, #tpu.memory_space<vmem>>, %arg3: memref<1x256xf32, #tpu.memory_space<vmem>>, %arg4: memref<256x256xf32, #tpu.memory_space<vmem>>, %arg5: memref<1000x256xf32, #tpu.memory_space<vmem>>, %arg6: memref<2x1000x128xf32, #tpu.memory_space<vmem>>, %arg7: memref<1x256xf32, #tpu.memory_space<vmem>>, %arg8: memref<1x256xf32, #tpu.memory_space<vmem>>) attributes {dimension_semantics = [#tpu.dimension_semantics<arbitrary>], iteration_bounds = array<i64: 10>, scalar_prefetch = 0 : i64, scratch_operands = 0 : i64, tpu.core_type = #tpu.core_type<tc>, window_params = [{transform_indices = @transform_0, window_bounds = array<i64: 2, 1000, 128>}, {transform_indices = @transform_1, window_bounds = array<i64: 2, 1000, 16>}, {pipeline_mode = #tpu.pipeline_mode<synchronous>, transform_indices = @transform_2, window_bounds = array<i64: 1, 256>}, {pipeline_mode = #tpu.pipeline_mode<synchronous>, transform_indices = @transform_3, window_bounds = array<i64: 256, 256>}, {transform_indices = @transform_4, window_bounds = array<i64: 1000, 256>}, {transform_indices = @transform_5, window_bounds = array<i64: 2, 1000, 128>}, {pipeline_mode = #tpu.pipeline_mode<synchronous>, transform_indices = @transform_6, window_bounds = array<i64: 1, 256>}, {pipeline_mode = #tpu.pipeline_mode<synchronous>, transform_indices = @transform_7, window_bounds = array<i64: 1, 256>}]} {
    %get3A = arith.constant 0 : index
    %get3A_0 = arith.constant 0 : index
    %get3A_1 = arith.constant 0 : index
    %get3A_2 = vector.load %arg2[%get3A, %get3A_0, %get3A_1] : memref<2x1000x16xf32, #tpu.memory_space<vmem>>, vector<2x1000x16xf32>
    %slice3A = vector.extract_strided_slice %get3A_2 {offsets = [0, 0, 0], sizes = [1, 1000, 1], strides = [1, 1, 1]} : vector<2x1000x16xf32> to vector<1x1000x1xf32>
    %squeeze3A = vector.shape_cast %slice3A : vector<1x1000x1xf32> to vector<1000x1xf32>
    %slice3A_3 = vector.extract_strided_slice %get3A_2 {offsets = [1, 0, 0], sizes = [1, 1000, 1], strides = [1, 1, 1]} : vector<2x1000x16xf32> to vector<1x1000x1xf32>
    %squeeze3A_4 = vector.shape_cast %slice3A_3 : vector<1x1000x1xf32> to vector<1000x1xf32>
    %add3A = arith.addf %squeeze3A, %squeeze3A_4 : vector<1000x1xf32>
    %add3A_5 = arith.constant 1.000000e+00 : f32
    %add3A_6 = vector.broadcast %add3A_5 : f32 to vector<1000x1xf32>
    %add3A_7 = arith.addf %add3A, %add3A_6 : vector<1000x1xf32>
    %rsqrt3A = math.rsqrt %add3A_7 : vector<1000x1xf32>
    %get3A_8 = arith.constant 0 : index
    %get3A_9 = arith.constant 0 : index
    %get3A_10 = arith.constant 0 : index
    %get3A_11 = vector.load %arg1[%get3A_8, %get3A_9, %get3A_10] : memref<2x1000x128xf32, #tpu.memory_space<vmem>>, vector<1x1000x128xf32>
    %get3A_12 = vector.shape_cast %get3A_11 : vector<1x1000x128xf32> to vector<1000x128xf32>
    %get3A_13 = arith.constant 1 : index
    %get3A_14 = arith.constant 0 : index
    %get3A_15 = arith.constant 0 : index
    %get3A_16 = vector.load %arg1[%get3A_13, %get3A_14, %get3A_15] : memref<2x1000x128xf32, #tpu.memory_space<vmem>>, vector<1x1000x128xf32>
    %get3A_17 = vector.shape_cast %get3A_16 : vector<1x1000x128xf32> to vector<1000x128xf32>
    %concatenate3A = tpu.concatenate %get3A_12, %get3A_17 in 1 : vector<1000x128xf32>, vector<1000x128xf32> -> vector<1000x256xf32>
    %mul3A = vector.broadcast %rsqrt3A : vector<1000x1xf32> to vector<1000x256xf32>
    %mul3A_18 = arith.mulf %mul3A, %concatenate3A : vector<1000x256xf32>
    %get3A_19 = arith.constant 0 : index
    %get3A_20 = arith.constant 0 : index
    %get3A_21 = vector.load %arg3[%get3A_19, %get3A_20] : memref<1x256xf32, #tpu.memory_space<vmem>>, vector<1x256xf32>
    %add3A_22 = vector.broadcast %get3A_21 : vector<1x256xf32> to vector<1000x256xf32>
    %add3A_23 = arith.addf %mul3A_18, %add3A_22 : vector<1000x256xf32>
    %max3A = arith.constant 0.000000e+00 : f32
    %max3A_24 = vector.broadcast %max3A : f32 to vector<1000x256xf32>
    %max3A_25 = arith.maximumf %add3A_23, %max3A_24 : vector<1000x256xf32>
    %swap3A = arith.constant 0 : index
    %swap3A_26 = arith.constant 0 : index
    %swap3A_27 = vector.load %arg5[%swap3A, %swap3A_26] : memref<1000x256xf32, #tpu.memory_space<vmem>>, vector<1000x256xf32>
    tpu.vector_store %arg5[%swap3A, %swap3A_26], %max3A_25 {strides = array<i32>} : memref<1000x256xf32, #tpu.memory_space<vmem>>, vector<1000x256xf32>,
    %get3A_28 = arith.constant 0 : index
    %get3A_29 = arith.constant 0 : index
    %get3A_30 = vector.load %arg4[%get3A_28, %get3A_29] : memref<256x256xf32, #tpu.memory_space<vmem>>, vector<256x256xf32>
    %dot_general3A = arith.constant dense<0.000000e+00> : vector<1000x256xf32>
    %dot_general3A_31 = tpu.matmul %max3A_25, %get3A_30, %dot_general3A {dimension_numbers = #tpu.dot_dimension_numbers<[1], [0], [0], [1], [0, 0, 1, 1], [], []>, transpose_lhs_hint = false} : vector<1000x256xf32>, vector<256x256xf32>, vector<1000x256xf32> -> vector<1000x256xf32>
    %mul3A_32 = vector.broadcast %rsqrt3A : vector<1000x1xf32> to vector<1000x256xf32>
    %mul3A_33 = arith.mulf %mul3A_32, %dot_general3A_31 : vector<1000x256xf32>
    %slice3A_34 = vector.extract_strided_slice %mul3A_33 {offsets = [0, 0], sizes = [1000, 128], strides = [1, 1]} : vector<1000x256xf32> to vector<1000x128xf32>
    %swap3A_35 = arith.constant 0 : index
    %swap3A_36 = arith.constant 0 : index
    %swap3A_37 = arith.constant 0 : index
    %swap3A_38 = vector.load %arg6[%swap3A_35, %swap3A_36, %swap3A_37] : memref<2x1000x128xf32, #tpu.memory_space<vmem>>, vector<1x1000x128xf32>
    %swap3A_39 = vector.shape_cast %swap3A_38 : vector<1x1000x128xf32> to vector<1000x128xf32>
    %swap3A_40 = vector.shape_cast %slice3A_34 : vector<1000x128xf32> to vector<1x1000x128xf32>
    tpu.vector_store %arg6[%swap3A_35, %swap3A_36, %swap3A_37], %swap3A_40 {strides = array<i32>} : memref<2x1000x128xf32, #tpu.memory_space<vmem>>, vector<1x1000x128xf32>,
    %slice3A_41 = vector.extract_strided_slice %mul3A_33 {offsets = [0, 128], sizes = [1000, 128], strides = [1, 1]} : vector<1000x256xf32> to vector<1000x128xf32>
    %swap3A_42 = arith.constant 1 : index
    %swap3A_43 = arith.constant 0 : index
    %swap3A_44 = arith.constant 0 : index
    %swap3A_45 = vector.load %arg6[%swap3A_42, %swap3A_43, %swap3A_44] : memref<2x1000x128xf32, #tpu.memory_space<vmem>>, vector<1x1000x128xf32>
    %swap3A_46 = vector.shape_cast %swap3A_45 : vector<1x1000x128xf32> to vector<1000x128xf32>
    %swap3A_47 = vector.shape_cast %slice3A_41 : vector<1000x128xf32> to vector<1x1000x128xf32>
    tpu.vector_store %arg6[%swap3A_42, %swap3A_43, %swap3A_44], %swap3A_47 {strides = array<i32>} : memref<2x1000x128xf32, #tpu.memory_space<vmem>>, vector<1x1000x128xf32>,
    %eq3A = arith.constant 0 : i32
    %eq3A_48 = arith.cmpi eq, %arg0, %eq3A : i32
    %convert_element_type3A = arith.extui %eq3A_48 : i1 to i32
    %cond3A = arith.constant 0 : i32
    %cond3A_49 = arith.cmpi ne, %convert_element_type3A, %cond3A : i32
    scf.if %cond3A_49 {
      %broadcast_in_dim3A_69 = arith.constant 0.000000e+00 : f32
      %broadcast_in_dim3A_70 = vector.broadcast %broadcast_in_dim3A_69 : f32 to vector<1x256xf32>
      %swap3A_71 = arith.constant 0 : index
      %swap3A_72 = arith.constant 0 : index
      %swap3A_73 = vector.load %arg7[%swap3A_71, %swap3A_72] : memref<1x256xf32, #tpu.memory_space<vmem>>, vector<1x256xf32>
      tpu.vector_store %arg7[%swap3A_71, %swap3A_72], %broadcast_in_dim3A_70 {strides = array<i32>} : memref<1x256xf32, #tpu.memory_space<vmem>>, vector<1x256xf32>,
      %broadcast_in_dim3A_74 = arith.constant 0.000000e+00 : f32
      %broadcast_in_dim3A_75 = vector.broadcast %broadcast_in_dim3A_74 : f32 to vector<1x256xf32>
      %swap3A_76 = arith.constant 0 : index
      %swap3A_77 = arith.constant 0 : index
      %swap3A_78 = vector.load %arg8[%swap3A_76, %swap3A_77] : memref<1x256xf32, #tpu.memory_space<vmem>>, vector<1x256xf32>
      tpu.vector_store %arg8[%swap3A_76, %swap3A_77], %broadcast_in_dim3A_75 {strides = array<i32>} : memref<1x256xf32, #tpu.memory_space<vmem>>, vector<1x256xf32>,
    } else {
    }
    %get3A_50 = arith.constant 0 : index
    %get3A_51 = arith.constant 0 : index
    %get3A_52 = vector.load %arg7[%get3A_50, %get3A_51] : memref<1x256xf32, #tpu.memory_space<vmem>>, vector<1x256xf32>
    %reduce_sum3A = arith.constant dense<0.000000e+00> : vector<256xf32>
    %reduce_sum3A_53 = vector.multi_reduction <add>, %max3A_25, %reduce_sum3A [0] : vector<1000x256xf32> to vector<256xf32>
    %broadcast_in_dim3A = vector.shape_cast %reduce_sum3A_53 : vector<256xf32> to vector<1x256xf32>
    %add3A_54 = arith.addf %get3A_52, %broadcast_in_dim3A : vector<1x256xf32>
    %swap3A_55 = arith.constant 0 : index
    %swap3A_56 = arith.constant 0 : index
    %swap3A_57 = vector.load %arg7[%swap3A_55, %swap3A_56] : memref<1x256xf32, #tpu.memory_space<vmem>>, vector<1x256xf32>
    tpu.vector_store %arg7[%swap3A_55, %swap3A_56], %add3A_54 {strides = array<i32>} : memref<1x256xf32, #tpu.memory_space<vmem>>, vector<1x256xf32>,
    %get3A_58 = arith.constant 0 : index
    %get3A_59 = arith.constant 0 : index
    %get3A_60 = vector.load %arg8[%get3A_58, %get3A_59] : memref<1x256xf32, #tpu.memory_space<vmem>>, vector<1x256xf32>
    %mul3A_61 = arith.mulf %max3A_25, %max3A_25 : vector<1000x256xf32>
    %reduce_sum3A_62 = arith.constant dense<0.000000e+00> : vector<256xf32>
    %reduce_sum3A_63 = vector.multi_reduction <add>, %mul3A_61, %reduce_sum3A_62 [0] : vector<1000x256xf32> to vector<256xf32>
    %broadcast_in_dim3A_64 = vector.shape_cast %reduce_sum3A_63 : vector<256xf32> to vector<1x256xf32>
    %add3A_65 = arith.addf %get3A_60, %broadcast_in_dim3A_64 : vector<1x256xf32>
    %swap3A_66 = arith.constant 0 : index
    %swap3A_67 = arith.constant 0 : index
    %swap3A_68 = vector.load %arg8[%swap3A_66, %swap3A_67] : memref<1x256xf32, #tpu.memory_space<vmem>>, vector<1x256xf32>
    tpu.vector_store %arg8[%swap3A_66, %swap3A_67], %add3A_65 {strides = array<i32>} : memref<1x256xf32, #tpu.memory_space<vmem>>, vector<1x256xf32>,
    return
  }
  func.func @transform_0(%arg0: i32) -> (i32, i32, i32) {
    %c0_i32 = arith.constant 0 : i32
    %c0_i32_0 = arith.constant 0 : i32
    %c0_i32_1 = arith.constant 0 : i32
    return %c0_i32, %arg0, %c0_i32_0 : i32, i32, i32
  }
  func.func @transform_1(%arg0: i32) -> (i32, i32, i32) {
    %c0_i32 = arith.constant 0 : i32
    %c0_i32_0 = arith.constant 0 : i32
    %c0_i32_1 = arith.constant 0 : i32
    return %c0_i32, %arg0, %c0_i32_0 : i32, i32, i32
  }
  func.func @transform_2(%arg0: i32) -> (i32, i32) {
    %c0_i32 = arith.constant 0 : i32
    %c0_i32_0 = arith.constant 0 : i32
    %c0_i32_1 = arith.constant 0 : i32
    return %c0_i32, %c0_i32_0 : i32, i32
  }
  func.func @transform_3(%arg0: i32) -> (i32, i32) {
    %c0_i32 = arith.constant 0 : i32
    %c0_i32_0 = arith.constant 0 : i32
    %c0_i32_1 = arith.constant 0 : i32
    return %c0_i32, %c0_i32_0 : i32, i32
  }
  func.func @transform_4(%arg0: i32) -> (i32, i32) {
    %c0_i32 = arith.constant 0 : i32
    %c0_i32_0 = arith.constant 0 : i32
    return %arg0, %c0_i32 : i32, i32
  }
  func.func @transform_5(%arg0: i32) -> (i32, i32, i32) {
    %c0_i32 = arith.constant 0 : i32
    %c0_i32_0 = arith.constant 0 : i32
    %c0_i32_1 = arith.constant 0 : i32
    return %c0_i32, %arg0, %c0_i32_0 : i32, i32, i32
  }
  func.func @transform_6(%arg0: i32) -> (i32, i32) {
    %c0_i32 = arith.constant 0 : i32
    %c0_i32_0 = arith.constant 0 : i32
    %c0_i32_1 = arith.constant 0 : i32
    return %c0_i32, %c0_i32_0 : i32, i32
  }
  func.func @transform_7(%arg0: i32) -> (i32, i32) {
    %c0_i32 = arith.constant 0 : i32
    %c0_i32_0 = arith.constant 0 : i32
    %c0_i32_1 = arith.constant 0 : i32
    return %c0_i32, %c0_i32_0 : i32, i32
  }
}

module attributes {stable_mosaic.version = 14 : i64} {
  func.func @_layer_last_body(%arg0: i32, %arg1: memref<2x1000x128xf32, #tpu.memory_space<vmem>>, %arg2: memref<2x1000x16xf32, #tpu.memory_space<vmem>>, %arg3: memref<1x256xf32, #tpu.memory_space<vmem>>, %arg4: memref<1000x256xf32, #tpu.memory_space<vmem>>, %arg5: memref<1x256xf32, #tpu.memory_space<vmem>>, %arg6: memref<1x256xf32, #tpu.memory_space<vmem>>) attributes {dimension_semantics = [#tpu.dimension_semantics<arbitrary>], iteration_bounds = array<i64: 10>, scalar_prefetch = 0 : i64, scratch_operands = 0 : i64, tpu.core_type = #tpu.core_type<tc>, window_params = [{transform_indices = @transform_0, window_bounds = array<i64: 2, 1000, 128>}, {transform_indices = @transform_1, window_bounds = array<i64: 2, 1000, 16>}, {pipeline_mode = #tpu.pipeline_mode<synchronous>, transform_indices = @transform_2, window_bounds = array<i64: 1, 256>}, {transform_indices = @transform_3, window_bounds = array<i64: 1000, 256>}, {pipeline_mode = #tpu.pipeline_mode<synchronous>, transform_indices = @transform_4, window_bounds = array<i64: 1, 256>}, {pipeline_mode = #tpu.pipeline_mode<synchronous>, transform_indices = @transform_5, window_bounds = array<i64: 1, 256>}]} {
    %get3A = arith.constant 0 : index
    %get3A_0 = arith.constant 0 : index
    %get3A_1 = arith.constant 0 : index
    %get3A_2 = vector.load %arg2[%get3A, %get3A_0, %get3A_1] : memref<2x1000x16xf32, #tpu.memory_space<vmem>>, vector<2x1000x16xf32>
    %slice3A = vector.extract_strided_slice %get3A_2 {offsets = [0, 0, 0], sizes = [1, 1000, 1], strides = [1, 1, 1]} : vector<2x1000x16xf32> to vector<1x1000x1xf32>
    %squeeze3A = vector.shape_cast %slice3A : vector<1x1000x1xf32> to vector<1000x1xf32>
    %slice3A_3 = vector.extract_strided_slice %get3A_2 {offsets = [1, 0, 0], sizes = [1, 1000, 1], strides = [1, 1, 1]} : vector<2x1000x16xf32> to vector<1x1000x1xf32>
    %squeeze3A_4 = vector.shape_cast %slice3A_3 : vector<1x1000x1xf32> to vector<1000x1xf32>
    %add3A = arith.addf %squeeze3A, %squeeze3A_4 : vector<1000x1xf32>
    %add3A_5 = arith.constant 1.000000e+00 : f32
    %add3A_6 = vector.broadcast %add3A_5 : f32 to vector<1000x1xf32>
    %add3A_7 = arith.addf %add3A, %add3A_6 : vector<1000x1xf32>
    %rsqrt3A = math.rsqrt %add3A_7 : vector<1000x1xf32>
    %get3A_8 = arith.constant 0 : index
    %get3A_9 = arith.constant 0 : index
    %get3A_10 = arith.constant 0 : index
    %get3A_11 = vector.load %arg1[%get3A_8, %get3A_9, %get3A_10] : memref<2x1000x128xf32, #tpu.memory_space<vmem>>, vector<1x1000x128xf32>
    %get3A_12 = vector.shape_cast %get3A_11 : vector<1x1000x128xf32> to vector<1000x128xf32>
    %get3A_13 = arith.constant 1 : index
    %get3A_14 = arith.constant 0 : index
    %get3A_15 = arith.constant 0 : index
    %get3A_16 = vector.load %arg1[%get3A_13, %get3A_14, %get3A_15] : memref<2x1000x128xf32, #tpu.memory_space<vmem>>, vector<1x1000x128xf32>
    %get3A_17 = vector.shape_cast %get3A_16 : vector<1x1000x128xf32> to vector<1000x128xf32>
    %concatenate3A = tpu.concatenate %get3A_12, %get3A_17 in 1 : vector<1000x128xf32>, vector<1000x128xf32> -> vector<1000x256xf32>
    %mul3A = vector.broadcast %rsqrt3A : vector<1000x1xf32> to vector<1000x256xf32>
    %mul3A_18 = arith.mulf %mul3A, %concatenate3A : vector<1000x256xf32>
    %get3A_19 = arith.constant 0 : index
    %get3A_20 = arith.constant 0 : index
    %get3A_21 = vector.load %arg3[%get3A_19, %get3A_20] : memref<1x256xf32, #tpu.memory_space<vmem>>, vector<1x256xf32>
    %add3A_22 = vector.broadcast %get3A_21 : vector<1x256xf32> to vector<1000x256xf32>
    %add3A_23 = arith.addf %mul3A_18, %add3A_22 : vector<1000x256xf32>
    %max3A = arith.constant 0.000000e+00 : f32
    %max3A_24 = vector.broadcast %max3A : f32 to vector<1000x256xf32>
    %max3A_25 = arith.maximumf %add3A_23, %max3A_24 : vector<1000x256xf32>
    %swap3A = arith.constant 0 : index
    %swap3A_26 = arith.constant 0 : index
    %swap3A_27 = vector.load %arg4[%swap3A, %swap3A_26] : memref<1000x256xf32, #tpu.memory_space<vmem>>, vector<1000x256xf32>
    tpu.vector_store %arg4[%swap3A, %swap3A_26], %max3A_25 {strides = array<i32>} : memref<1000x256xf32, #tpu.memory_space<vmem>>, vector<1000x256xf32>,
    %eq3A = arith.constant 0 : i32
    %eq3A_28 = arith.cmpi eq, %arg0, %eq3A : i32
    %convert_element_type3A = arith.extui %eq3A_28 : i1 to i32
    %cond3A = arith.constant 0 : i32
    %cond3A_29 = arith.cmpi ne, %convert_element_type3A, %cond3A : i32
    scf.if %cond3A_29 {
      %broadcast_in_dim3A_49 = arith.constant 0.000000e+00 : f32
      %broadcast_in_dim3A_50 = vector.broadcast %broadcast_in_dim3A_49 : f32 to vector<1x256xf32>
      %swap3A_51 = arith.constant 0 : index
      %swap3A_52 = arith.constant 0 : index
      %swap3A_53 = vector.load %arg5[%swap3A_51, %swap3A_52] : memref<1x256xf32, #tpu.memory_space<vmem>>, vector<1x256xf32>
      tpu.vector_store %arg5[%swap3A_51, %swap3A_52], %broadcast_in_dim3A_50 {strides = array<i32>} : memref<1x256xf32, #tpu.memory_space<vmem>>, vector<1x256xf32>,
      %broadcast_in_dim3A_54 = arith.constant 0.000000e+00 : f32
      %broadcast_in_dim3A_55 = vector.broadcast %broadcast_in_dim3A_54 : f32 to vector<1x256xf32>
      %swap3A_56 = arith.constant 0 : index
      %swap3A_57 = arith.constant 0 : index
      %swap3A_58 = vector.load %arg6[%swap3A_56, %swap3A_57] : memref<1x256xf32, #tpu.memory_space<vmem>>, vector<1x256xf32>
      tpu.vector_store %arg6[%swap3A_56, %swap3A_57], %broadcast_in_dim3A_55 {strides = array<i32>} : memref<1x256xf32, #tpu.memory_space<vmem>>, vector<1x256xf32>,
    } else {
    }
    %get3A_30 = arith.constant 0 : index
    %get3A_31 = arith.constant 0 : index
    %get3A_32 = vector.load %arg5[%get3A_30, %get3A_31] : memref<1x256xf32, #tpu.memory_space<vmem>>, vector<1x256xf32>
    %reduce_sum3A = arith.constant dense<0.000000e+00> : vector<256xf32>
    %reduce_sum3A_33 = vector.multi_reduction <add>, %max3A_25, %reduce_sum3A [0] : vector<1000x256xf32> to vector<256xf32>
    %broadcast_in_dim3A = vector.shape_cast %reduce_sum3A_33 : vector<256xf32> to vector<1x256xf32>
    %add3A_34 = arith.addf %get3A_32, %broadcast_in_dim3A : vector<1x256xf32>
    %swap3A_35 = arith.constant 0 : index
    %swap3A_36 = arith.constant 0 : index
    %swap3A_37 = vector.load %arg5[%swap3A_35, %swap3A_36] : memref<1x256xf32, #tpu.memory_space<vmem>>, vector<1x256xf32>
    tpu.vector_store %arg5[%swap3A_35, %swap3A_36], %add3A_34 {strides = array<i32>} : memref<1x256xf32, #tpu.memory_space<vmem>>, vector<1x256xf32>,
    %get3A_38 = arith.constant 0 : index
    %get3A_39 = arith.constant 0 : index
    %get3A_40 = vector.load %arg6[%get3A_38, %get3A_39] : memref<1x256xf32, #tpu.memory_space<vmem>>, vector<1x256xf32>
    %mul3A_41 = arith.mulf %max3A_25, %max3A_25 : vector<1000x256xf32>
    %reduce_sum3A_42 = arith.constant dense<0.000000e+00> : vector<256xf32>
    %reduce_sum3A_43 = vector.multi_reduction <add>, %mul3A_41, %reduce_sum3A_42 [0] : vector<1000x256xf32> to vector<256xf32>
    %broadcast_in_dim3A_44 = vector.shape_cast %reduce_sum3A_43 : vector<256xf32> to vector<1x256xf32>
    %add3A_45 = arith.addf %get3A_40, %broadcast_in_dim3A_44 : vector<1x256xf32>
    %swap3A_46 = arith.constant 0 : index
    %swap3A_47 = arith.constant 0 : index
    %swap3A_48 = vector.load %arg6[%swap3A_46, %swap3A_47] : memref<1x256xf32, #tpu.memory_space<vmem>>, vector<1x256xf32>
    tpu.vector_store %arg6[%swap3A_46, %swap3A_47], %add3A_45 {strides = array<i32>} : memref<1x256xf32, #tpu.memory_space<vmem>>, vector<1x256xf32>,
    return
  }
  func.func @transform_0(%arg0: i32) -> (i32, i32, i32) {
    %c0_i32 = arith.constant 0 : i32
    %c0_i32_0 = arith.constant 0 : i32
    %c0_i32_1 = arith.constant 0 : i32
    return %c0_i32, %arg0, %c0_i32_0 : i32, i32, i32
  }
  func.func @transform_1(%arg0: i32) -> (i32, i32, i32) {
    %c0_i32 = arith.constant 0 : i32
    %c0_i32_0 = arith.constant 0 : i32
    %c0_i32_1 = arith.constant 0 : i32
    return %c0_i32, %arg0, %c0_i32_0 : i32, i32, i32
  }
  func.func @transform_2(%arg0: i32) -> (i32, i32) {
    %c0_i32 = arith.constant 0 : i32
    %c0_i32_0 = arith.constant 0 : i32
    %c0_i32_1 = arith.constant 0 : i32
    return %c0_i32, %c0_i32_0 : i32, i32
  }
  func.func @transform_3(%arg0: i32) -> (i32, i32) {
    %c0_i32 = arith.constant 0 : i32
    %c0_i32_0 = arith.constant 0 : i32
    return %arg0, %c0_i32 : i32, i32
  }
  func.func @transform_4(%arg0: i32) -> (i32, i32) {
    %c0_i32 = arith.constant 0 : i32
    %c0_i32_0 = arith.constant 0 : i32
    %c0_i32_1 = arith.constant 0 : i32
    return %c0_i32, %c0_i32_0 : i32, i32
  }
  func.func @transform_5(%arg0: i32) -> (i32, i32) {
    %c0_i32 = arith.constant 0 : i32
    %c0_i32_0 = arith.constant 0 : i32
    %c0_i32_1 = arith.constant 0 : i32
    return %c0_i32, %c0_i32_0 : i32, i32
  }
}

module attributes {stable_mosaic.version = 14 : i64} {
  func.func @_out_body(%arg0: i32, %arg1: memref<1000x256xf32, #tpu.memory_space<vmem>>, %arg2: memref<1000x256xf32, #tpu.memory_space<vmem>>, %arg3: memref<1000x256xf32, #tpu.memory_space<vmem>>, %arg4: memref<1000x256xf32, #tpu.memory_space<vmem>>, %arg5: memref<1x1024xf32, #tpu.memory_space<vmem>>, %arg6: memref<1x1024xf32, #tpu.memory_space<vmem>>, %arg7: memref<1x1024xf32, #tpu.memory_space<vmem>>, %arg8: memref<1x1024xf32, #tpu.memory_space<vmem>>, %arg9: memref<1024x256xf32, #tpu.memory_space<vmem>>, %arg10: memref<1x256xf32, #tpu.memory_space<vmem>>, %arg11: memref<1000x256xf32, #tpu.memory_space<vmem>>) attributes {dimension_semantics = [#tpu.dimension_semantics<arbitrary>], iteration_bounds = array<i64: 10>, scalar_prefetch = 0 : i64, scratch_operands = 0 : i64, tpu.core_type = #tpu.core_type<tc>, window_params = [{transform_indices = @transform_0, window_bounds = array<i64: 1000, 256>}, {transform_indices = @transform_1, window_bounds = array<i64: 1000, 256>}, {transform_indices = @transform_2, window_bounds = array<i64: 1000, 256>}, {transform_indices = @transform_3, window_bounds = array<i64: 1000, 256>}, {pipeline_mode = #tpu.pipeline_mode<synchronous>, transform_indices = @transform_4, window_bounds = array<i64: 1, 1024>}, {pipeline_mode = #tpu.pipeline_mode<synchronous>, transform_indices = @transform_5, window_bounds = array<i64: 1, 1024>}, {pipeline_mode = #tpu.pipeline_mode<synchronous>, transform_indices = @transform_6, window_bounds = array<i64: 1, 1024>}, {pipeline_mode = #tpu.pipeline_mode<synchronous>, transform_indices = @transform_7, window_bounds = array<i64: 1, 1024>}, {pipeline_mode = #tpu.pipeline_mode<synchronous>, transform_indices = @transform_8, window_bounds = array<i64: 1024, 256>}, {pipeline_mode = #tpu.pipeline_mode<synchronous>, transform_indices = @transform_9, window_bounds = array<i64: 1, 256>}, {transform_indices = @transform_10, window_bounds = array<i64: 1000, 256>}]} {
    %get3A = arith.constant 0 : index
    %get3A_0 = arith.constant 0 : index
    %get3A_1 = vector.load %arg5[%get3A, %get3A_0] : memref<1x1024xf32, #tpu.memory_space<vmem>>, vector<1x1024xf32>
    %mul3A = arith.constant 9.99999974E-5 : f32
    %mul3A_2 = vector.broadcast %mul3A : f32 to vector<1x1024xf32>
    %mul3A_3 = arith.mulf %get3A_1, %mul3A_2 : vector<1x1024xf32>
    %get3A_4 = arith.constant 0 : index
    %get3A_5 = arith.constant 0 : index
    %get3A_6 = vector.load %arg6[%get3A_4, %get3A_5] : memref<1x1024xf32, #tpu.memory_space<vmem>>, vector<1x1024xf32>
    %mul3A_7 = arith.constant 9.99999974E-5 : f32
    %mul3A_8 = vector.broadcast %mul3A_7 : f32 to vector<1x1024xf32>
    %mul3A_9 = arith.mulf %get3A_6, %mul3A_8 : vector<1x1024xf32>
    %mul3A_10 = arith.mulf %mul3A_3, %mul3A_3 : vector<1x1024xf32>
    %sub3A = arith.subf %mul3A_9, %mul3A_10 : vector<1x1024xf32>
    %get3A_11 = arith.constant 0 : index
    %get3A_12 = arith.constant 0 : index
    %get3A_13 = vector.load %arg7[%get3A_11, %get3A_12] : memref<1x1024xf32, #tpu.memory_space<vmem>>, vector<1x1024xf32>
    %add3A = arith.constant 9.99999974E-6 : f32
    %add3A_14 = vector.broadcast %add3A : f32 to vector<1x1024xf32>
    %add3A_15 = arith.addf %sub3A, %add3A_14 : vector<1x1024xf32>
    %rsqrt3A = math.rsqrt %add3A_15 : vector<1x1024xf32>
    %mul3A_16 = arith.mulf %get3A_13, %rsqrt3A : vector<1x1024xf32>
    %get3A_17 = arith.constant 0 : index
    %get3A_18 = arith.constant 0 : index
    %get3A_19 = vector.load %arg8[%get3A_17, %get3A_18] : memref<1x1024xf32, #tpu.memory_space<vmem>>, vector<1x1024xf32>
    %mul3A_20 = arith.mulf %mul3A_3, %mul3A_16 : vector<1x1024xf32>
    %sub3A_21 = arith.subf %get3A_19, %mul3A_20 : vector<1x1024xf32>
    %get3A_22 = arith.constant 0 : index
    %get3A_23 = arith.constant 0 : index
    %get3A_24 = vector.load %arg1[%get3A_22, %get3A_23] : memref<1000x256xf32, #tpu.memory_space<vmem>>, vector<1000x256xf32>
    %get3A_25 = arith.constant 0 : index
    %get3A_26 = arith.constant 0 : index
    %get3A_27 = vector.load %arg2[%get3A_25, %get3A_26] : memref<1000x256xf32, #tpu.memory_space<vmem>>, vector<1000x256xf32>
    %get3A_28 = arith.constant 0 : index
    %get3A_29 = arith.constant 0 : index
    %get3A_30 = vector.load %arg3[%get3A_28, %get3A_29] : memref<1000x256xf32, #tpu.memory_space<vmem>>, vector<1000x256xf32>
    %get3A_31 = arith.constant 0 : index
    %get3A_32 = arith.constant 0 : index
    %get3A_33 = vector.load %arg4[%get3A_31, %get3A_32] : memref<1000x256xf32, #tpu.memory_space<vmem>>, vector<1000x256xf32>
    %concatenate3A = tpu.concatenate %get3A_24, %get3A_27, %get3A_30, %get3A_33 in 1 : vector<1000x256xf32>, vector<1000x256xf32>, vector<1000x256xf32>, vector<1000x256xf32> -> vector<1000x1024xf32>
    %mul3A_34 = vector.broadcast %mul3A_16 : vector<1x1024xf32> to vector<1000x1024xf32>
    %mul3A_35 = arith.mulf %concatenate3A, %mul3A_34 : vector<1000x1024xf32>
    %get3A_36 = arith.constant 0 : index
    %get3A_37 = arith.constant 0 : index
    %get3A_38 = vector.load %arg9[%get3A_36, %get3A_37] : memref<1024x256xf32, #tpu.memory_space<vmem>>, vector<1024x256xf32>
    %dot_general3A = arith.constant dense<0.000000e+00> : vector<1000x256xf32>
    %dot_general3A_39 = tpu.matmul %mul3A_35, %get3A_38, %dot_general3A {dimension_numbers = #tpu.dot_dimension_numbers<[1], [0], [0], [1], [0, 0, 1, 1], [], []>, transpose_lhs_hint = false} : vector<1000x1024xf32>, vector<1024x256xf32>, vector<1000x256xf32> -> vector<1000x256xf32>
    %dot_general3A_40 = arith.constant dense<0.000000e+00> : vector<1x256xf32>
    %dot_general3A_41 = tpu.matmul %sub3A_21, %get3A_38, %dot_general3A_40 {dimension_numbers = #tpu.dot_dimension_numbers<[1], [0], [0], [1], [0, 0, 1, 1], [], []>, transpose_lhs_hint = false} : vector<1x1024xf32>, vector<1024x256xf32>, vector<1x256xf32> -> vector<1x256xf32>
    %add3A_42 = vector.broadcast %dot_general3A_41 : vector<1x256xf32> to vector<1000x256xf32>
    %add3A_43 = arith.addf %dot_general3A_39, %add3A_42 : vector<1000x256xf32>
    %get3A_44 = arith.constant 0 : index
    %get3A_45 = arith.constant 0 : index
    %get3A_46 = vector.load %arg10[%get3A_44, %get3A_45] : memref<1x256xf32, #tpu.memory_space<vmem>>, vector<1x256xf32>
    %add3A_47 = vector.broadcast %get3A_46 : vector<1x256xf32> to vector<1000x256xf32>
    %add3A_48 = arith.addf %add3A_43, %add3A_47 : vector<1000x256xf32>
    %swap3A = arith.constant 0 : index
    %swap3A_49 = arith.constant 0 : index
    %swap3A_50 = vector.load %arg11[%swap3A, %swap3A_49] : memref<1000x256xf32, #tpu.memory_space<vmem>>, vector<1000x256xf32>
    tpu.vector_store %arg11[%swap3A, %swap3A_49], %add3A_48 {strides = array<i32>} : memref<1000x256xf32, #tpu.memory_space<vmem>>, vector<1000x256xf32>,
    return
  }
  func.func @transform_0(%arg0: i32) -> (i32, i32) {
    %c0_i32 = arith.constant 0 : i32
    %c0_i32_0 = arith.constant 0 : i32
    return %arg0, %c0_i32 : i32, i32
  }
  func.func @transform_1(%arg0: i32) -> (i32, i32) {
    %c0_i32 = arith.constant 0 : i32
    %c0_i32_0 = arith.constant 0 : i32
    return %arg0, %c0_i32 : i32, i32
  }
  func.func @transform_2(%arg0: i32) -> (i32, i32) {
    %c0_i32 = arith.constant 0 : i32
    %c0_i32_0 = arith.constant 0 : i32
    return %arg0, %c0_i32 : i32, i32
  }
  func.func @transform_3(%arg0: i32) -> (i32, i32) {
    %c0_i32 = arith.constant 0 : i32
    %c0_i32_0 = arith.constant 0 : i32
    return %arg0, %c0_i32 : i32, i32
  }
  func.func @transform_4(%arg0: i32) -> (i32, i32) {
    %c0_i32 = arith.constant 0 : i32
    %c0_i32_0 = arith.constant 0 : i32
    %c0_i32_1 = arith.constant 0 : i32
    return %c0_i32, %c0_i32_0 : i32, i32
  }
  func.func @transform_5(%arg0: i32) -> (i32, i32) {
    %c0_i32 = arith.constant 0 : i32
    %c0_i32_0 = arith.constant 0 : i32
    %c0_i32_1 = arith.constant 0 : i32
    return %c0_i32, %c0_i32_0 : i32, i32
  }
  func.func @transform_6(%arg0: i32) -> (i32, i32) {
    %c0_i32 = arith.constant 0 : i32
    %c0_i32_0 = arith.constant 0 : i32
    %c0_i32_1 = arith.constant 0 : i32
    return %c0_i32, %c0_i32_0 : i32, i32
  }
  func.func @transform_7(%arg0: i32) -> (i32, i32) {
    %c0_i32 = arith.constant 0 : i32
    %c0_i32_0 = arith.constant 0 : i32
    %c0_i32_1 = arith.constant 0 : i32
    return %c0_i32, %c0_i32_0 : i32, i32
  }
  func.func @transform_8(%arg0: i32) -> (i32, i32) {
    %c0_i32 = arith.constant 0 : i32
    %c0_i32_0 = arith.constant 0 : i32
    %c0_i32_1 = arith.constant 0 : i32
    return %c0_i32, %c0_i32_0 : i32, i32
  }
  func.func @transform_9(%arg0: i32) -> (i32, i32) {
    %c0_i32 = arith.constant 0 : i32
    %c0_i32_0 = arith.constant 0 : i32
    %c0_i32_1 = arith.constant 0 : i32
    return %c0_i32, %c0_i32_0 : i32, i32
  }
  func.func @transform_10(%arg0: i32) -> (i32, i32) {
    %c0_i32 = arith.constant 0 : i32
    %c0_i32_0 = arith.constant 0 : i32
    return %arg0, %c0_i32 : i32, i32
  }
}

</mosaic_0001>

<sc_bundles>
// kernel: kernel.14.cloned.1.call-start
scs
__scs_entry_jumppad:
0x0: {  	(pc) =	sbr.rel $0x88, $3  }
0x1: {  	(tag) =	ssettag $0x0;
	lr =	simm.s32 $0x1  }
0x2: {  	[smem:$0x3F95] =	sst lr;
	_ =	strace $0xD0000000  }
0x3: {  	_ = 	snop  }
0x4: {  	_ = 	snop  }
0x5: {  	_ = 	snop  }
0x6: {  	_ = 	snop  }
0x7: {  	_ = 	snop  }
__scs_overlays_trampoline_lowered:
0x8: {  	[smem:$0x3FA4] =	sst s0  }
0x9: {  	[smem:$0x3FA5] =	sst s1  }
0xa: {  	[smem:$0x3FA6] =	sst s2  }
0xb: {  	[smem:$0x3FA7] =	sst s3  }
0xc: {  	[smem:$0x3FA8] =	sst s4  }
0xd: {  	[smem:$0x3FA9] =	sst s5  }
0xe: {  	[smem:$0x3FAA] =	sst s6  }
0xf: {  	[smem:$0x3FAB] =	sst s7  }
0x10: {  	[smem:$0x3FAC] =	sst s8  }
0x11: {  	[smem:$0x3FAD] =	sst s9;
	s0 =	simm.s32 @!p0 $0x0  }
0x12: {  	s1 =	sld [smem:$0x3F93];
	s0 =	simm.s32 @p0 $0x1  }
0x13: {  	[smem:$0x3FAE] =	sst s0;
	s0 =	simm.s32 @!p1 $0x0  }
0x14: {  	s2 =	sld [smem:$0x3F92];
	s0 =	simm.s32 @p1 $0x1  }
0x15: {  	[smem:$0x3FAF] =	sst s0;
	s0 =	simm.s32 @!p2 $0x0  }
0x16: {  	s3 =	sld [smem:$0x3FDB];
	s0 =	simm.s32 @p2 $0x1  }
0x17: {  	s4 =	simm.s32 $0x1BF5;
	[smem:$0x3FB1] =	sst s0  }
0x18: {  	s0 =	sld [smem:$0x3F94];
	_ =	swait.ge [sflag:s4], $0x0  }
0x19: {  	s7 =	sld [smem:$0x3F95]  }
0x1a: {  	s8 =	sadd.s32 $0xFFFFE003, lr  }
0x1b: {  	s9 =	sadd.s32 $0xFFFFFEF7, lr;
	s5 =	simm.s32 $0xFFFFFFFF;
	p2 =	slt.u32 s8, $0xFFFFF086  }
0x1c: {  	p1 =	slt.u32 s9, $0xF7A;
	s5 =	simm.s32 @!p2 $0x0  }
0x1d: {  	s5 =	simm.s32 @p1 $0x1;
	p0 =	seq.s32 s7, s2  }
0x1e: {  	s7 =	smul.u32 @!p0 $0xF7A, s2;
	p2 =	seq.s32 @!p0 s5, $0x0  }
0x1f: {  	s9 =	smul.u32 $0xF7A, s1;
	s8 =	simm.s32 @!p0 $0x1BF5;
	p2 =	por !p2, p0  }
0x20: {  	[sflag:s8] =	ssyncset.s32 @!p0 $0xFFFFF086;
	s6 =	sadd.s32 @!p0 s3, s7;
	s7 =	simm.s32 @!p0 $0x108  }
0x21: {  	s3 =	sadd.s32 s3, s9;
	s6 =	sadd.s32 @!p0 $0x88, s6;
	s7 =	simm.s32 @p2 $0x1082  }
0x22: {  	[simem:s7], [sflag:s8] =	dma.local @!p0 [hbm:s6], $0xF7A  }
0x23: {  	s9 =	sor.u32 $0xD0000000, s2;
	s6 =	simm.s32 $0x108;
	_ =	swait.ge @!p0 [sflag:s8], $0x0  }
0x24: {  	s3 =	sadd.s32 $0x88, s3;
	s6 =	simm.s32 @!p1 $0x1082;
	[sflag:s4] =	ssyncset.s32 $0xFFFFF086  }
0x25: {  	[simem:s6], [sflag:s4] =	dma.local [hbm:s3], $0xF7A  }
0x26: {  	[smem:$0x3F95] =	sst s1;
	(tag) =	ssettag s2;
	_ =	strace s9  }
0x27: {  	s1 =	sld [smem:$0x3FA5]  }
0x28: {  	s2 =	sld [smem:$0x3FA6]  }
0x29: {  	s4 =	sld [smem:$0x3FA8]  }
0x2a: {  	p0 =	seq.s32 s5, $0x0;
	s5 =	sld [smem:$0x3FA9]  }
0x2b: {  	s6 =	sld [smem:$0x3FAA]  }
0x2c: {  	s7 =	sld [smem:$0x3FAB]  }
0x2d: {  	s3 =	simm.s32 $0x108;
	s8 =	sld [smem:$0x3FAC]  }
0x2e: {  	s3 =	simm.s32 @!p0 $0x1082;
	s9 =	sld [smem:$0x3FAD]  }
0x2f: {  	lr =	sadd.s32 s0, s3;
	s0 =	sld [smem:$0x3FA4]  }
0x30: {  	s3 =	sld [smem:$0x3FA7]  }
0x31: {  	[smem:$0x3FB0] =	sst s10  }
0x32: {  	s10 =	sld [smem:$0x3FAE];
	_ =	sdelay $0x3  }
0x33: {  	p0 =	seq.s32 s10, $0x1;
	s10 =	sld [smem:$0x3FB0];
	_ =	sdelay $0x3  }
0x34: {  	[smem:$0x3FB0] =	sst s10  }
0x35: {  	s10 =	sld [smem:$0x3FAF];
	_ =	sdelay $0x3  }
0x36: {  	p1 =	seq.s32 s10, $0x1;
	s10 =	sld [smem:$0x3FB0];
	_ =	sdelay $0x3  }
0x37: {  	[smem:$0x3FB0] =	sst s10  }
0x38: {  	s10 =	sld [smem:$0x3FB1]  }
0x39: {  	_ = 	snop;
	(pc) =	sbr.ind lr, $3  }
0x3a: {  	_ = 	snop  }
0x3b: {  	_ = 	snop  }
0x3c: {  	p2 =	seq.s32 s10, $0x1;
	s10 =	sld [smem:$0x3FB0]  }
0x3d: {  	_ =	shalt  }
0x3e: {  	_ =	shalt  }
0x3f: {  	_ =	shalt  }
0x40: {  	_ =	shalt  }
0x41: {  	_ =	shalt  }
0x42: {  	_ =	shalt  }
0x43: {  	_ =	shalt  }
0x44: {  	_ =	shalt  }
0x45: {  	_ =	shalt  }
0x46: {  	_ =	shalt  }
0x47: {  	_ =	shalt  }
0x48: {  	_ =	shalt  }
0x49: {  	_ =	shalt  }
0x4a: {  	_ =	shalt  }
0x4b: {  	_ =	shalt  }
0x4c: {  	_ =	shalt  }
0x4d: {  	_ =	shalt  }
0x4e: {  	_ =	shalt  }
0x4f: {  	_ =	shalt  }
0x50: {  	_ =	shalt  }
0x51: {  	_ =	shalt  }
0x52: {  	_ =	shalt  }
0x53: {  	_ =	shalt  }
0x54: {  	_ =	shalt  }
0x55: {  	_ =	shalt  }
0x56: {  	_ =	shalt  }
0x57: {  	_ =	shalt  }
0x58: {  	_ =	shalt  }
0x59: {  	_ =	shalt  }
0x5a: {  	_ =	shalt  }
0x5b: {  	_ =	shalt  }
0x5c: {  	_ =	shalt  }
0x5d: {  	_ =	shalt  }
0x5e: {  	_ =	shalt  }
0x5f: {  	_ =	shalt  }
0x60: {  	_ =	shalt  }
0x61: {  	_ =	shalt  }
0x62: {  	_ =	shalt  }
0x63: {  	_ =	shalt  }
0x64: {  	_ =	shalt  }
0x65: {  	_ =	shalt  }
0x66: {  	_ =	shalt  }
0x67: {  	_ =	shalt  }
0x68: {  	_ =	shalt  }
0x69: {  	_ =	shalt  }
0x6a: {  	_ =	shalt  }
0x6b: {  	_ =	shalt  }
0x6c: {  	_ =	shalt  }
0x6d: {  	_ =	shalt  }
0x6e: {  	_ =	shalt  }
0x6f: {  	_ =	shalt  }
0x70: {  	_ =	shalt  }
0x71: {  	_ =	shalt  }
0x72: {  	_ =	shalt  }
0x73: {  	_ =	shalt  }
0x74: {  	_ =	shalt  }
0x75: {  	_ =	shalt  }
0x76: {  	_ =	shalt  }
0x77: {  	_ =	shalt  }
0x78: {  	_ =	shalt  }
0x79: {  	_ =	shalt  }
0x7a: {  	_ =	shalt  }
0x7b: {  	_ =	shalt  }
0x7c: {  	_ =	shalt  }
0x7d: {  	_ =	shalt  }
0x7e: {  	_ =	shalt  }
0x7f: {  	_ =	shalt  }
0x80: {  	_ =	shalt  }
0x81: {  	_ =	shalt  }
0x82: {  	_ =	shalt  }
0x83: {  	_ =	shalt  }
0x84: {  	_ =	shalt  }
0x85: {  	_ =	shalt  }
0x86: {  	_ =	shalt  }
0x87: {  	_ =	shalt  }
.Lfunc_end0:
.L_simem_size_0:
called_computation_lowered:
.L_overlay_start_0:
0x88: {  	s2 =	sld [smem:$0x3FD9]  }
0x89: {  	s3 =	sld [smem:$0x3FFE];
	_ =	sdelay $0x1  }
0x8a: {  	s1 =	srdreg.scid  }
0x8b: {  	s0 =	sand.u32 $0x1, s1  }
0x8c: {  	s17 =	sshll.u32 s0, $0xA;
	s2 =	sadd.s32 s3, s2  }
0x8d: {  	s2 =	sadd.s32 s2, s17  }
0x8e: {  	[smem:$0x3FBC] =	sst s2  }
0x8f: {  	_ = 	snop  }
0x90: {  	s2 =	sld [smem:$0x3FD0];
	(tm) =	ssettm $0x1  }
0x91: {  	s18 =	sld [smem:$0x3FFB];
	_ =	sdelay $0x3  }
0x92: {  	_ =	strace s18  }
0x93: {  	s3 =	sld [smem:$0x3FFC];
	_ =	sdelay $0x3  }
0x94: {  	_ =	strace s3  }
0x95: {  	s3 =	sld [smem:$0x3FFD];
	_ =	sdelay $0x3  }
0x96: {  	_ =	strace s3  }
0x97: {  	_ =	strace $0x8FFFFFFF  }
0x98: {  	s19 =	sld [smem:$0x3FDB];
	_ =	sdelay $0x1  }
0x99: {  	s4 =	simm.s32 $_scs_section_size  }
0x9a: {  	s5 =	simm.s32 $_size__tile_overlayer_lowered;
	s6 =	simm.s32 $_tile_overlayer_lowered  }
0x9b: {  	s22 =	simm.s32 $0x1BFF;
	s21 =	sshll.u32 s6, $0x1;
	s3 =	sadd.s32 s4, s19  }
0x9c: {  	s7 =	simm.s32 $0x0;
	s20 =	sshll.u32 s5, $0x1;
	s5 =	sadd.s32 s21, s3  }
0x9d: {  	[timem:s7], [sflag:s22] =	dma.local [hbm:s5], s20  }
0x9e: {  	_ =	swait.ge [sflag:s22], s20  }
0x9f: {  	s4 =	ssub.s32 $0x0, s20;
	[sflag:s22] =	ssyncset.done $0x0  }
0xa0: {  	[sflag:s22] =	ssyncadd.s32 s4;
	_ =	sdelay $0x1  }
0xa1: {  	s23 =	simm.s32 $0x1B8B  }
0xa2: {  	_ =	swait.ge [sflag:s23], $0x1  }
0xa3: {  	[sflag:s23] =	ssyncset.done $0x0  }
0xa4: {  	s25 =	simm.s32 $0x1B8E;
	s24 =	sld [smem:$0x3FFE];
	[sflag:s23] =	ssyncadd.s32 $0xFFFFFFFF  }
0xa5: {  	s26 =	simm.s32 $execute0_lowered;
	[smem:$0x3FD2] =	sst s25  }
0xa6: {  	s5 =	sshll.u32 s26, $0x1;
	_ =	strace $0x80000046;
	[dreg:$0x1] =	wrdreg $0xFFFFFFFF  }
0xa7: {  	s28 =	simm.s32 $_size_execute0_lowered;
	s3 =	sadd.s32 s3, s5;
	[dreg:$0x0] =	wrdreg $0x0  }
0xa8: {  	s5 =	sshll.u32 s28, $0x1;
	[dreg:$0x2] =	wrdreg s3  }
0xa9: {  	[dreg:$0x3] =	wrdreg s5  }
0xaa: {  	[dreg:$0x4] =	wrdreg $0xC0  }
0xab: {  	_ =	task [dreg:s7], $0x5FFFF  }
0xac: {  	[dreg:$0x1] =	wrdreg $0xFFFFFFFF  }
0xad: {  	[dreg:$0x0] =	wrdreg $0x60  }
0xae: {  	[dreg:$0x2] =	wrdreg s24  }
0xaf: {  	[dreg:$0x3] =	wrdreg s2  }
0xb0: {  	[dreg:$0x4] =	wrdreg $0x0  }
0xb1: {  	[dreg:$0x5] =	wrdreg $0x9  }
0xb2: {  	_ =	task.clear_ibuf [dreg:s7], $0x6FFFF;
	_ =	strace $0x90000046  }
0xb3: {  	s29 =	simm.s32 $0x9;
	_ =	strace $0x80000048  }
0xb4: {  	_ =	swait.ge [sflag:s29], $0x1  }
0xb5: {  	[sflag:s29] =	ssyncadd.s32 $0xFFFFFFFF  }
0xb6: {  	_ =	strace $0x90000048  }
0xb7: {  	_ =	sfence  }
0xb8: {  	s30 =	sld [smem:$0x0];
	_ =	sdelay $0x2  }
0xb9: {  	s31 =	sshll.u32 s1, $0xD;
	s1 =	sshrl.u32 s1, $0x2  }
0xba: {  	s3 =	sand.u32 $0x4000, s31;
	s1 =	sadd.s32 s1, s30  }
0xbb: {  	s0 =	sor.u32 s3, s0;
	s1 =	sshll.u32 s1, $0x11  }
0xbc: {  	s0 =	sor.u32 s1, s0  }
0xbd: {  	s0 =	sadd.s32 $0x8F2B, s0  }
0xbe: {  	[sflag:s0] =	ssyncadd.remote.s32 $0x1  }
0xbf: {  	_ =	sfence.sel $0xFFFF  }
0xc0: {  	[dreg:$0x0] =	wrdreg $0xFFFFFFFF;
	(pc) =	sbr.abs _section_cstart, $3  }
0xc1: {  	[dreg:$0x1] =	wrdreg $0xFFFFFFFF  }
0xc2: {  	_ =	task.clear_ibuf [dreg:s7], $0x2FFFF;
	_ =	strace $0x9FFFFFFF  }
0xc3: {  	(tm) =	ssettm $0x7FFFFFFF  }
tec
execute0_lowered:
.L_overlay_start_1:
0x0: {  	(tag) =	ssettag $0x1  }
0x1: {  	s5 =	rddreg [dreg:$0x0]  }
0x2: {  	s0 =	srdreg.scid;
	s6 =	rddreg [dreg:$0x1]  }
0x3: {  	s2 =	rddreg [dreg:$0x2];
	s1 =	stileid.u32  }
0x4: {  	s3 =	simm.s32 $0x0;
	s12 =	simm.s32 $0x2800;
	s13 =	simm.s32 $0x1  }
0x5: {  	s4 =	sand.u32 $0x1, s0;
	s0 =	rddreg [dreg:$0x3];
	s10 =	smul.u32 $0x50000, s1  }
0x6: {  	s14 =	simm.s32 $0x80;
	[smem:$0x7FF] =	sst s3;
	s15 =	smul.u32 $0x2800, s1  }
0x7: {  	s31 =	sshll.u32 s1, $0x6;
	s7 =	sshll.u32 s4, $0x4;
	_ =	strace $0x80000047  }
0x8: {  	s8 =	smul.u32 $0x28000, s4;
	s9 =	ssub.s32 $0x2, s4;
	s4 =	sadd.s32 $0xB200, s5  }
0x9: {  	s7 =	sor.u32 s1, s7;
	s11 =	sshrl.u32 s9, $0x1;
	s30 =	sshrl.u32 s10, $0x2  }
0xa: {  	s7 =	smul.u32 $0x280, s7;
	s8 =	sadd.s32 s8, s5;
	s9 =	ssub.s32 s9, s11  }
0xb: {  	s10 =	sadd.s32 s30, s2;
	s11 =	simm.s32 $0x3C00;
	s16 =	sadd.s32 $0xBA00, s8  }
0xc: {  	s8 =	smax.u32 s9, $0x1;
	s9 =	sshrl.u32 s10, $0x3;
	s10 =	simm.s32 $0x2  }
0xd: {  	s7 =	sadd.s32 s7, s5;
	s5 =	sadd.s32 s6, s15;
	s6 =	sor.u32 $0x1C02, s31  }
0xe: {  	s15 =	sadd.s32 s15, s16;
	s16 =	simm.s32 $0x0;
	s7 =	sadd.s32 $0x6200, s7  }
.LBB2_1:
0xf: {  	[spmem:s9], [sflag:s6] =	dma.local [hbm:s5], $0x2800  }
0x10: {  	_ =	swait.ge [sflag:s10], $0x2800  }
0x11: {  	[sflag:s10] =	ssyncset.done $0x0  }
0x12: {  	[sflag:s10] =	ssyncadd.s32 $0xFFFFD800  }
0x13: {  	[tilespmem:s11], [sflag:$0x2] =	stream.linear.gather [hbm4b:s4+s3], $0x4000, $0x38;
	[tilespmem:$0x7C00] =	vst v63  }
0x14: {  	_ =	swait.ge [sflag:s10], $0x4000  }
0x15: {  	[sflag:s10] =	ssyncset.done $0x0  }
0x16: {  	[sflag:s10] =	ssyncadd.s32 $0xFFFFC000  }
0x17: {  	[tilespmem:s12], [sflag:$0x1] =	stream.linear.gather [hbm4b:s7+s3], $0x1400, $0x38;
	[tilespmem:$0x7C00] =	vst v63  }
0x18: {  	_ =	swait.ge [sflag:s13], $0x1400  }
0x19: {  	[sflag:s13] =	ssyncset.done $0x0  }
0x1a: {  	[sflag:s13] =	ssyncadd.s32 $0xFFFFEC00  }
0x1b: {  	s17 =	simm.s32 $0x2800;
	[bflag:$0x0] =	sbarrier.arrive $0xFFFF  }
0x1c: {  	[spmem:s2] =	stream.indirect.scatter.add.f32 [tilespmem:s11], [sflag:$0x2], $0x10, s17, s14, $0xb8;
	[tilespmem:$0x7C00] =	vst v63  }
0x1d: {  	s17 =	simm.s32 $0x200;
	_ =	swait.ge [sflag:s10], $0x800  }
.LBB2_2:
0x1e: {  	s18 =	sshra.s32 s17, $0x2;
	[sflag:s10] =	ssyncset.done $0x0;
	p0 =	sne.s32 s17, $0x4E00  }
.Ltmp0:
0x1f: {  	s18 =	sadd.s32 $0x2800, s18;
	[sflag:s10] =	ssyncadd.s32 $0xFFFFF800;
	(pc) =	sbr.rel @p0 .LBB2_2-.Ltmp0, $3  }
0x20: {  	[spmem:s2] =	stream.indirect.scatter.add.f32 [tilespmem:s11], [sflag:$0x2], $0x10, s18, s14, $0xb8;
	[tilespmem:$0x7C00] =	vst v63  }
0x21: {  	s17 =	sadd.s32 $0x200, s17;
	_ =	sdelay $0x1  }
0x22: {  	_ =	swait.ge [sflag:s10], $0x800  }
0x23: {  	[sflag:s10] =	ssyncset.done $0x0;
	s16 =	sadd.s32 $0x1, s16  }
0x24: {  	[sflag:s10] =	ssyncadd.s32 $0xFFFFF800;
	p0 =	sne.s32 s16, s8  }
.Ltmp1:
0x25: {  	[bflag:$0x0] =	sbarrier.arrive $0xFFFF;
	(pc) =	sbr.rel @p0 .LBB2_1-.Ltmp1, $4  }
0x26: {  	[hbm:s15], [sflag:s6] =	dma.local [spmem:s9], $0x2800  }
0x27: {  	_ =	swait.ge [sflag:s10], $0x2800  }
0x28: {  	[sflag:s10] =	ssyncset.done $0x0  }
0x29: {  	[sflag:s10] =	ssyncadd.s32 $0xFFFFD800  }
0x2a: {  	_ =	sfence.sel $0x180000  }
0x2b: {  	[bflag:$0x0] =	sbarrier.arrive $0xFFFF  }
0x2c: {  	p0 =	sne.s32 s1, $0x0;
	_ =	strace $0x90000047  }
0x2d: {  	s0 =	sadd.s32 @!p0 $0x100000, s0;
	[bflag:$0x2] =	sbarrier.arrive $0xFFFF  }
0x2e: {  	[sflag:s0] =	ssyncadd.tile.s32 @!p0 $0x1;
	_ =	shalt  }
.Lfunc_end2:
_tile_overlayer_lowered:
.L_overlay_start_2:
0x2f: {  	(tag) =	ssettag $0x2  }
0x30: {  	s0 =	rddreg [dreg:$0x0];
	s2 =	stileid.u32  }
0x31: {  	s1 =	rddreg [dreg:$0x1];
	p0 =	sne.s32 s2, $0x0  }
0x32: {  	s3 =	rddreg [dreg:$0x2];
	[bflag:$0x3] =	sbarrier.arrive $0xFFFF;
	s2 =	simm.s32 @!p0 $0x1C02  }
0x33: {  	[timem:s3], [sflag:s2] =	dma.local @!p0 [hbm:s0], s1  }
0x34: {  	s0 =	simm.s32 @!p0 $0x2  }
0x35: {  	_ =	swait.ge @!p0 [sflag:s0], s1  }
0x36: {  	s1 =	ssub.s32 @!p0 $0x0, s1;
	[sflag:s0] =	ssyncset.done @!p0 $0x0  }
0x37: {  	[sflag:s0] =	ssyncadd.s32 @!p0 s1  }
0x38: {  	[bflag:$0x3] =	sbarrier.arrive $0xFFFF  }
0x39: {  	_ =	shalt  }

// kernel: kernel.17.cloned.1.call-start
scs
__scs_entry_jumppad:
0x0: {  	(pc) =	sbr.rel $0x88, $3  }
0x1: {  	(tag) =	ssettag $0x0;
	lr =	simm.s32 $0x1  }
0x2: {  	[smem:$0x3F95] =	sst lr;
	_ =	strace $0xD0000000  }
0x3: {  	_ = 	snop  }
0x4: {  	_ = 	snop  }
0x5: {  	_ = 	snop  }
0x6: {  	_ = 	snop  }
0x7: {  	_ = 	snop  }
__scs_overlays_trampoline_lowered:
0x8: {  	[smem:$0x3FA4] =	sst s0  }
0x9: {  	[smem:$0x3FA5] =	sst s1  }
0xa: {  	[smem:$0x3FA6] =	sst s2  }
0xb: {  	[smem:$0x3FA7] =	sst s3  }
0xc: {  	[smem:$0x3FA8] =	sst s4  }
0xd: {  	[smem:$0x3FA9] =	sst s5  }
0xe: {  	[smem:$0x3FAA] =	sst s6  }
0xf: {  	[smem:$0x3FAB] =	sst s7  }
0x10: {  	[smem:$0x3FAC] =	sst s8  }
0x11: {  	[smem:$0x3FAD] =	sst s9;
	s0 =	simm.s32 @!p0 $0x0  }
0x12: {  	s1 =	sld [smem:$0x3F93];
	s0 =	simm.s32 @p0 $0x1  }
0x13: {  	[smem:$0x3FAE] =	sst s0;
	s0 =	simm.s32 @!p1 $0x0  }
0x14: {  	s2 =	sld [smem:$0x3F92];
	s0 =	simm.s32 @p1 $0x1  }
0x15: {  	[smem:$0x3FAF] =	sst s0;
	s0 =	simm.s32 @!p2 $0x0  }
0x16: {  	s3 =	sld [smem:$0x3FDB];
	s0 =	simm.s32 @p2 $0x1  }
0x17: {  	s4 =	simm.s32 $0x1BF5;
	[smem:$0x3FB1] =	sst s0  }
0x18: {  	s0 =	sld [smem:$0x3F94];
	_ =	swait.ge [sflag:s4], $0x0  }
0x19: {  	s7 =	sld [smem:$0x3F95]  }
0x1a: {  	s8 =	sadd.s32 $0xFFFFE003, lr  }
0x1b: {  	s9 =	sadd.s32 $0xFFFFFEF7, lr;
	s5 =	simm.s32 $0xFFFFFFFF;
	p2 =	slt.u32 s8, $0xFFFFF086  }
0x1c: {  	p1 =	slt.u32 s9, $0xF7A;
	s5 =	simm.s32 @!p2 $0x0  }
0x1d: {  	s5 =	simm.s32 @p1 $0x1;
	p0 =	seq.s32 s7, s2  }
0x1e: {  	s7 =	smul.u32 @!p0 $0xF7A, s2;
	p2 =	seq.s32 @!p0 s5, $0x0  }
0x1f: {  	s9 =	smul.u32 $0xF7A, s1;
	s8 =	simm.s32 @!p0 $0x1BF5;
	p2 =	por !p2, p0  }
0x20: {  	[sflag:s8] =	ssyncset.s32 @!p0 $0xFFFFF086;
	s6 =	sadd.s32 @!p0 s3, s7;
	s7 =	simm.s32 @!p0 $0x108  }
0x21: {  	s3 =	sadd.s32 s3, s9;
	s6 =	sadd.s32 @!p0 $0x88, s6;
	s7 =	simm.s32 @p2 $0x1082  }
0x22: {  	[simem:s7], [sflag:s8] =	dma.local @!p0 [hbm:s6], $0xF7A  }
0x23: {  	s9 =	sor.u32 $0xD0000000, s2;
	s6 =	simm.s32 $0x108;
	_ =	swait.ge @!p0 [sflag:s8], $0x0  }
0x24: {  	s3 =	sadd.s32 $0x88, s3;
	s6 =	simm.s32 @!p1 $0x1082;
	[sflag:s4] =	ssyncset.s32 $0xFFFFF086  }
0x25: {  	[simem:s6], [sflag:s4] =	dma.local [hbm:s3], $0xF7A  }
0x26: {  	[smem:$0x3F95] =	sst s1;
	(tag) =	ssettag s2;
	_ =	strace s9  }
0x27: {  	s1 =	sld [smem:$0x3FA5]  }
0x28: {  	s2 =	sld [smem:$0x3FA6]  }
0x29: {  	s4 =	sld [smem:$0x3FA8]  }
0x2a: {  	p0 =	seq.s32 s5, $0x0;
	s5 =	sld [smem:$0x3FA9]  }
0x2b: {  	s6 =	sld [smem:$0x3FAA]  }
0x2c: {  	s7 =	sld [smem:$0x3FAB]  }
0x2d: {  	s3 =	simm.s32 $0x108;
	s8 =	sld [smem:$0x3FAC]  }
0x2e: {  	s3 =	simm.s32 @!p0 $0x1082;
	s9 =	sld [smem:$0x3FAD]  }
0x2f: {  	lr =	sadd.s32 s0, s3;
	s0 =	sld [smem:$0x3FA4]  }
0x30: {  	s3 =	sld [smem:$0x3FA7]  }
0x31: {  	[smem:$0x3FB0] =	sst s10  }
0x32: {  	s10 =	sld [smem:$0x3FAE];
	_ =	sdelay $0x3  }
0x33: {  	p0 =	seq.s32 s10, $0x1;
	s10 =	sld [smem:$0x3FB0];
	_ =	sdelay $0x3  }
0x34: {  	[smem:$0x3FB0] =	sst s10  }
0x35: {  	s10 =	sld [smem:$0x3FAF];
	_ =	sdelay $0x3  }
0x36: {  	p1 =	seq.s32 s10, $0x1;
	s10 =	sld [smem:$0x3FB0];
	_ =	sdelay $0x3  }
0x37: {  	[smem:$0x3FB0] =	sst s10  }
0x38: {  	s10 =	sld [smem:$0x3FB1]  }
0x39: {  	_ = 	snop;
	(pc) =	sbr.ind lr, $3  }
0x3a: {  	_ = 	snop  }
0x3b: {  	_ = 	snop  }
0x3c: {  	p2 =	seq.s32 s10, $0x1;
	s10 =	sld [smem:$0x3FB0]  }
0x3d: {  	_ =	shalt  }
0x3e: {  	_ =	shalt  }
0x3f: {  	_ =	shalt  }
0x40: {  	_ =	shalt  }
0x41: {  	_ =	shalt  }
0x42: {  	_ =	shalt  }
0x43: {  	_ =	shalt  }
0x44: {  	_ =	shalt  }
0x45: {  	_ =	shalt  }
0x46: {  	_ =	shalt  }
0x47: {  	_ =	shalt  }
0x48: {  	_ =	shalt  }
0x49: {  	_ =	shalt  }
0x4a: {  	_ =	shalt  }
0x4b: {  	_ =	shalt  }
0x4c: {  	_ =	shalt  }
0x4d: {  	_ =	shalt  }
0x4e: {  	_ =	shalt  }
0x4f: {  	_ =	shalt  }
0x50: {  	_ =	shalt  }
0x51: {  	_ =	shalt  }
0x52: {  	_ =	shalt  }
0x53: {  	_ =	shalt  }
0x54: {  	_ =	shalt  }
0x55: {  	_ =	shalt  }
0x56: {  	_ =	shalt  }
0x57: {  	_ =	shalt  }
0x58: {  	_ =	shalt  }
0x59: {  	_ =	shalt  }
0x5a: {  	_ =	shalt  }
0x5b: {  	_ =	shalt  }
0x5c: {  	_ =	shalt  }
0x5d: {  	_ =	shalt  }
0x5e: {  	_ =	shalt  }
0x5f: {  	_ =	shalt  }
0x60: {  	_ =	shalt  }
0x61: {  	_ =	shalt  }
0x62: {  	_ =	shalt  }
0x63: {  	_ =	shalt  }
0x64: {  	_ =	shalt  }
0x65: {  	_ =	shalt  }
0x66: {  	_ =	shalt  }
0x67: {  	_ =	shalt  }
0x68: {  	_ =	shalt  }
0x69: {  	_ =	shalt  }
0x6a: {  	_ =	shalt  }
0x6b: {  	_ =	shalt  }
0x6c: {  	_ =	shalt  }
0x6d: {  	_ =	shalt  }
0x6e: {  	_ =	shalt  }
0x6f: {  	_ =	shalt  }
0x70: {  	_ =	shalt  }
0x71: {  	_ =	shalt  }
0x72: {  	_ =	shalt  }
0x73: {  	_ =	shalt  }
0x74: {  	_ =	shalt  }
0x75: {  	_ =	shalt  }
0x76: {  	_ =	shalt  }
0x77: {  	_ =	shalt  }
0x78: {  	_ =	shalt  }
0x79: {  	_ =	shalt  }
0x7a: {  	_ =	shalt  }
0x7b: {  	_ =	shalt  }
0x7c: {  	_ =	shalt  }
0x7d: {  	_ =	shalt  }
0x7e: {  	_ =	shalt  }
0x7f: {  	_ =	shalt  }
0x80: {  	_ =	shalt  }
0x81: {  	_ =	shalt  }
0x82: {  	_ =	shalt  }
0x83: {  	_ =	shalt  }
0x84: {  	_ =	shalt  }
0x85: {  	_ =	shalt  }
0x86: {  	_ =	shalt  }
0x87: {  	_ =	shalt  }
.Lfunc_end0:
.L_simem_size_0:
called_computation.1_lowered:
.L_overlay_start_0:
0x88: {  	s2 =	sld [smem:$0x3FD9]  }
0x89: {  	s3 =	sld [smem:$0x3FFE];
	_ =	sdelay $0x1  }
0x8a: {  	s1 =	srdreg.scid  }
0x8b: {  	s0 =	sand.u32 $0x1, s1  }
0x8c: {  	s16 =	sshll.u32 s0, $0xA;
	s2 =	sadd.s32 s3, s2  }
0x8d: {  	s2 =	sadd.s32 s2, s16  }
0x8e: {  	[smem:$0x3FBC] =	sst s2  }
0x8f: {  	_ = 	snop  }
0x90: {  	(tm) =	ssettm $0x1  }
0x91: {  	s17 =	sld [smem:$0x3FFB];
	_ =	sdelay $0x3  }
0x92: {  	_ =	strace s17  }
0x93: {  	s2 =	sld [smem:$0x3FFC];
	_ =	sdelay $0x3  }
0x94: {  	_ =	strace s2  }
0x95: {  	s2 =	sld [smem:$0x3FFD];
	_ =	sdelay $0x3  }
0x96: {  	_ =	strace s2  }
0x97: {  	_ =	strace $0x8FFFFFFF  }
0x98: {  	s18 =	sld [smem:$0x3FDB];
	_ =	sdelay $0x1  }
0x99: {  	s19 =	simm.s32 $_scs_section_size  }
0x9a: {  	s4 =	simm.s32 $_size__tile_overlayer_lowered;
	s5 =	simm.s32 $_tile_overlayer_lowered  }
0x9b: {  	s22 =	simm.s32 $0x1BFF;
	s21 =	sshll.u32 s5, $0x1;
	s2 =	sadd.s32 s19, s18  }
0x9c: {  	s6 =	simm.s32 $0x0;
	s20 =	sshll.u32 s4, $0x1;
	s4 =	sadd.s32 s21, s2  }
0x9d: {  	[timem:s6], [sflag:s22] =	dma.local [hbm:s4], s20  }
0x9e: {  	_ =	swait.ge [sflag:s22], s20  }
0x9f: {  	s3 =	ssub.s32 $0x0, s20;
	[sflag:s22] =	ssyncset.done $0x0  }
0xa0: {  	[sflag:s22] =	ssyncadd.s32 s3;
	_ =	sdelay $0x1  }
0xa1: {  	s23 =	simm.s32 $0x1B8B  }
0xa2: {  	_ =	swait.ge [sflag:s23], $0x1  }
0xa3: {  	[sflag:s23] =	ssyncset.done $0x0  }
0xa4: {  	s25 =	simm.s32 $0x1B8E;
	s24 =	sld [smem:$0x3FFE];
	[sflag:s23] =	ssyncadd.s32 $0xFFFFFFFF  }
0xa5: {  	s26 =	simm.s32 $execute0_lowered;
	[smem:$0x3FD2] =	sst s25  }
0xa6: {  	s4 =	sshll.u32 s26, $0x1;
	_ =	strace $0x80000049;
	[dreg:$0x1] =	wrdreg $0xFFFFFFFF  }
0xa7: {  	s28 =	simm.s32 $_size_execute0_lowered;
	s2 =	sadd.s32 s2, s4;
	[dreg:$0x0] =	wrdreg $0x0  }
0xa8: {  	s4 =	sshll.u32 s28, $0x1;
	[dreg:$0x2] =	wrdreg s2  }
0xa9: {  	[dreg:$0x3] =	wrdreg s4  }
0xaa: {  	[dreg:$0x4] =	wrdreg $0xC0  }
0xab: {  	_ =	task [dreg:s6], $0x5FFFF  }
0xac: {  	[dreg:$0x1] =	wrdreg $0xFFFFFFFF  }
0xad: {  	[dreg:$0x0] =	wrdreg $0x60  }
0xae: {  	[dreg:$0x2] =	wrdreg s24  }
0xaf: {  	[dreg:$0x3] =	wrdreg $0x0  }
0xb0: {  	[dreg:$0x4] =	wrdreg $0x9  }
0xb1: {  	_ =	task.clear_ibuf [dreg:s6], $0x5FFFF;
	_ =	strace $0x90000049  }
0xb2: {  	s29 =	simm.s32 $0x9;
	_ =	strace $0x8000004B  }
0xb3: {  	_ =	swait.ge [sflag:s29], $0x1  }
0xb4: {  	[sflag:s29] =	ssyncadd.s32 $0xFFFFFFFF  }
0xb5: {  	_ =	strace $0x9000004B  }
0xb6: {  	_ =	sfence  }
0xb7: {  	s30 =	sld [smem:$0x0];
	_ =	sdelay $0x2  }
0xb8: {  	s31 =	sshll.u32 s1, $0xD;
	s1 =	sshrl.u32 s1, $0x2  }
0xb9: {  	s3 =	sand.u32 $0x4000, s31;
	s1 =	sadd.s32 s1, s30  }
0xba: {  	s0 =	sor.u32 s3, s0;
	s1 =	sshll.u32 s1, $0x11  }
0xbb: {  	s0 =	sor.u32 s1, s0  }
0xbc: {  	s0 =	sadd.s32 $0x8F2B, s0  }
0xbd: {  	[sflag:s0] =	ssyncadd.remote.s32 $0x1  }
0xbe: {  	_ =	sfence.sel $0xFFFF  }
0xbf: {  	[dreg:$0x0] =	wrdreg $0xFFFFFFFF;
	(pc) =	sbr.abs _section_cstart, $3  }
0xc0: {  	[dreg:$0x1] =	wrdreg $0xFFFFFFFF  }
0xc1: {  	_ =	task.clear_ibuf [dreg:s6], $0x2FFFF;
	_ =	strace $0x9FFFFFFF  }
0xc2: {  	(tm) =	ssettm $0x7FFFFFFF  }
0xc3: {  	_ =	shalt  }
tec
execute0_lowered:
.L_overlay_start_1:
0x0: {  	(tag) =	ssettag $0x1  }
0x1: {  	s4 =	rddreg [dreg:$0x0]  }
0x2: {  	s0 =	stileid.u32;
	s1 =	srdreg.scid  }
0x3: {  	s2 =	rddreg [dreg:$0x1];
	s3 =	simm.s32 $0x0;
	s10 =	simm.s32 $0x15400  }
0x4: {  	s14 =	simm.s32 $0x3;
	s15 =	simm.s32 $0x80;
	s16 =	simm.s32 $0x16800  }
0x5: {  	s17 =	simm.s32 $0x1A800;
	s18 =	simm.s32 $0x2;
	s5 =	smul.u32 $0x280, s0  }
0x6: {  	s6 =	sand.u32 $0x1, s1;
	s1 =	rddreg [dreg:$0x2];
	s8 =	smul.u32 $0x50000, s0  }
0x7: {  	[smem:$0x7FF] =	sst s3;
	s19 =	smul.u32 $0x2800, s0;
	s12 =	sshll.u32 s0, $0x6  }
0x8: {  	s7 =	smul.u32 $0x28000, s6;
	s6 =	ssub.s32 $0x2, s6;
	_ =	strace $0x8000004A  }
0x9: {  	s12 =	sor.u32 $0x1C03, s12;
	s5 =	sadd.s32 s5, s4;
	s9 =	sshrl.u32 s6, $0x1  }
0xa: {  	s31 =	sshrl.u32 s8, $0x2;
	s8 =	simm.s32 $0x14000;
	s7 =	sadd.s32 s7, s4  }
0xb: {  	s9 =	ssub.s32 s6, s9;
	s4 =	sadd.s32 $0x5BA00, s5;
	s5 =	sadd.s32 $0x60A00, s5  }
0xc: {  	s13 =	sadd.s32 s31, s2;
	s6 =	sadd.s32 $0x65A00, s7;
	s20 =	sadd.s32 $0xB5A00, s7  }
0xd: {  	s7 =	smax.u32 s9, $0x1;
	s9 =	simm.s32 $0x1;
	s13 =	sshrl.u32 s13, $0x3  }
0xe: {  	s11 =	sadd.s32 s19, s6;
	s19 =	sadd.s32 s19, s20;
	s20 =	simm.s32 $0x0  }
.LBB2_1:
0xf: {  	[tilespmem:s8], [sflag:$0x1] =	stream.linear.gather [hbm4b:s4+s3], $0x1400, $0x38;
	[tilespmem:$0x1E800] =	vst v63  }
0x10: {  	_ =	swait.ge [sflag:s9], $0x1400  }
0x11: {  	[sflag:s9] =	ssyncset.done $0x0  }
0x12: {  	[sflag:s9] =	ssyncadd.s32 $0xFFFFEC00  }
0x13: {  	[tilespmem:s10], [sflag:$0x1] =	stream.linear.gather [hbm4b:s5+s3], $0x1400, $0x38;
	[tilespmem:$0x1E800] =	vst v63  }
0x14: {  	_ =	swait.ge [sflag:s9], $0x1400  }
0x15: {  	[sflag:s9] =	ssyncset.done $0x0  }
0x16: {  	[sflag:s9] =	ssyncadd.s32 $0xFFFFEC00  }
0x17: {  	[spmem:s13], [sflag:s12] =	dma.local [hbm:s11], $0x2800  }
0x18: {  	_ =	swait.ge [sflag:s14], $0x2800  }
0x19: {  	[sflag:s14] =	ssyncset.done $0x0  }
0x1a: {  	[sflag:s14] =	ssyncadd.s32 $0xFFFFD800  }
0x1b: {  	s21 =	simm.s32 $0x14000;
	[bflag:$0x0] =	sbarrier.arrive $0xFFFF  }
0x1c: {  	[tilespmem:s16], [sflag:$0x2] =	stream.indirect.gather [hbm4b:s6+s15], $0x80, s21, s15, $0xb8;
	[tilespmem:$0x1E800] =	vst v63  }
0x1d: {  	s29 =	simm.s32 $0x14080  }
0x1e: {  	[tilespmem:s17], [sflag:$0x2] =	stream.indirect.gather [hbm4b:s6+s15], $0x80, s29, s15, $0xb8;
	[tilespmem:$0x1E800] =	vst v63  }
0x1f: {  	_ =	swait.ge [sflag:s18], $0x4000  }
0x20: {  	[sflag:s18] =	ssyncset.done $0x0  }
0x21: {  	[sflag:s18] =	ssyncadd.s32 $0xFFFFC000  }
0x22: {  	_ =	swait.ge [sflag:s18], $0x4000  }
0x23: {  	[sflag:s18] =	ssyncset.done $0x0  }
0x24: {  	s30 =	simm.s32 $0x15400;
	[sflag:s18] =	ssyncadd.s32 $0xFFFFC000  }
0x25: {  	[spmem:s2] =	stream.indirect.scatter.add.f32 [tilespmem:s16], [sflag:$0x3], $0x80, s30, s15, $0xb8;
	[tilespmem:$0x1E800] =	vst v63  }
0x26: {  	_ =	swait.ge [sflag:s14], $0x4000  }
0x27: {  	[sflag:s14] =	ssyncset.done $0x0  }
0x28: {  	s31 =	simm.s32 $0x15480;
	[sflag:s14] =	ssyncadd.s32 $0xFFFFC000  }
0x29: {  	[spmem:s2] =	stream.indirect.scatter.add.f32 [tilespmem:s17], [sflag:$0x3], $0x80, s31, s15, $0xb8;
	[tilespmem:$0x1E800] =	vst v63  }
0x2a: {  	_ =	swait.ge [sflag:s14], $0x4000  }
0x2b: {  	s22 =	simm.s32 $0x800;
	s21 =	simm.s32 $0x100;
	[sflag:s14] =	ssyncset.done $0x0  }
.LBB2_2:
0x2c: {  	s23 =	sadd.s32 $0x14000, s21  }
0x2d: {  	[sflag:s14] =	ssyncadd.s32 $0xFFFFC000;
	s24 =	smov.u32 s22;
	s25 =	sadd.s32 $0x400, s22  }
0x2e: {  	[tilespmem:s16], [sflag:$0x2] =	stream.indirect.gather [hbm4b:s6+s15], $0x80, s23, s15, $0xb8;
	[tilespmem:$0x1E800] =	vst v63  }
0x2f: {  	p0 =	sne.s32 s22, $0x4C00;
	s22 =	sadd.s32 $0x14080, s21  }
0x30: {  	[tilespmem:s17], [sflag:$0x2] =	stream.indirect.gather [hbm4b:s6+s15], $0x80, s22, s15, $0xb8;
	[tilespmem:$0x1E800] =	vst v63  }
0x31: {  	_ =	swait.ge [sflag:s18], $0x4000  }
0x32: {  	[sflag:s18] =	ssyncset.done $0x0  }
0x33: {  	[sflag:s18] =	ssyncadd.s32 $0xFFFFC000  }
0x34: {  	_ =	swait.ge [sflag:s18], $0x4000  }
0x35: {  	[sflag:s18] =	ssyncset.done $0x0  }
0x36: {  	s22 =	sadd.s32 $0x15400, s21;
	[sflag:s18] =	ssyncadd.s32 $0xFFFFC000  }
0x37: {  	[spmem:s2] =	stream.indirect.scatter.add.f32 [tilespmem:s16], [sflag:$0x3], $0x80, s22, s15, $0xb8;
	[tilespmem:$0x1E800] =	vst v63  }
0x38: {  	_ =	swait.ge [sflag:s14], $0x4000  }
.Ltmp0:
0x39: {  	[sflag:s14] =	ssyncset.done $0x0;
	(pc) =	sbr.rel @p0 .LBB2_2-.Ltmp0, $4  }
0x3a: {  	s21 =	sadd.s32 $0x15480, s21;
	[sflag:s14] =	ssyncadd.s32 $0xFFFFC000  }
0x3b: {  	[spmem:s2] =	stream.indirect.scatter.add.f32 [tilespmem:s17], [sflag:$0x3], $0x80, s21, s15, $0xb8;
	[tilespmem:$0x1E800] =	vst v63  }
0x3c: {  	_ =	swait.ge [sflag:s14], $0x4000  }
0x3d: {  	s22 =	smov.u32 s25;
	s21 =	sshra.s32 s24, $0x2;
	[sflag:s14] =	ssyncset.done $0x0  }
0x3e: {  	s22 =	sadd.s32 $0x14000, s21;
	[sflag:s14] =	ssyncadd.s32 $0xFFFFC000  }
0x3f: {  	[tilespmem:s16], [sflag:$0x2] =	stream.indirect.gather [hbm4b:s6+s15], $0x80, s22, s15, $0xb8;
	[tilespmem:$0x1E800] =	vst v63  }
0x40: {  	s29 =	sadd.s32 $0x14080, s21  }
0x41: {  	[tilespmem:s17], [sflag:$0x2] =	stream.indirect.gather [hbm4b:s6+s15], $0x80, s29, s15, $0xb8;
	[tilespmem:$0x1E800] =	vst v63  }
0x42: {  	_ =	swait.ge [sflag:s18], $0x4000  }
0x43: {  	[sflag:s18] =	ssyncset.done $0x0  }
0x44: {  	[sflag:s18] =	ssyncadd.s32 $0xFFFFC000  }
0x45: {  	_ =	swait.ge [sflag:s18], $0x4000  }
0x46: {  	[sflag:s18] =	ssyncset.done $0x0  }
0x47: {  	s30 =	sadd.s32 $0x15400, s21;
	[sflag:s18] =	ssyncadd.s32 $0xFFFFC000  }
0x48: {  	[spmem:s2] =	stream.indirect.scatter.add.f32 [tilespmem:s16], [sflag:$0x3], $0x80, s30, s15, $0xb8;
	[tilespmem:$0x1E800] =	vst v63  }
0x49: {  	_ =	swait.ge [sflag:s14], $0x4000  }
0x4a: {  	[sflag:s14] =	ssyncset.done $0x0  }
0x4b: {  	s31 =	sadd.s32 $0x15480, s21;
	[sflag:s14] =	ssyncadd.s32 $0xFFFFC000  }
0x4c: {  	[spmem:s2] =	stream.indirect.scatter.add.f32 [tilespmem:s17], [sflag:$0x3], $0x80, s31, s15, $0xb8;
	[tilespmem:$0x1E800] =	vst v63  }
0x4d: {  	_ =	swait.ge [sflag:s14], $0x4000  }
0x4e: {  	s20 =	sadd.s32 $0x1, s20;
	[sflag:s14] =	ssyncset.done $0x0  }
0x4f: {  	p0 =	sne.s32 s20, s7;
	[sflag:s14] =	ssyncadd.s32 $0xFFFFC000  }
.Ltmp1:
0x50: {  	[bflag:$0x0] =	sbarrier.arrive $0xFFFF;
	(pc) =	sbr.rel @p0 .LBB2_1-.Ltmp1, $4  }
0x51: {  	[hbm:s19], [sflag:s12] =	dma.local [spmem:s13], $0x2800  }
0x52: {  	_ =	swait.ge [sflag:s14], $0x2800  }
0x53: {  	[sflag:s14] =	ssyncset.done $0x0  }
0x54: {  	[sflag:s14] =	ssyncadd.s32 $0xFFFFD800  }
0x55: {  	_ =	sfence.sel $0x180000  }
0x56: {  	[bflag:$0x0] =	sbarrier.arrive $0xFFFF  }
0x57: {  	p0 =	sne.s32 s0, $0x0;
	_ =	strace $0x9000004A  }
0x58: {  	s0 =	sadd.s32 @!p0 $0x100000, s1;
	[bflag:$0x2] =	sbarrier.arrive $0xFFFF  }
0x59: {  	[sflag:s0] =	ssyncadd.tile.s32 @!p0 $0x1;
	_ =	shalt  }
.Lfunc_end2:
_tile_overlayer_lowered:
.L_overlay_start_2:
0x5a: {  	(tag) =	ssettag $0x2  }
0x5b: {  	s0 =	rddreg [dreg:$0x0];
	s2 =	stileid.u32  }
0x5c: {  	s1 =	rddreg [dreg:$0x1];
	p0 =	sne.s32 s2, $0x0  }
0x5d: {  	s3 =	rddreg [dreg:$0x2];
	[bflag:$0x3] =	sbarrier.arrive $0xFFFF;
	s2 =	simm.s32 @!p0 $0x1C03  }
0x5e: {  	[timem:s3], [sflag:s2] =	dma.local @!p0 [hbm:s0], s1  }
0x5f: {  	s0 =	simm.s32 @!p0 $0x3  }
0x60: {  	_ =	swait.ge @!p0 [sflag:s0], s1  }
0x61: {  	s1 =	ssub.s32 @!p0 $0x0, s1;
	[sflag:s0] =	ssyncset.done @!p0 $0x0  }
0x62: {  	[sflag:s0] =	ssyncadd.s32 @!p0 s1  }
0x63: {  	[bflag:$0x3] =	sbarrier.arrive $0xFFFF  }
0x64: {  	_ =	shalt  }

// kernel: kernel.20.cloned.1.call-start
scs
__scs_entry_jumppad:
0x0: {  	(pc) =	sbr.rel $0x88, $3  }
0x1: {  	(tag) =	ssettag $0x0;
	lr =	simm.s32 $0x1  }
0x2: {  	[smem:$0x3F95] =	sst lr;
	_ =	strace $0xD0000000  }
0x3: {  	_ = 	snop  }
0x4: {  	_ = 	snop  }
0x5: {  	_ = 	snop  }
0x6: {  	_ = 	snop  }
0x7: {  	_ = 	snop  }
__scs_overlays_trampoline_lowered:
0x8: {  	[smem:$0x3FA4] =	sst s0  }
0x9: {  	[smem:$0x3FA5] =	sst s1  }
0xa: {  	[smem:$0x3FA6] =	sst s2  }
0xb: {  	[smem:$0x3FA7] =	sst s3  }
0xc: {  	[smem:$0x3FA8] =	sst s4  }
0xd: {  	[smem:$0x3FA9] =	sst s5  }
0xe: {  	[smem:$0x3FAA] =	sst s6  }
0xf: {  	[smem:$0x3FAB] =	sst s7  }
0x10: {  	[smem:$0x3FAC] =	sst s8  }
0x11: {  	[smem:$0x3FAD] =	sst s9;
	s0 =	simm.s32 @!p0 $0x0  }
0x12: {  	s1 =	sld [smem:$0x3F93];
	s0 =	simm.s32 @p0 $0x1  }
0x13: {  	[smem:$0x3FAE] =	sst s0;
	s0 =	simm.s32 @!p1 $0x0  }
0x14: {  	s2 =	sld [smem:$0x3F92];
	s0 =	simm.s32 @p1 $0x1  }
0x15: {  	[smem:$0x3FAF] =	sst s0;
	s0 =	simm.s32 @!p2 $0x0  }
0x16: {  	s3 =	sld [smem:$0x3FDB];
	s0 =	simm.s32 @p2 $0x1  }
0x17: {  	s4 =	simm.s32 $0x1BF5;
	[smem:$0x3FB1] =	sst s0  }
0x18: {  	s0 =	sld [smem:$0x3F94];
	_ =	swait.ge [sflag:s4], $0x0  }
0x19: {  	s7 =	sld [smem:$0x3F95]  }
0x1a: {  	s8 =	sadd.s32 $0xFFFFE003, lr  }
0x1b: {  	s9 =	sadd.s32 $0xFFFFFEF7, lr;
	s5 =	simm.s32 $0xFFFFFFFF;
	p2 =	slt.u32 s8, $0xFFFFF086  }
0x1c: {  	p1 =	slt.u32 s9, $0xF7A;
	s5 =	simm.s32 @!p2 $0x0  }
0x1d: {  	s5 =	simm.s32 @p1 $0x1;
	p0 =	seq.s32 s7, s2  }
0x1e: {  	s7 =	smul.u32 @!p0 $0xF7A, s2;
	p2 =	seq.s32 @!p0 s5, $0x0  }
0x1f: {  	s9 =	smul.u32 $0xF7A, s1;
	s8 =	simm.s32 @!p0 $0x1BF5;
	p2 =	por !p2, p0  }
0x20: {  	[sflag:s8] =	ssyncset.s32 @!p0 $0xFFFFF086;
	s6 =	sadd.s32 @!p0 s3, s7;
	s7 =	simm.s32 @!p0 $0x108  }
0x21: {  	s3 =	sadd.s32 s3, s9;
	s6 =	sadd.s32 @!p0 $0x88, s6;
	s7 =	simm.s32 @p2 $0x1082  }
0x22: {  	[simem:s7], [sflag:s8] =	dma.local @!p0 [hbm:s6], $0xF7A  }
0x23: {  	s9 =	sor.u32 $0xD0000000, s2;
	s6 =	simm.s32 $0x108;
	_ =	swait.ge @!p0 [sflag:s8], $0x0  }
0x24: {  	s3 =	sadd.s32 $0x88, s3;
	s6 =	simm.s32 @!p1 $0x1082;
	[sflag:s4] =	ssyncset.s32 $0xFFFFF086  }
0x25: {  	[simem:s6], [sflag:s4] =	dma.local [hbm:s3], $0xF7A  }
0x26: {  	[smem:$0x3F95] =	sst s1;
	(tag) =	ssettag s2;
	_ =	strace s9  }
0x27: {  	s1 =	sld [smem:$0x3FA5]  }
0x28: {  	s2 =	sld [smem:$0x3FA6]  }
0x29: {  	s4 =	sld [smem:$0x3FA8]  }
0x2a: {  	p0 =	seq.s32 s5, $0x0;
	s5 =	sld [smem:$0x3FA9]  }
0x2b: {  	s6 =	sld [smem:$0x3FAA]  }
0x2c: {  	s7 =	sld [smem:$0x3FAB]  }
0x2d: {  	s3 =	simm.s32 $0x108;
	s8 =	sld [smem:$0x3FAC]  }
0x2e: {  	s3 =	simm.s32 @!p0 $0x1082;
	s9 =	sld [smem:$0x3FAD]  }
0x2f: {  	lr =	sadd.s32 s0, s3;
	s0 =	sld [smem:$0x3FA4]  }
0x30: {  	s3 =	sld [smem:$0x3FA7]  }
0x31: {  	[smem:$0x3FB0] =	sst s10  }
0x32: {  	s10 =	sld [smem:$0x3FAE];
	_ =	sdelay $0x3  }
0x33: {  	p0 =	seq.s32 s10, $0x1;
	s10 =	sld [smem:$0x3FB0];
	_ =	sdelay $0x3  }
0x34: {  	[smem:$0x3FB0] =	sst s10  }
0x35: {  	s10 =	sld [smem:$0x3FAF];
	_ =	sdelay $0x3  }
0x36: {  	p1 =	seq.s32 s10, $0x1;
	s10 =	sld [smem:$0x3FB0];
	_ =	sdelay $0x3  }
0x37: {  	[smem:$0x3FB0] =	sst s10  }
0x38: {  	s10 =	sld [smem:$0x3FB1]  }
0x39: {  	_ = 	snop;
	(pc) =	sbr.ind lr, $3  }
0x3a: {  	_ = 	snop  }
0x3b: {  	_ = 	snop  }
0x3c: {  	p2 =	seq.s32 s10, $0x1;
	s10 =	sld [smem:$0x3FB0]  }
0x3d: {  	_ =	shalt  }
0x3e: {  	_ =	shalt  }
0x3f: {  	_ =	shalt  }
0x40: {  	_ =	shalt  }
0x41: {  	_ =	shalt  }
0x42: {  	_ =	shalt  }
0x43: {  	_ =	shalt  }
0x44: {  	_ =	shalt  }
0x45: {  	_ =	shalt  }
0x46: {  	_ =	shalt  }
0x47: {  	_ =	shalt  }
0x48: {  	_ =	shalt  }
0x49: {  	_ =	shalt  }
0x4a: {  	_ =	shalt  }
0x4b: {  	_ =	shalt  }
0x4c: {  	_ =	shalt  }
0x4d: {  	_ =	shalt  }
0x4e: {  	_ =	shalt  }
0x4f: {  	_ =	shalt  }
0x50: {  	_ =	shalt  }
0x51: {  	_ =	shalt  }
0x52: {  	_ =	shalt  }
0x53: {  	_ =	shalt  }
0x54: {  	_ =	shalt  }
0x55: {  	_ =	shalt  }
0x56: {  	_ =	shalt  }
0x57: {  	_ =	shalt  }
0x58: {  	_ =	shalt  }
0x59: {  	_ =	shalt  }
0x5a: {  	_ =	shalt  }
0x5b: {  	_ =	shalt  }
0x5c: {  	_ =	shalt  }
0x5d: {  	_ =	shalt  }
0x5e: {  	_ =	shalt  }
0x5f: {  	_ =	shalt  }
0x60: {  	_ =	shalt  }
0x61: {  	_ =	shalt  }
0x62: {  	_ =	shalt  }
0x63: {  	_ =	shalt  }
0x64: {  	_ =	shalt  }
0x65: {  	_ =	shalt  }
0x66: {  	_ =	shalt  }
0x67: {  	_ =	shalt  }
0x68: {  	_ =	shalt  }
0x69: {  	_ =	shalt  }
0x6a: {  	_ =	shalt  }
0x6b: {  	_ =	shalt  }
0x6c: {  	_ =	shalt  }
0x6d: {  	_ =	shalt  }
0x6e: {  	_ =	shalt  }
0x6f: {  	_ =	shalt  }
0x70: {  	_ =	shalt  }
0x71: {  	_ =	shalt  }
0x72: {  	_ =	shalt  }
0x73: {  	_ =	shalt  }
0x74: {  	_ =	shalt  }
0x75: {  	_ =	shalt  }
0x76: {  	_ =	shalt  }
0x77: {  	_ =	shalt  }
0x78: {  	_ =	shalt  }
0x79: {  	_ =	shalt  }
0x7a: {  	_ =	shalt  }
0x7b: {  	_ =	shalt  }
0x7c: {  	_ =	shalt  }
0x7d: {  	_ =	shalt  }
0x7e: {  	_ =	shalt  }
0x7f: {  	_ =	shalt  }
0x80: {  	_ =	shalt  }
0x81: {  	_ =	shalt  }
0x82: {  	_ =	shalt  }
0x83: {  	_ =	shalt  }
0x84: {  	_ =	shalt  }
0x85: {  	_ =	shalt  }
0x86: {  	_ =	shalt  }
0x87: {  	_ =	shalt  }
.Lfunc_end0:
.L_simem_size_0:
called_computation.2_lowered:
.L_overlay_start_0:
0x88: {  	s2 =	sld [smem:$0x3FD9]  }
0x89: {  	s3 =	sld [smem:$0x3FFE];
	_ =	sdelay $0x1  }
0x8a: {  	s1 =	srdreg.scid  }
0x8b: {  	s0 =	sand.u32 $0x1, s1  }
0x8c: {  	s16 =	sshll.u32 s0, $0xA;
	s2 =	sadd.s32 s3, s2  }
0x8d: {  	s2 =	sadd.s32 s2, s16  }
0x8e: {  	[smem:$0x3FBC] =	sst s2  }
0x8f: {  	_ = 	snop  }
0x90: {  	(tm) =	ssettm $0x1  }
0x91: {  	s17 =	sld [smem:$0x3FFB];
	_ =	sdelay $0x3  }
0x92: {  	_ =	strace s17  }
0x93: {  	s2 =	sld [smem:$0x3FFC];
	_ =	sdelay $0x3  }
0x94: {  	_ =	strace s2  }
0x95: {  	s2 =	sld [smem:$0x3FFD];
	_ =	sdelay $0x3  }
0x96: {  	_ =	strace s2  }
0x97: {  	_ =	strace $0x8FFFFFFF  }
0x98: {  	s18 =	sld [smem:$0x3FDB];
	_ =	sdelay $0x1  }
0x99: {  	s19 =	simm.s32 $_scs_section_size  }
0x9a: {  	s4 =	simm.s32 $_size__tile_overlayer_lowered;
	s5 =	simm.s32 $_tile_overlayer_lowered  }
0x9b: {  	s22 =	simm.s32 $0x1BFF;
	s21 =	sshll.u32 s5, $0x1;
	s2 =	sadd.s32 s19, s18  }
0x9c: {  	s6 =	simm.s32 $0x0;
	s20 =	sshll.u32 s4, $0x1;
	s4 =	sadd.s32 s21, s2  }
0x9d: {  	[timem:s6], [sflag:s22] =	dma.local [hbm:s4], s20  }
0x9e: {  	_ =	swait.ge [sflag:s22], s20  }
0x9f: {  	s3 =	ssub.s32 $0x0, s20;
	[sflag:s22] =	ssyncset.done $0x0  }
0xa0: {  	[sflag:s22] =	ssyncadd.s32 s3;
	_ =	sdelay $0x1  }
0xa1: {  	s23 =	simm.s32 $0x1B8B  }
0xa2: {  	_ =	swait.ge [sflag:s23], $0x1  }
0xa3: {  	[sflag:s23] =	ssyncset.done $0x0  }
0xa4: {  	s25 =	simm.s32 $0x1B8E;
	s24 =	sld [smem:$0x3FFE];
	[sflag:s23] =	ssyncadd.s32 $0xFFFFFFFF  }
0xa5: {  	s26 =	simm.s32 $execute0_lowered;
	[smem:$0x3FD2] =	sst s25  }
0xa6: {  	s4 =	sshll.u32 s26, $0x1;
	_ =	strace $0x8000004C;
	[dreg:$0x1] =	wrdreg $0xFFFFFFFF  }
0xa7: {  	s28 =	simm.s32 $_size_execute0_lowered;
	s2 =	sadd.s32 s2, s4;
	[dreg:$0x0] =	wrdreg $0x0  }
0xa8: {  	s4 =	sshll.u32 s28, $0x1;
	[dreg:$0x2] =	wrdreg s2  }
0xa9: {  	[dreg:$0x3] =	wrdreg s4  }
0xaa: {  	[dreg:$0x4] =	wrdreg $0xC0  }
0xab: {  	_ =	task [dreg:s6], $0x5FFFF  }
0xac: {  	[dreg:$0x1] =	wrdreg $0xFFFFFFFF  }
0xad: {  	[dreg:$0x0] =	wrdreg $0x60  }
0xae: {  	[dreg:$0x2] =	wrdreg s24  }
0xaf: {  	[dreg:$0x3] =	wrdreg $0x0  }
0xb0: {  	[dreg:$0x4] =	wrdreg $0x9  }
0xb1: {  	_ =	task.clear_ibuf [dreg:s6], $0x5FFFF;
	_ =	strace $0x9000004C  }
0xb2: {  	s29 =	simm.s32 $0x9;
	_ =	strace $0x8000004E  }
0xb3: {  	_ =	swait.ge [sflag:s29], $0x1  }
0xb4: {  	[sflag:s29] =	ssyncadd.s32 $0xFFFFFFFF  }
0xb5: {  	_ =	strace $0x9000004E  }
0xb6: {  	_ =	sfence  }
0xb7: {  	s30 =	sld [smem:$0x0];
	_ =	sdelay $0x2  }
0xb8: {  	s31 =	sshll.u32 s1, $0xD;
	s1 =	sshrl.u32 s1, $0x2  }
0xb9: {  	s3 =	sand.u32 $0x4000, s31;
	s1 =	sadd.s32 s1, s30  }
0xba: {  	s0 =	sor.u32 s3, s0;
	s1 =	sshll.u32 s1, $0x11  }
0xbb: {  	s0 =	sor.u32 s1, s0  }
0xbc: {  	s0 =	sadd.s32 $0x8F2B, s0  }
0xbd: {  	[sflag:s0] =	ssyncadd.remote.s32 $0x1  }
0xbe: {  	_ =	sfence.sel $0xFFFF  }
0xbf: {  	[dreg:$0x0] =	wrdreg $0xFFFFFFFF;
	(pc) =	sbr.abs _section_cstart, $3  }
0xc0: {  	[dreg:$0x1] =	wrdreg $0xFFFFFFFF  }
0xc1: {  	_ =	task.clear_ibuf [dreg:s6], $0x2FFFF;
	_ =	strace $0x9FFFFFFF  }
0xc2: {  	(tm) =	ssettm $0x7FFFFFFF  }
0xc3: {  	_ =	shalt  }
tec
execute0_lowered:
.L_overlay_start_1:
0x0: {  	(tag) =	ssettag $0x1  }
0x1: {  	s4 =	rddreg [dreg:$0x0]  }
0x2: {  	s2 =	rddreg [dreg:$0x1]  }
0x3: {  	s0 =	rddreg [dreg:$0x2];
	s1 =	stileid.u32  }
0x4: {  	s5 =	srdreg.scid;
	s3 =	simm.s32 $0x0;
	s10 =	simm.s32 $0x15400  }
0x5: {  	s14 =	simm.s32 $0x3;
	s15 =	simm.s32 $0x80;
	s6 =	smul.u32 $0x280, s1  }
0x6: {  	s16 =	simm.s32 $0x16800;
	s17 =	simm.s32 $0x1A800;
	s8 =	smul.u32 $0x50000, s1  }
0x7: {  	s18 =	simm.s32 $0x2;
	s5 =	sand.u32 $0x1, s5;
	s19 =	smul.u32 $0x2800, s1  }
0x8: {  	[smem:$0x7FF] =	sst s3;
	s12 =	sshll.u32 s1, $0x6;
	s7 =	smul.u32 $0x28000, s5  }
0x9: {  	_ =	strace $0x8000004D;
	s5 =	ssub.s32 $0x2, s5;
	s12 =	sor.u32 $0x1C03, s12  }
0xa: {  	s6 =	sadd.s32 s6, s4;
	s31 =	sshrl.u32 s5, $0x1;
	s8 =	sshrl.u32 s8, $0x2  }
0xb: {  	s7 =	sadd.s32 s7, s4;
	s9 =	ssub.s32 s5, s31;
	s4 =	sadd.s32 $0x5E200, s6  }
0xc: {  	s5 =	sadd.s32 $0x63200, s6;
	s13 =	sadd.s32 s8, s2;
	s8 =	simm.s32 $0x14000  }
0xd: {  	s11 =	sadd.s32 $0xB5A00, s7;
	s6 =	sadd.s32 $0x65A00, s7;
	s20 =	sadd.s32 $0x105A00, s7  }
0xe: {  	s7 =	smax.u32 s9, $0x1;
	s9 =	simm.s32 $0x1;
	s13 =	sshrl.u32 s13, $0x3  }
0xf: {  	s11 =	sadd.s32 s19, s11;
	s19 =	sadd.s32 s19, s20;
	s20 =	simm.s32 $0x0  }
.LBB2_1:
0x10: {  	[tilespmem:s8], [sflag:$0x1] =	stream.linear.gather [hbm4b:s4+s3], $0x1400, $0x38;
	[tilespmem:$0x1E800] =	vst v63  }
0x11: {  	_ =	swait.ge [sflag:s9], $0x1400  }
0x12: {  	[sflag:s9] =	ssyncset.done $0x0  }
0x13: {  	[sflag:s9] =	ssyncadd.s32 $0xFFFFEC00  }
0x14: {  	[tilespmem:s10], [sflag:$0x1] =	stream.linear.gather [hbm4b:s5+s3], $0x1400, $0x38;
	[tilespmem:$0x1E800] =	vst v63  }
0x15: {  	_ =	swait.ge [sflag:s9], $0x1400  }
0x16: {  	[sflag:s9] =	ssyncset.done $0x0  }
0x17: {  	[sflag:s9] =	ssyncadd.s32 $0xFFFFEC00  }
0x18: {  	[spmem:s13], [sflag:s12] =	dma.local [hbm:s11], $0x2800  }
0x19: {  	_ =	swait.ge [sflag:s14], $0x2800  }
0x1a: {  	[sflag:s14] =	ssyncset.done $0x0  }
0x1b: {  	[sflag:s14] =	ssyncadd.s32 $0xFFFFD800  }
0x1c: {  	s21 =	simm.s32 $0x14000;
	[bflag:$0x0] =	sbarrier.arrive $0xFFFF  }
0x1d: {  	[tilespmem:s16], [sflag:$0x2] =	stream.indirect.gather [hbm4b:s6+s15], $0x80, s21, s15, $0xb8;
	[tilespmem:$0x1E800] =	vst v63  }
0x1e: {  	s29 =	simm.s32 $0x14080  }
0x1f: {  	[tilespmem:s17], [sflag:$0x2] =	stream.indirect.gather [hbm4b:s6+s15], $0x80, s29, s15, $0xb8;
	[tilespmem:$0x1E800] =	vst v63  }
0x20: {  	_ =	swait.ge [sflag:s18], $0x4000  }
0x21: {  	[sflag:s18] =	ssyncset.done $0x0  }
0x22: {  	[sflag:s18] =	ssyncadd.s32 $0xFFFFC000  }
0x23: {  	_ =	swait.ge [sflag:s18], $0x4000  }
0x24: {  	[sflag:s18] =	ssyncset.done $0x0  }
0x25: {  	s30 =	simm.s32 $0x15400;
	[sflag:s18] =	ssyncadd.s32 $0xFFFFC000  }
0x26: {  	[spmem:s2] =	stream.indirect.scatter.add.f32 [tilespmem:s16], [sflag:$0x3], $0x80, s30, s15, $0xb8;
	[tilespmem:$0x1E800] =	vst v63  }
0x27: {  	_ =	swait.ge [sflag:s14], $0x4000  }
0x28: {  	[sflag:s14] =	ssyncset.done $0x0  }
0x29: {  	s31 =	simm.s32 $0x15480;
	[sflag:s14] =	ssyncadd.s32 $0xFFFFC000  }
0x2a: {  	[spmem:s2] =	stream.indirect.scatter.add.f32 [tilespmem:s17], [sflag:$0x3], $0x80, s31, s15, $0xb8;
	[tilespmem:$0x1E800] =	vst v63  }
0x2b: {  	_ =	swait.ge [sflag:s14], $0x4000  }
0x2c: {  	s22 =	simm.s32 $0x800;
	s21 =	simm.s32 $0x100;
	[sflag:s14] =	ssyncset.done $0x0  }
.LBB2_2:
0x2d: {  	s23 =	sadd.s32 $0x14000, s21  }
0x2e: {  	[sflag:s14] =	ssyncadd.s32 $0xFFFFC000;
	s24 =	smov.u32 s22;
	s25 =	sadd.s32 $0x400, s22  }
0x2f: {  	[tilespmem:s16], [sflag:$0x2] =	stream.indirect.gather [hbm4b:s6+s15], $0x80, s23, s15, $0xb8;
	[tilespmem:$0x1E800] =	vst v63  }
0x30: {  	p0 =	sne.s32 s22, $0x4C00;
	s22 =	sadd.s32 $0x14080, s21  }
0x31: {  	[tilespmem:s17], [sflag:$0x2] =	stream.indirect.gather [hbm4b:s6+s15], $0x80, s22, s15, $0xb8;
	[tilespmem:$0x1E800] =	vst v63  }
0x32: {  	_ =	swait.ge [sflag:s18], $0x4000  }
0x33: {  	[sflag:s18] =	ssyncset.done $0x0  }
0x34: {  	[sflag:s18] =	ssyncadd.s32 $0xFFFFC000  }
0x35: {  	_ =	swait.ge [sflag:s18], $0x4000  }
0x36: {  	[sflag:s18] =	ssyncset.done $0x0  }
0x37: {  	s22 =	sadd.s32 $0x15400, s21;
	[sflag:s18] =	ssyncadd.s32 $0xFFFFC000  }
0x38: {  	[spmem:s2] =	stream.indirect.scatter.add.f32 [tilespmem:s16], [sflag:$0x3], $0x80, s22, s15, $0xb8;
	[tilespmem:$0x1E800] =	vst v63  }
0x39: {  	_ =	swait.ge [sflag:s14], $0x4000  }
.Ltmp0:
0x3a: {  	[sflag:s14] =	ssyncset.done $0x0;
	(pc) =	sbr.rel @p0 .LBB2_2-.Ltmp0, $4  }
0x3b: {  	s21 =	sadd.s32 $0x15480, s21;
	[sflag:s14] =	ssyncadd.s32 $0xFFFFC000  }
0x3c: {  	[spmem:s2] =	stream.indirect.scatter.add.f32 [tilespmem:s17], [sflag:$0x3], $0x80, s21, s15, $0xb8;
	[tilespmem:$0x1E800] =	vst v63  }
0x3d: {  	_ =	swait.ge [sflag:s14], $0x4000  }
0x3e: {  	s22 =	smov.u32 s25;
	s21 =	sshra.s32 s24, $0x2;
	[sflag:s14] =	ssyncset.done $0x0  }
0x3f: {  	s22 =	sadd.s32 $0x14000, s21;
	[sflag:s14] =	ssyncadd.s32 $0xFFFFC000  }
0x40: {  	[tilespmem:s16], [sflag:$0x2] =	stream.indirect.gather [hbm4b:s6+s15], $0x80, s22, s15, $0xb8;
	[tilespmem:$0x1E800] =	vst v63  }
0x41: {  	s29 =	sadd.s32 $0x14080, s21  }
0x42: {  	[tilespmem:s17], [sflag:$0x2] =	stream.indirect.gather [hbm4b:s6+s15], $0x80, s29, s15, $0xb8;
	[tilespmem:$0x1E800] =	vst v63  }
0x43: {  	_ =	swait.ge [sflag:s18], $0x4000  }
0x44: {  	[sflag:s18] =	ssyncset.done $0x0  }
0x45: {  	[sflag:s18] =	ssyncadd.s32 $0xFFFFC000  }
0x46: {  	_ =	swait.ge [sflag:s18], $0x4000  }
0x47: {  	[sflag:s18] =	ssyncset.done $0x0  }
0x48: {  	s30 =	sadd.s32 $0x15400, s21;
	[sflag:s18] =	ssyncadd.s32 $0xFFFFC000  }
0x49: {  	[spmem:s2] =	stream.indirect.scatter.add.f32 [tilespmem:s16], [sflag:$0x3], $0x80, s30, s15, $0xb8;
	[tilespmem:$0x1E800] =	vst v63  }
0x4a: {  	_ =	swait.ge [sflag:s14], $0x4000  }
0x4b: {  	[sflag:s14] =	ssyncset.done $0x0  }
0x4c: {  	s31 =	sadd.s32 $0x15480, s21;
	[sflag:s14] =	ssyncadd.s32 $0xFFFFC000  }
0x4d: {  	[spmem:s2] =	stream.indirect.scatter.add.f32 [tilespmem:s17], [sflag:$0x3], $0x80, s31, s15, $0xb8;
	[tilespmem:$0x1E800] =	vst v63  }
0x4e: {  	_ =	swait.ge [sflag:s14], $0x4000  }
0x4f: {  	s20 =	sadd.s32 $0x1, s20;
	[sflag:s14] =	ssyncset.done $0x0  }
0x50: {  	p0 =	sne.s32 s20, s7;
	[sflag:s14] =	ssyncadd.s32 $0xFFFFC000  }
.Ltmp1:
0x51: {  	[bflag:$0x0] =	sbarrier.arrive $0xFFFF;
	(pc) =	sbr.rel @p0 .LBB2_1-.Ltmp1, $4  }
0x52: {  	[hbm:s19], [sflag:s12] =	dma.local [spmem:s13], $0x2800  }
0x53: {  	_ =	swait.ge [sflag:s14], $0x2800  }
0x54: {  	[sflag:s14] =	ssyncset.done $0x0  }
0x55: {  	[sflag:s14] =	ssyncadd.s32 $0xFFFFD800  }
0x56: {  	_ =	sfence.sel $0x180000  }
0x57: {  	[bflag:$0x0] =	sbarrier.arrive $0xFFFF  }
0x58: {  	p0 =	sne.s32 s1, $0x0;
	_ =	strace $0x9000004D  }
0x59: {  	s0 =	sadd.s32 @!p0 $0x100000, s0;
	[bflag:$0x2] =	sbarrier.arrive $0xFFFF  }
0x5a: {  	[sflag:s0] =	ssyncadd.tile.s32 @!p0 $0x1;
	_ =	shalt  }
.Lfunc_end2:
_tile_overlayer_lowered:
.L_overlay_start_2:
0x5b: {  	(tag) =	ssettag $0x2  }
0x5c: {  	s0 =	rddreg [dreg:$0x0];
	s2 =	stileid.u32  }
0x5d: {  	s1 =	rddreg [dreg:$0x1];
	p0 =	sne.s32 s2, $0x0  }
0x5e: {  	s3 =	rddreg [dreg:$0x2];
	[bflag:$0x3] =	sbarrier.arrive $0xFFFF;
	s2 =	simm.s32 @!p0 $0x1C03  }
0x5f: {  	[timem:s3], [sflag:s2] =	dma.local @!p0 [hbm:s0], s1  }
0x60: {  	s0 =	simm.s32 @!p0 $0x3  }
0x61: {  	_ =	swait.ge @!p0 [sflag:s0], s1  }
0x62: {  	s1 =	ssub.s32 @!p0 $0x0, s1;
	[sflag:s0] =	ssyncset.done @!p0 $0x0  }
0x63: {  	[sflag:s0] =	ssyncadd.s32 @!p0 s1  }
0x64: {  	[bflag:$0x3] =	sbarrier.arrive $0xFFFF  }
0x65: {  	_ =	shalt  }

// kernel: kernel.23.cloned.1.call-start
scs
__scs_entry_jumppad:
0x0: {  	(pc) =	sbr.rel $0x88, $3  }
0x1: {  	(tag) =	ssettag $0x0;
	lr =	simm.s32 $0x1  }
0x2: {  	[smem:$0x3F95] =	sst lr;
	_ =	strace $0xD0000000  }
0x3: {  	_ = 	snop  }
0x4: {  	_ = 	snop  }
0x5: {  	_ = 	snop  }
0x6: {  	_ = 	snop  }
0x7: {  	_ = 	snop  }
__scs_overlays_trampoline_lowered:
0x8: {  	[smem:$0x3FA4] =	sst s0  }
0x9: {  	[smem:$0x3FA5] =	sst s1  }
0xa: {  	[smem:$0x3FA6] =	sst s2  }
0xb: {  	[smem:$0x3FA7] =	sst s3  }
0xc: {  	[smem:$0x3FA8] =	sst s4  }
0xd: {  	[smem:$0x3FA9] =	sst s5  }
0xe: {  	[smem:$0x3FAA] =	sst s6  }
0xf: {  	[smem:$0x3FAB] =	sst s7  }
0x10: {  	[smem:$0x3FAC] =	sst s8  }
0x11: {  	[smem:$0x3FAD] =	sst s9;
	s0 =	simm.s32 @!p0 $0x0  }
0x12: {  	s1 =	sld [smem:$0x3F93];
	s0 =	simm.s32 @p0 $0x1  }
0x13: {  	[smem:$0x3FAE] =	sst s0;
	s0 =	simm.s32 @!p1 $0x0  }
0x14: {  	s2 =	sld [smem:$0x3F92];
	s0 =	simm.s32 @p1 $0x1  }
0x15: {  	[smem:$0x3FAF] =	sst s0;
	s0 =	simm.s32 @!p2 $0x0  }
0x16: {  	s3 =	sld [smem:$0x3FDB];
	s0 =	simm.s32 @p2 $0x1  }
0x17: {  	s4 =	simm.s32 $0x1BF5;
	[smem:$0x3FB1] =	sst s0  }
0x18: {  	s0 =	sld [smem:$0x3F94];
	_ =	swait.ge [sflag:s4], $0x0  }
0x19: {  	s7 =	sld [smem:$0x3F95]  }
0x1a: {  	s8 =	sadd.s32 $0xFFFFE003, lr  }
0x1b: {  	s9 =	sadd.s32 $0xFFFFFEF7, lr;
	s5 =	simm.s32 $0xFFFFFFFF;
	p2 =	slt.u32 s8, $0xFFFFF086  }
0x1c: {  	p1 =	slt.u32 s9, $0xF7A;
	s5 =	simm.s32 @!p2 $0x0  }
0x1d: {  	s5 =	simm.s32 @p1 $0x1;
	p0 =	seq.s32 s7, s2  }
0x1e: {  	s7 =	smul.u32 @!p0 $0xF7A, s2;
	p2 =	seq.s32 @!p0 s5, $0x0  }
0x1f: {  	s9 =	smul.u32 $0xF7A, s1;
	s8 =	simm.s32 @!p0 $0x1BF5;
	p2 =	por !p2, p0  }
0x20: {  	[sflag:s8] =	ssyncset.s32 @!p0 $0xFFFFF086;
	s6 =	sadd.s32 @!p0 s3, s7;
	s7 =	simm.s32 @!p0 $0x108  }
0x21: {  	s3 =	sadd.s32 s3, s9;
	s6 =	sadd.s32 @!p0 $0x88, s6;
	s7 =	simm.s32 @p2 $0x1082  }
0x22: {  	[simem:s7], [sflag:s8] =	dma.local @!p0 [hbm:s6], $0xF7A  }
0x23: {  	s9 =	sor.u32 $0xD0000000, s2;
	s6 =	simm.s32 $0x108;
	_ =	swait.ge @!p0 [sflag:s8], $0x0  }
0x24: {  	s3 =	sadd.s32 $0x88, s3;
	s6 =	simm.s32 @!p1 $0x1082;
	[sflag:s4] =	ssyncset.s32 $0xFFFFF086  }
0x25: {  	[simem:s6], [sflag:s4] =	dma.local [hbm:s3], $0xF7A  }
0x26: {  	[smem:$0x3F95] =	sst s1;
	(tag) =	ssettag s2;
	_ =	strace s9  }
0x27: {  	s1 =	sld [smem:$0x3FA5]  }
0x28: {  	s2 =	sld [smem:$0x3FA6]  }
0x29: {  	s4 =	sld [smem:$0x3FA8]  }
0x2a: {  	p0 =	seq.s32 s5, $0x0;
	s5 =	sld [smem:$0x3FA9]  }
0x2b: {  	s6 =	sld [smem:$0x3FAA]  }
0x2c: {  	s7 =	sld [smem:$0x3FAB]  }
0x2d: {  	s3 =	simm.s32 $0x108;
	s8 =	sld [smem:$0x3FAC]  }
0x2e: {  	s3 =	simm.s32 @!p0 $0x1082;
	s9 =	sld [smem:$0x3FAD]  }
0x2f: {  	lr =	sadd.s32 s0, s3;
	s0 =	sld [smem:$0x3FA4]  }
0x30: {  	s3 =	sld [smem:$0x3FA7]  }
0x31: {  	[smem:$0x3FB0] =	sst s10  }
0x32: {  	s10 =	sld [smem:$0x3FAE];
	_ =	sdelay $0x3  }
0x33: {  	p0 =	seq.s32 s10, $0x1;
	s10 =	sld [smem:$0x3FB0];
	_ =	sdelay $0x3  }
0x34: {  	[smem:$0x3FB0] =	sst s10  }
0x35: {  	s10 =	sld [smem:$0x3FAF];
	_ =	sdelay $0x3  }
0x36: {  	p1 =	seq.s32 s10, $0x1;
	s10 =	sld [smem:$0x3FB0];
	_ =	sdelay $0x3  }
0x37: {  	[smem:$0x3FB0] =	sst s10  }
0x38: {  	s10 =	sld [smem:$0x3FB1]  }
0x39: {  	_ = 	snop;
	(pc) =	sbr.ind lr, $3  }
0x3a: {  	_ = 	snop  }
0x3b: {  	_ = 	snop  }
0x3c: {  	p2 =	seq.s32 s10, $0x1;
	s10 =	sld [smem:$0x3FB0]  }
0x3d: {  	_ =	shalt  }
0x3e: {  	_ =	shalt  }
0x3f: {  	_ =	shalt  }
0x40: {  	_ =	shalt  }
0x41: {  	_ =	shalt  }
0x42: {  	_ =	shalt  }
0x43: {  	_ =	shalt  }
0x44: {  	_ =	shalt  }
0x45: {  	_ =	shalt  }
0x46: {  	_ =	shalt  }
0x47: {  	_ =	shalt  }
0x48: {  	_ =	shalt  }
0x49: {  	_ =	shalt  }
0x4a: {  	_ =	shalt  }
0x4b: {  	_ =	shalt  }
0x4c: {  	_ =	shalt  }
0x4d: {  	_ =	shalt  }
0x4e: {  	_ =	shalt  }
0x4f: {  	_ =	shalt  }
0x50: {  	_ =	shalt  }
0x51: {  	_ =	shalt  }
0x52: {  	_ =	shalt  }
0x53: {  	_ =	shalt  }
0x54: {  	_ =	shalt  }
0x55: {  	_ =	shalt  }
0x56: {  	_ =	shalt  }
0x57: {  	_ =	shalt  }
0x58: {  	_ =	shalt  }
0x59: {  	_ =	shalt  }
0x5a: {  	_ =	shalt  }
0x5b: {  	_ =	shalt  }
0x5c: {  	_ =	shalt  }
0x5d: {  	_ =	shalt  }
0x5e: {  	_ =	shalt  }
0x5f: {  	_ =	shalt  }
0x60: {  	_ =	shalt  }
0x61: {  	_ =	shalt  }
0x62: {  	_ =	shalt  }
0x63: {  	_ =	shalt  }
0x64: {  	_ =	shalt  }
0x65: {  	_ =	shalt  }
0x66: {  	_ =	shalt  }
0x67: {  	_ =	shalt  }
0x68: {  	_ =	shalt  }
0x69: {  	_ =	shalt  }
0x6a: {  	_ =	shalt  }
0x6b: {  	_ =	shalt  }
0x6c: {  	_ =	shalt  }
0x6d: {  	_ =	shalt  }
0x6e: {  	_ =	shalt  }
0x6f: {  	_ =	shalt  }
0x70: {  	_ =	shalt  }
0x71: {  	_ =	shalt  }
0x72: {  	_ =	shalt  }
0x73: {  	_ =	shalt  }
0x74: {  	_ =	shalt  }
0x75: {  	_ =	shalt  }
0x76: {  	_ =	shalt  }
0x77: {  	_ =	shalt  }
0x78: {  	_ =	shalt  }
0x79: {  	_ =	shalt  }
0x7a: {  	_ =	shalt  }
0x7b: {  	_ =	shalt  }
0x7c: {  	_ =	shalt  }
0x7d: {  	_ =	shalt  }
0x7e: {  	_ =	shalt  }
0x7f: {  	_ =	shalt  }
0x80: {  	_ =	shalt  }
0x81: {  	_ =	shalt  }
0x82: {  	_ =	shalt  }
0x83: {  	_ =	shalt  }
0x84: {  	_ =	shalt  }
0x85: {  	_ =	shalt  }
0x86: {  	_ =	shalt  }
0x87: {  	_ =	shalt  }
.Lfunc_end0:
.L_simem_size_0:
called_computation.3_lowered:
.L_overlay_start_0:
0x88: {  	s2 =	sld [smem:$0x3FD9]  }
0x89: {  	s3 =	sld [smem:$0x3FFE];
	_ =	sdelay $0x1  }
0x8a: {  	s1 =	srdreg.scid  }
0x8b: {  	s0 =	sand.u32 $0x1, s1  }
0x8c: {  	s16 =	sshll.u32 s0, $0xA;
	s2 =	sadd.s32 s3, s2  }
0x8d: {  	s2 =	sadd.s32 s2, s16  }
0x8e: {  	[smem:$0x3FBC] =	sst s2  }
0x8f: {  	_ = 	snop  }
0x90: {  	(tm) =	ssettm $0x1  }
0x91: {  	s17 =	sld [smem:$0x3FFB];
	_ =	sdelay $0x3  }
0x92: {  	_ =	strace s17  }
0x93: {  	s2 =	sld [smem:$0x3FFC];
	_ =	sdelay $0x3  }
0x94: {  	_ =	strace s2  }
0x95: {  	s2 =	sld [smem:$0x3FFD];
	_ =	sdelay $0x3  }
0x96: {  	_ =	strace s2  }
0x97: {  	_ =	strace $0x8FFFFFFF  }
0x98: {  	s18 =	sld [smem:$0x3FDB];
	_ =	sdelay $0x1  }
0x99: {  	s19 =	simm.s32 $_scs_section_size  }
0x9a: {  	s4 =	simm.s32 $_size__tile_overlayer_lowered;
	s5 =	simm.s32 $_tile_overlayer_lowered  }
0x9b: {  	s22 =	simm.s32 $0x1BFF;
	s21 =	sshll.u32 s5, $0x1;
	s2 =	sadd.s32 s19, s18  }
0x9c: {  	s6 =	simm.s32 $0x0;
	s20 =	sshll.u32 s4, $0x1;
	s4 =	sadd.s32 s21, s2  }
0x9d: {  	[timem:s6], [sflag:s22] =	dma.local [hbm:s4], s20  }
0x9e: {  	_ =	swait.ge [sflag:s22], s20  }
0x9f: {  	s3 =	ssub.s32 $0x0, s20;
	[sflag:s22] =	ssyncset.done $0x0  }
0xa0: {  	[sflag:s22] =	ssyncadd.s32 s3;
	_ =	sdelay $0x1  }
0xa1: {  	s23 =	simm.s32 $0x1B8B  }
0xa2: {  	_ =	swait.ge [sflag:s23], $0x1  }
0xa3: {  	[sflag:s23] =	ssyncset.done $0x0  }
0xa4: {  	s25 =	simm.s32 $0x1B8E;
	s24 =	sld [smem:$0x3FFE];
	[sflag:s23] =	ssyncadd.s32 $0xFFFFFFFF  }
0xa5: {  	s26 =	simm.s32 $execute0_lowered;
	[smem:$0x3FD2] =	sst s25  }
0xa6: {  	s4 =	sshll.u32 s26, $0x1;
	_ =	strace $0x8000004F;
	[dreg:$0x1] =	wrdreg $0xFFFFFFFF  }
0xa7: {  	s28 =	simm.s32 $_size_execute0_lowered;
	s2 =	sadd.s32 s2, s4;
	[dreg:$0x0] =	wrdreg $0x0  }
0xa8: {  	s4 =	sshll.u32 s28, $0x1;
	[dreg:$0x2] =	wrdreg s2  }
0xa9: {  	[dreg:$0x3] =	wrdreg s4  }
0xaa: {  	[dreg:$0x4] =	wrdreg $0xC0  }
0xab: {  	_ =	task [dreg:s6], $0x5FFFF  }
0xac: {  	[dreg:$0x1] =	wrdreg $0xFFFFFFFF  }
0xad: {  	[dreg:$0x0] =	wrdreg $0x60  }
0xae: {  	[dreg:$0x2] =	wrdreg s24  }
0xaf: {  	[dreg:$0x3] =	wrdreg $0x0  }
0xb0: {  	[dreg:$0x4] =	wrdreg $0x9  }
0xb1: {  	_ =	task.clear_ibuf [dreg:s6], $0x5FFFF;
	_ =	strace $0x9000004F  }
0xb2: {  	s29 =	simm.s32 $0x9;
	_ =	strace $0x80000051  }
0xb3: {  	_ =	swait.ge [sflag:s29], $0x1  }
0xb4: {  	[sflag:s29] =	ssyncadd.s32 $0xFFFFFFFF  }
0xb5: {  	_ =	strace $0x90000051  }
0xb6: {  	_ =	sfence  }
0xb7: {  	s30 =	sld [smem:$0x0];
	_ =	sdelay $0x2  }
0xb8: {  	s31 =	sshll.u32 s1, $0xD;
	s1 =	sshrl.u32 s1, $0x2  }
0xb9: {  	s3 =	sand.u32 $0x4000, s31;
	s1 =	sadd.s32 s1, s30  }
0xba: {  	s0 =	sor.u32 s3, s0;
	s1 =	sshll.u32 s1, $0x11  }
0xbb: {  	s0 =	sor.u32 s1, s0  }
0xbc: {  	s0 =	sadd.s32 $0x8F2B, s0  }
0xbd: {  	[sflag:s0] =	ssyncadd.remote.s32 $0x1  }
0xbe: {  	_ =	sfence.sel $0xFFFF  }
0xbf: {  	[dreg:$0x0] =	wrdreg $0xFFFFFFFF;
	(pc) =	sbr.abs _section_cstart, $3  }
0xc0: {  	[dreg:$0x1] =	wrdreg $0xFFFFFFFF  }
0xc1: {  	_ =	task.clear_ibuf [dreg:s6], $0x2FFFF;
	_ =	strace $0x9FFFFFFF  }
0xc2: {  	(tm) =	ssettm $0x7FFFFFFF  }
0xc3: {  	_ =	shalt  }
tec
execute0_lowered:
.L_overlay_start_1:
0x0: {  	(tag) =	ssettag $0x1  }
0x1: {  	s4 =	rddreg [dreg:$0x0]  }
0x2: {  	s0 =	stileid.u32;
	s1 =	srdreg.scid  }
0x3: {  	s2 =	rddreg [dreg:$0x1];
	s3 =	simm.s32 $0x0;
	s10 =	simm.s32 $0x15400  }
0x4: {  	s14 =	simm.s32 $0x3;
	s15 =	simm.s32 $0x80;
	s16 =	simm.s32 $0x16800  }
0x5: {  	s17 =	simm.s32 $0x1A800;
	s18 =	simm.s32 $0x2;
	s5 =	smul.u32 $0x280, s0  }
0x6: {  	s6 =	sand.u32 $0x1, s1;
	s1 =	rddreg [dreg:$0x2];
	s8 =	smul.u32 $0x50000, s0  }
0x7: {  	[smem:$0x7FF] =	sst s3;
	s19 =	smul.u32 $0x2800, s0;
	s12 =	sshll.u32 s0, $0x6  }
0x8: {  	s7 =	smul.u32 $0x28000, s6;
	s6 =	ssub.s32 $0x2, s6;
	_ =	strace $0x80000050  }
0x9: {  	s12 =	sor.u32 $0x1C03, s12;
	s5 =	sadd.s32 s5, s4;
	s9 =	sshrl.u32 s6, $0x1  }
0xa: {  	s31 =	sshrl.u32 s8, $0x2;
	s8 =	simm.s32 $0x14000;
	s7 =	sadd.s32 s7, s4  }
0xb: {  	s9 =	ssub.s32 s6, s9;
	s4 =	sadd.s32 $0x5BA00, s5;
	s5 =	sadd.s32 $0x60A00, s5  }
0xc: {  	s13 =	sadd.s32 s31, s2;
	s6 =	sadd.s32 $0x65A00, s7;
	s20 =	sadd.s32 $0xB5A00, s7  }
0xd: {  	s7 =	smax.u32 s9, $0x1;
	s9 =	simm.s32 $0x1;
	s13 =	sshrl.u32 s13, $0x3  }
0xe: {  	s11 =	sadd.s32 s19, s6;
	s19 =	sadd.s32 s19, s20;
	s20 =	simm.s32 $0x0  }
.LBB2_1:
0xf: {  	[tilespmem:s8], [sflag:$0x1] =	stream.linear.gather [hbm4b:s4+s3], $0x1400, $0x38;
	[tilespmem:$0x1E800] =	vst v63  }
0x10: {  	_ =	swait.ge [sflag:s9], $0x1400  }
0x11: {  	[sflag:s9] =	ssyncset.done $0x0  }
0x12: {  	[sflag:s9] =	ssyncadd.s32 $0xFFFFEC00  }
0x13: {  	[tilespmem:s10], [sflag:$0x1] =	stream.linear.gather [hbm4b:s5+s3], $0x1400, $0x38;
	[tilespmem:$0x1E800] =	vst v63  }
0x14: {  	_ =	swait.ge [sflag:s9], $0x1400  }
0x15: {  	[sflag:s9] =	ssyncset.done $0x0  }
0x16: {  	[sflag:s9] =	ssyncadd.s32 $0xFFFFEC00  }
0x17: {  	[spmem:s13], [sflag:s12] =	dma.local [hbm:s11], $0x2800  }
0x18: {  	_ =	swait.ge [sflag:s14], $0x2800  }
0x19: {  	[sflag:s14] =	ssyncset.done $0x0  }
0x1a: {  	[sflag:s14] =	ssyncadd.s32 $0xFFFFD800  }
0x1b: {  	s21 =	simm.s32 $0x14000;
	[bflag:$0x0] =	sbarrier.arrive $0xFFFF  }
0x1c: {  	[tilespmem:s16], [sflag:$0x2] =	stream.indirect.gather [hbm4b:s6+s15], $0x80, s21, s15, $0xb8;
	[tilespmem:$0x1E800] =	vst v63  }
0x1d: {  	s29 =	simm.s32 $0x14080  }
0x1e: {  	[tilespmem:s17], [sflag:$0x2] =	stream.indirect.gather [hbm4b:s6+s15], $0x80, s29, s15, $0xb8;
	[tilespmem:$0x1E800] =	vst v63  }
0x1f: {  	_ =	swait.ge [sflag:s18], $0x4000  }
0x20: {  	[sflag:s18] =	ssyncset.done $0x0  }
0x21: {  	[sflag:s18] =	ssyncadd.s32 $0xFFFFC000  }
0x22: {  	_ =	swait.ge [sflag:s18], $0x4000  }
0x23: {  	[sflag:s18] =	ssyncset.done $0x0  }
0x24: {  	s30 =	simm.s32 $0x15400;
	[sflag:s18] =	ssyncadd.s32 $0xFFFFC000  }
0x25: {  	[spmem:s2] =	stream.indirect.scatter.add.f32 [tilespmem:s16], [sflag:$0x3], $0x80, s30, s15, $0xb8;
	[tilespmem:$0x1E800] =	vst v63  }
0x26: {  	_ =	swait.ge [sflag:s14], $0x4000  }
0x27: {  	[sflag:s14] =	ssyncset.done $0x0  }
0x28: {  	s31 =	simm.s32 $0x15480;
	[sflag:s14] =	ssyncadd.s32 $0xFFFFC000  }
0x29: {  	[spmem:s2] =	stream.indirect.scatter.add.f32 [tilespmem:s17], [sflag:$0x3], $0x80, s31, s15, $0xb8;
	[tilespmem:$0x1E800] =	vst v63  }
0x2a: {  	_ =	swait.ge [sflag:s14], $0x4000  }
0x2b: {  	s22 =	simm.s32 $0x800;
	s21 =	simm.s32 $0x100;
	[sflag:s14] =	ssyncset.done $0x0  }
.LBB2_2:
0x2c: {  	s23 =	sadd.s32 $0x14000, s21  }
0x2d: {  	[sflag:s14] =	ssyncadd.s32 $0xFFFFC000;
	s24 =	smov.u32 s22;
	s25 =	sadd.s32 $0x400, s22  }
0x2e: {  	[tilespmem:s16], [sflag:$0x2] =	stream.indirect.gather [hbm4b:s6+s15], $0x80, s23, s15, $0xb8;
	[tilespmem:$0x1E800] =	vst v63  }
0x2f: {  	p0 =	sne.s32 s22, $0x4C00;
	s22 =	sadd.s32 $0x14080, s21  }
0x30: {  	[tilespmem:s17], [sflag:$0x2] =	stream.indirect.gather [hbm4b:s6+s15], $0x80, s22, s15, $0xb8;
	[tilespmem:$0x1E800] =	vst v63  }
0x31: {  	_ =	swait.ge [sflag:s18], $0x4000  }
0x32: {  	[sflag:s18] =	ssyncset.done $0x0  }
0x33: {  	[sflag:s18] =	ssyncadd.s32 $0xFFFFC000  }
0x34: {  	_ =	swait.ge [sflag:s18], $0x4000  }
0x35: {  	[sflag:s18] =	ssyncset.done $0x0  }
0x36: {  	s22 =	sadd.s32 $0x15400, s21;
	[sflag:s18] =	ssyncadd.s32 $0xFFFFC000  }
0x37: {  	[spmem:s2] =	stream.indirect.scatter.add.f32 [tilespmem:s16], [sflag:$0x3], $0x80, s22, s15, $0xb8;
	[tilespmem:$0x1E800] =	vst v63  }
0x38: {  	_ =	swait.ge [sflag:s14], $0x4000  }
.Ltmp0:
0x39: {  	[sflag:s14] =	ssyncset.done $0x0;
	(pc) =	sbr.rel @p0 .LBB2_2-.Ltmp0, $4  }
0x3a: {  	s21 =	sadd.s32 $0x15480, s21;
	[sflag:s14] =	ssyncadd.s32 $0xFFFFC000  }
0x3b: {  	[spmem:s2] =	stream.indirect.scatter.add.f32 [tilespmem:s17], [sflag:$0x3], $0x80, s21, s15, $0xb8;
	[tilespmem:$0x1E800] =	vst v63  }
0x3c: {  	_ =	swait.ge [sflag:s14], $0x4000  }
0x3d: {  	s22 =	smov.u32 s25;
	s21 =	sshra.s32 s24, $0x2;
	[sflag:s14] =	ssyncset.done $0x0  }
0x3e: {  	s22 =	sadd.s32 $0x14000, s21;
	[sflag:s14] =	ssyncadd.s32 $0xFFFFC000  }
0x3f: {  	[tilespmem:s16], [sflag:$0x2] =	stream.indirect.gather [hbm4b:s6+s15], $0x80, s22, s15, $0xb8;
	[tilespmem:$0x1E800] =	vst v63  }
0x40: {  	s29 =	sadd.s32 $0x14080, s21  }
0x41: {  	[tilespmem:s17], [sflag:$0x2] =	stream.indirect.gather [hbm4b:s6+s15], $0x80, s29, s15, $0xb8;
	[tilespmem:$0x1E800] =	vst v63  }
0x42: {  	_ =	swait.ge [sflag:s18], $0x4000  }
0x43: {  	[sflag:s18] =	ssyncset.done $0x0  }
0x44: {  	[sflag:s18] =	ssyncadd.s32 $0xFFFFC000  }
0x45: {  	_ =	swait.ge [sflag:s18], $0x4000  }
0x46: {  	[sflag:s18] =	ssyncset.done $0x0  }
0x47: {  	s30 =	sadd.s32 $0x15400, s21;
	[sflag:s18] =	ssyncadd.s32 $0xFFFFC000  }
0x48: {  	[spmem:s2] =	stream.indirect.scatter.add.f32 [tilespmem:s16], [sflag:$0x3], $0x80, s30, s15, $0xb8;
	[tilespmem:$0x1E800] =	vst v63  }
0x49: {  	_ =	swait.ge [sflag:s14], $0x4000  }
0x4a: {  	[sflag:s14] =	ssyncset.done $0x0  }
0x4b: {  	s31 =	sadd.s32 $0x15480, s21;
	[sflag:s14] =	ssyncadd.s32 $0xFFFFC000  }
0x4c: {  	[spmem:s2] =	stream.indirect.scatter.add.f32 [tilespmem:s17], [sflag:$0x3], $0x80, s31, s15, $0xb8;
	[tilespmem:$0x1E800] =	vst v63  }
0x4d: {  	_ =	swait.ge [sflag:s14], $0x4000  }
0x4e: {  	s20 =	sadd.s32 $0x1, s20;
	[sflag:s14] =	ssyncset.done $0x0  }
0x4f: {  	p0 =	sne.s32 s20, s7;
	[sflag:s14] =	ssyncadd.s32 $0xFFFFC000  }
.Ltmp1:
0x50: {  	[bflag:$0x0] =	sbarrier.arrive $0xFFFF;
	(pc) =	sbr.rel @p0 .LBB2_1-.Ltmp1, $4  }
0x51: {  	[hbm:s19], [sflag:s12] =	dma.local [spmem:s13], $0x2800  }
0x52: {  	_ =	swait.ge [sflag:s14], $0x2800  }
0x53: {  	[sflag:s14] =	ssyncset.done $0x0  }
0x54: {  	[sflag:s14] =	ssyncadd.s32 $0xFFFFD800  }
0x55: {  	_ =	sfence.sel $0x180000  }
0x56: {  	[bflag:$0x0] =	sbarrier.arrive $0xFFFF  }
0x57: {  	p0 =	sne.s32 s0, $0x0;
	_ =	strace $0x90000050  }
0x58: {  	s0 =	sadd.s32 @!p0 $0x100000, s1;
	[bflag:$0x2] =	sbarrier.arrive $0xFFFF  }
0x59: {  	[sflag:s0] =	ssyncadd.tile.s32 @!p0 $0x1;
	_ =	shalt  }
.Lfunc_end2:
_tile_overlayer_lowered:
.L_overlay_start_2:
0x5a: {  	(tag) =	ssettag $0x2  }
0x5b: {  	s0 =	rddreg [dreg:$0x0];
	s2 =	stileid.u32  }
0x5c: {  	s1 =	rddreg [dreg:$0x1];
	p0 =	sne.s32 s2, $0x0  }
0x5d: {  	s3 =	rddreg [dreg:$0x2];
	[bflag:$0x3] =	sbarrier.arrive $0xFFFF;
	s2 =	simm.s32 @!p0 $0x1C03  }
0x5e: {  	[timem:s3], [sflag:s2] =	dma.local @!p0 [hbm:s0], s1  }
0x5f: {  	s0 =	simm.s32 @!p0 $0x3  }
0x60: {  	_ =	swait.ge @!p0 [sflag:s0], s1  }
0x61: {  	s1 =	ssub.s32 @!p0 $0x0, s1;
	[sflag:s0] =	ssyncset.done @!p0 $0x0  }
0x62: {  	[sflag:s0] =	ssyncadd.s32 @!p0 s1  }
0x63: {  	[bflag:$0x3] =	sbarrier.arrive $0xFFFF  }
0x64: {  	_ =	shalt  }

// kernel: kernel.26.cloned.1.call-start
scs
__scs_entry_jumppad:
0x0: {  	(pc) =	sbr.rel $0x88, $3  }
0x1: {  	(tag) =	ssettag $0x0;
	lr =	simm.s32 $0x1  }
0x2: {  	[smem:$0x3F95] =	sst lr;
	_ =	strace $0xD0000000  }
0x3: {  	_ = 	snop  }
0x4: {  	_ = 	snop  }
0x5: {  	_ = 	snop  }
0x6: {  	_ = 	snop  }
0x7: {  	_ = 	snop  }
__scs_overlays_trampoline_lowered:
0x8: {  	[smem:$0x3FA4] =	sst s0  }
0x9: {  	[smem:$0x3FA5] =	sst s1  }
0xa: {  	[smem:$0x3FA6] =	sst s2  }
0xb: {  	[smem:$0x3FA7] =	sst s3  }
0xc: {  	[smem:$0x3FA8] =	sst s4  }
0xd: {  	[smem:$0x3FA9] =	sst s5  }
0xe: {  	[smem:$0x3FAA] =	sst s6  }
0xf: {  	[smem:$0x3FAB] =	sst s7  }
0x10: {  	[smem:$0x3FAC] =	sst s8  }
0x11: {  	[smem:$0x3FAD] =	sst s9;
	s0 =	simm.s32 @!p0 $0x0  }
0x12: {  	s1 =	sld [smem:$0x3F93];
	s0 =	simm.s32 @p0 $0x1  }
0x13: {  	[smem:$0x3FAE] =	sst s0;
	s0 =	simm.s32 @!p1 $0x0  }
0x14: {  	s2 =	sld [smem:$0x3F92];
	s0 =	simm.s32 @p1 $0x1  }
0x15: {  	[smem:$0x3FAF] =	sst s0;
	s0 =	simm.s32 @!p2 $0x0  }
0x16: {  	s3 =	sld [smem:$0x3FDB];
	s0 =	simm.s32 @p2 $0x1  }
0x17: {  	s4 =	simm.s32 $0x1BF5;
	[smem:$0x3FB1] =	sst s0  }
0x18: {  	s0 =	sld [smem:$0x3F94];
	_ =	swait.ge [sflag:s4], $0x0  }
0x19: {  	s7 =	sld [smem:$0x3F95]  }
0x1a: {  	s8 =	sadd.s32 $0xFFFFE003, lr  }
0x1b: {  	s9 =	sadd.s32 $0xFFFFFEF7, lr;
	s5 =	simm.s32 $0xFFFFFFFF;
	p2 =	slt.u32 s8, $0xFFFFF086  }
0x1c: {  	p1 =	slt.u32 s9, $0xF7A;
	s5 =	simm.s32 @!p2 $0x0  }
0x1d: {  	s5 =	simm.s32 @p1 $0x1;
	p0 =	seq.s32 s7, s2  }
0x1e: {  	s7 =	smul.u32 @!p0 $0xF7A, s2;
	p2 =	seq.s32 @!p0 s5, $0x0  }
0x1f: {  	s9 =	smul.u32 $0xF7A, s1;
	s8 =	simm.s32 @!p0 $0x1BF5;
	p2 =	por !p2, p0  }
0x20: {  	[sflag:s8] =	ssyncset.s32 @!p0 $0xFFFFF086;
	s6 =	sadd.s32 @!p0 s3, s7;
	s7 =	simm.s32 @!p0 $0x108  }
0x21: {  	s3 =	sadd.s32 s3, s9;
	s6 =	sadd.s32 @!p0 $0x88, s6;
	s7 =	simm.s32 @p2 $0x1082  }
0x22: {  	[simem:s7], [sflag:s8] =	dma.local @!p0 [hbm:s6], $0xF7A  }
0x23: {  	s9 =	sor.u32 $0xD0000000, s2;
	s6 =	simm.s32 $0x108;
	_ =	swait.ge @!p0 [sflag:s8], $0x0  }
0x24: {  	s3 =	sadd.s32 $0x88, s3;
	s6 =	simm.s32 @!p1 $0x1082;
	[sflag:s4] =	ssyncset.s32 $0xFFFFF086  }
0x25: {  	[simem:s6], [sflag:s4] =	dma.local [hbm:s3], $0xF7A  }
0x26: {  	[smem:$0x3F95] =	sst s1;
	(tag) =	ssettag s2;
	_ =	strace s9  }
0x27: {  	s1 =	sld [smem:$0x3FA5]  }
0x28: {  	s2 =	sld [smem:$0x3FA6]  }
0x29: {  	s4 =	sld [smem:$0x3FA8]  }
0x2a: {  	p0 =	seq.s32 s5, $0x0;
	s5 =	sld [smem:$0x3FA9]  }
0x2b: {  	s6 =	sld [smem:$0x3FAA]  }
0x2c: {  	s7 =	sld [smem:$0x3FAB]  }
0x2d: {  	s3 =	simm.s32 $0x108;
	s8 =	sld [smem:$0x3FAC]  }
0x2e: {  	s3 =	simm.s32 @!p0 $0x1082;
	s9 =	sld [smem:$0x3FAD]  }
0x2f: {  	lr =	sadd.s32 s0, s3;
	s0 =	sld [smem:$0x3FA4]  }
0x30: {  	s3 =	sld [smem:$0x3FA7]  }
0x31: {  	[smem:$0x3FB0] =	sst s10  }
0x32: {  	s10 =	sld [smem:$0x3FAE];
	_ =	sdelay $0x3  }
0x33: {  	p0 =	seq.s32 s10, $0x1;
	s10 =	sld [smem:$0x3FB0];
	_ =	sdelay $0x3  }
0x34: {  	[smem:$0x3FB0] =	sst s10  }
0x35: {  	s10 =	sld [smem:$0x3FAF];
	_ =	sdelay $0x3  }
0x36: {  	p1 =	seq.s32 s10, $0x1;
	s10 =	sld [smem:$0x3FB0];
	_ =	sdelay $0x3  }
0x37: {  	[smem:$0x3FB0] =	sst s10  }
0x38: {  	s10 =	sld [smem:$0x3FB1]  }
0x39: {  	_ = 	snop;
	(pc) =	sbr.ind lr, $3  }
0x3a: {  	_ = 	snop  }
0x3b: {  	_ = 	snop  }
0x3c: {  	p2 =	seq.s32 s10, $0x1;
	s10 =	sld [smem:$0x3FB0]  }
0x3d: {  	_ =	shalt  }
0x3e: {  	_ =	shalt  }
0x3f: {  	_ =	shalt  }
0x40: {  	_ =	shalt  }
0x41: {  	_ =	shalt  }
0x42: {  	_ =	shalt  }
0x43: {  	_ =	shalt  }
0x44: {  	_ =	shalt  }
0x45: {  	_ =	shalt  }
0x46: {  	_ =	shalt  }
0x47: {  	_ =	shalt  }
0x48: {  	_ =	shalt  }
0x49: {  	_ =	shalt  }
0x4a: {  	_ =	shalt  }
0x4b: {  	_ =	shalt  }
0x4c: {  	_ =	shalt  }
0x4d: {  	_ =	shalt  }
0x4e: {  	_ =	shalt  }
0x4f: {  	_ =	shalt  }
0x50: {  	_ =	shalt  }
0x51: {  	_ =	shalt  }
0x52: {  	_ =	shalt  }
0x53: {  	_ =	shalt  }
0x54: {  	_ =	shalt  }
0x55: {  	_ =	shalt  }
0x56: {  	_ =	shalt  }
0x57: {  	_ =	shalt  }
0x58: {  	_ =	shalt  }
0x59: {  	_ =	shalt  }
0x5a: {  	_ =	shalt  }
0x5b: {  	_ =	shalt  }
0x5c: {  	_ =	shalt  }
0x5d: {  	_ =	shalt  }
0x5e: {  	_ =	shalt  }
0x5f: {  	_ =	shalt  }
0x60: {  	_ =	shalt  }
0x61: {  	_ =	shalt  }
0x62: {  	_ =	shalt  }
0x63: {  	_ =	shalt  }
0x64: {  	_ =	shalt  }
0x65: {  	_ =	shalt  }
0x66: {  	_ =	shalt  }
0x67: {  	_ =	shalt  }
0x68: {  	_ =	shalt  }
0x69: {  	_ =	shalt  }
0x6a: {  	_ =	shalt  }
0x6b: {  	_ =	shalt  }
0x6c: {  	_ =	shalt  }
0x6d: {  	_ =	shalt  }
0x6e: {  	_ =	shalt  }
0x6f: {  	_ =	shalt  }
0x70: {  	_ =	shalt  }
0x71: {  	_ =	shalt  }
0x72: {  	_ =	shalt  }
0x73: {  	_ =	shalt  }
0x74: {  	_ =	shalt  }
0x75: {  	_ =	shalt  }
0x76: {  	_ =	shalt  }
0x77: {  	_ =	shalt  }
0x78: {  	_ =	shalt  }
0x79: {  	_ =	shalt  }
0x7a: {  	_ =	shalt  }
0x7b: {  	_ =	shalt  }
0x7c: {  	_ =	shalt  }
0x7d: {  	_ =	shalt  }
0x7e: {  	_ =	shalt  }
0x7f: {  	_ =	shalt  }
0x80: {  	_ =	shalt  }
0x81: {  	_ =	shalt  }
0x82: {  	_ =	shalt  }
0x83: {  	_ =	shalt  }
0x84: {  	_ =	shalt  }
0x85: {  	_ =	shalt  }
0x86: {  	_ =	shalt  }
0x87: {  	_ =	shalt  }
.Lfunc_end0:
.L_simem_size_0:
called_computation.4_lowered:
.L_overlay_start_0:
0x88: {  	s2 =	sld [smem:$0x3FD9]  }
0x89: {  	s3 =	sld [smem:$0x3FFE];
	_ =	sdelay $0x1  }
0x8a: {  	s1 =	srdreg.scid  }
0x8b: {  	s0 =	sand.u32 $0x1, s1  }
0x8c: {  	s16 =	sshll.u32 s0, $0xA;
	s2 =	sadd.s32 s3, s2  }
0x8d: {  	s2 =	sadd.s32 s2, s16  }
0x8e: {  	[smem:$0x3FBC] =	sst s2  }
0x8f: {  	_ = 	snop  }
0x90: {  	(tm) =	ssettm $0x1  }
0x91: {  	s17 =	sld [smem:$0x3FFB];
	_ =	sdelay $0x3  }
0x92: {  	_ =	strace s17  }
0x93: {  	s2 =	sld [smem:$0x3FFC];
	_ =	sdelay $0x3  }
0x94: {  	_ =	strace s2  }
0x95: {  	s2 =	sld [smem:$0x3FFD];
	_ =	sdelay $0x3  }
0x96: {  	_ =	strace s2  }
0x97: {  	_ =	strace $0x8FFFFFFF  }
0x98: {  	s18 =	sld [smem:$0x3FDB];
	_ =	sdelay $0x1  }
0x99: {  	s19 =	simm.s32 $_scs_section_size  }
0x9a: {  	s4 =	simm.s32 $_size__tile_overlayer_lowered;
	s5 =	simm.s32 $_tile_overlayer_lowered  }
0x9b: {  	s22 =	simm.s32 $0x1BFF;
	s21 =	sshll.u32 s5, $0x1;
	s2 =	sadd.s32 s19, s18  }
0x9c: {  	s6 =	simm.s32 $0x0;
	s20 =	sshll.u32 s4, $0x1;
	s4 =	sadd.s32 s21, s2  }
0x9d: {  	[timem:s6], [sflag:s22] =	dma.local [hbm:s4], s20  }
0x9e: {  	_ =	swait.ge [sflag:s22], s20  }
0x9f: {  	s3 =	ssub.s32 $0x0, s20;
	[sflag:s22] =	ssyncset.done $0x0  }
0xa0: {  	[sflag:s22] =	ssyncadd.s32 s3;
	_ =	sdelay $0x1  }
0xa1: {  	s23 =	simm.s32 $0x1B8B  }
0xa2: {  	_ =	swait.ge [sflag:s23], $0x1  }
0xa3: {  	[sflag:s23] =	ssyncset.done $0x0  }
0xa4: {  	s25 =	simm.s32 $0x1B8E;
	s24 =	sld [smem:$0x3FFE];
	[sflag:s23] =	ssyncadd.s32 $0xFFFFFFFF  }
0xa5: {  	s26 =	simm.s32 $execute0_lowered;
	[smem:$0x3FD2] =	sst s25  }
0xa6: {  	s4 =	sshll.u32 s26, $0x1;
	_ =	strace $0x80000052;
	[dreg:$0x1] =	wrdreg $0xFFFFFFFF  }
0xa7: {  	s28 =	simm.s32 $_size_execute0_lowered;
	s2 =	sadd.s32 s2, s4;
	[dreg:$0x0] =	wrdreg $0x0  }
0xa8: {  	s4 =	sshll.u32 s28, $0x1;
	[dreg:$0x2] =	wrdreg s2  }
0xa9: {  	[dreg:$0x3] =	wrdreg s4  }
0xaa: {  	[dreg:$0x4] =	wrdreg $0xC0  }
0xab: {  	_ =	task [dreg:s6], $0x5FFFF  }
0xac: {  	[dreg:$0x1] =	wrdreg $0xFFFFFFFF  }
0xad: {  	[dreg:$0x0] =	wrdreg $0x60  }
0xae: {  	[dreg:$0x2] =	wrdreg s24  }
0xaf: {  	[dreg:$0x3] =	wrdreg $0x0  }
0xb0: {  	[dreg:$0x4] =	wrdreg $0x9  }
0xb1: {  	_ =	task.clear_ibuf [dreg:s6], $0x5FFFF;
	_ =	strace $0x90000052  }
0xb2: {  	s29 =	simm.s32 $0x9;
	_ =	strace $0x80000054  }
0xb3: {  	_ =	swait.ge [sflag:s29], $0x1  }
0xb4: {  	[sflag:s29] =	ssyncadd.s32 $0xFFFFFFFF  }
0xb5: {  	_ =	strace $0x90000054  }
0xb6: {  	_ =	sfence  }
0xb7: {  	s30 =	sld [smem:$0x0];
	_ =	sdelay $0x2  }
0xb8: {  	s31 =	sshll.u32 s1, $0xD;
	s1 =	sshrl.u32 s1, $0x2  }
0xb9: {  	s3 =	sand.u32 $0x4000, s31;
	s1 =	sadd.s32 s1, s30  }
0xba: {  	s0 =	sor.u32 s3, s0;
	s1 =	sshll.u32 s1, $0x11  }
0xbb: {  	s0 =	sor.u32 s1, s0  }
0xbc: {  	s0 =	sadd.s32 $0x8F2B, s0  }
0xbd: {  	[sflag:s0] =	ssyncadd.remote.s32 $0x1  }
0xbe: {  	_ =	sfence.sel $0xFFFF  }
0xbf: {  	[dreg:$0x0] =	wrdreg $0xFFFFFFFF;
	(pc) =	sbr.abs _section_cstart, $3  }
0xc0: {  	[dreg:$0x1] =	wrdreg $0xFFFFFFFF  }
0xc1: {  	_ =	task.clear_ibuf [dreg:s6], $0x2FFFF;
	_ =	strace $0x9FFFFFFF  }
0xc2: {  	(tm) =	ssettm $0x7FFFFFFF  }
0xc3: {  	_ =	shalt  }
tec
execute0_lowered:
.L_overlay_start_1:
0x0: {  	(tag) =	ssettag $0x1  }
0x1: {  	s4 =	rddreg [dreg:$0x0]  }
0x2: {  	s2 =	rddreg [dreg:$0x1]  }
0x3: {  	s0 =	rddreg [dreg:$0x2];
	s1 =	stileid.u32  }
0x4: {  	s5 =	srdreg.scid;
	s3 =	simm.s32 $0x0;
	s10 =	simm.s32 $0x15400  }
0x5: {  	s14 =	simm.s32 $0x3;
	s15 =	simm.s32 $0x80;
	s6 =	smul.u32 $0x280, s1  }
0x6: {  	s16 =	simm.s32 $0x16800;
	s17 =	simm.s32 $0x1A800;
	s8 =	smul.u32 $0x50000, s1  }
0x7: {  	s18 =	simm.s32 $0x2;
	s5 =	sand.u32 $0x1, s5;
	s19 =	smul.u32 $0x2800, s1  }
0x8: {  	[smem:$0x7FF] =	sst s3;
	s12 =	sshll.u32 s1, $0x6;
	s7 =	smul.u32 $0x28000, s5  }
0x9: {  	_ =	strace $0x80000053;
	s5 =	ssub.s32 $0x2, s5;
	s12 =	sor.u32 $0x1C03, s12  }
0xa: {  	s6 =	sadd.s32 s6, s4;
	s31 =	sshrl.u32 s5, $0x1;
	s8 =	sshrl.u32 s8, $0x2  }
0xb: {  	s7 =	sadd.s32 s7, s4;
	s9 =	ssub.s32 s5, s31;
	s4 =	sadd.s32 $0x5E200, s6  }
0xc: {  	s5 =	sadd.s32 $0x63200, s6;
	s13 =	sadd.s32 s8, s2;
	s8 =	simm.s32 $0x14000  }
0xd: {  	s11 =	sadd.s32 $0xB5A00, s7;
	s6 =	sadd.s32 $0x65A00, s7;
	s20 =	sadd.s32 $0x105A00, s7  }
0xe: {  	s7 =	smax.u32 s9, $0x1;
	s9 =	simm.s32 $0x1;
	s13 =	sshrl.u32 s13, $0x3  }
0xf: {  	s11 =	sadd.s32 s19, s11;
	s19 =	sadd.s32 s19, s20;
	s20 =	simm.s32 $0x0  }
.LBB2_1:
0x10: {  	[tilespmem:s8], [sflag:$0x1] =	stream.linear.gather [hbm4b:s4+s3], $0x1400, $0x38;
	[tilespmem:$0x1E800] =	vst v63  }
0x11: {  	_ =	swait.ge [sflag:s9], $0x1400  }
0x12: {  	[sflag:s9] =	ssyncset.done $0x0  }
0x13: {  	[sflag:s9] =	ssyncadd.s32 $0xFFFFEC00  }
0x14: {  	[tilespmem:s10], [sflag:$0x1] =	stream.linear.gather [hbm4b:s5+s3], $0x1400, $0x38;
	[tilespmem:$0x1E800] =	vst v63  }
0x15: {  	_ =	swait.ge [sflag:s9], $0x1400  }
0x16: {  	[sflag:s9] =	ssyncset.done $0x0  }
0x17: {  	[sflag:s9] =	ssyncadd.s32 $0xFFFFEC00  }
0x18: {  	[spmem:s13], [sflag:s12] =	dma.local [hbm:s11], $0x2800  }
0x19: {  	_ =	swait.ge [sflag:s14], $0x2800  }
0x1a: {  	[sflag:s14] =	ssyncset.done $0x0  }
0x1b: {  	[sflag:s14] =	ssyncadd.s32 $0xFFFFD800  }
0x1c: {  	s21 =	simm.s32 $0x14000;
	[bflag:$0x0] =	sbarrier.arrive $0xFFFF  }
0x1d: {  	[tilespmem:s16], [sflag:$0x2] =	stream.indirect.gather [hbm4b:s6+s15], $0x80, s21, s15, $0xb8;
	[tilespmem:$0x1E800] =	vst v63  }
0x1e: {  	s29 =	simm.s32 $0x14080  }
0x1f: {  	[tilespmem:s17], [sflag:$0x2] =	stream.indirect.gather [hbm4b:s6+s15], $0x80, s29, s15, $0xb8;
	[tilespmem:$0x1E800] =	vst v63  }
0x20: {  	_ =	swait.ge [sflag:s18], $0x4000  }
0x21: {  	[sflag:s18] =	ssyncset.done $0x0  }
0x22: {  	[sflag:s18] =	ssyncadd.s32 $0xFFFFC000  }
0x23: {  	_ =	swait.ge [sflag:s18], $0x4000  }
0x24: {  	[sflag:s18] =	ssyncset.done $0x0  }
0x25: {  	s30 =	simm.s32 $0x15400;
	[sflag:s18] =	ssyncadd.s32 $0xFFFFC000  }
0x26: {  	[spmem:s2] =	stream.indirect.scatter.add.f32 [tilespmem:s16], [sflag:$0x3], $0x80, s30, s15, $0xb8;
	[tilespmem:$0x1E800] =	vst v63  }
0x27: {  	_ =	swait.ge [sflag:s14], $0x4000  }
0x28: {  	[sflag:s14] =	ssyncset.done $0x0  }
0x29: {  	s31 =	simm.s32 $0x15480;
	[sflag:s14] =	ssyncadd.s32 $0xFFFFC000  }
0x2a: {  	[spmem:s2] =	stream.indirect.scatter.add.f32 [tilespmem:s17], [sflag:$0x3], $0x80, s31, s15, $0xb8;
	[tilespmem:$0x1E800] =	vst v63  }
0x2b: {  	_ =	swait.ge [sflag:s14], $0x4000  }
0x2c: {  	s22 =	simm.s32 $0x800;
	s21 =	simm.s32 $0x100;
	[sflag:s14] =	ssyncset.done $0x0  }
.LBB2_2:
0x2d: {  	s23 =	sadd.s32 $0x14000, s21  }
0x2e: {  	[sflag:s14] =	ssyncadd.s32 $0xFFFFC000;
	s24 =	smov.u32 s22;
	s25 =	sadd.s32 $0x400, s22  }
0x2f: {  	[tilespmem:s16], [sflag:$0x2] =	stream.indirect.gather [hbm4b:s6+s15], $0x80, s23, s15, $0xb8;
	[tilespmem:$0x1E800] =	vst v63  }
0x30: {  	p0 =	sne.s32 s22, $0x4C00;
	s22 =	sadd.s32 $0x14080, s21  }
0x31: {  	[tilespmem:s17], [sflag:$0x2] =	stream.indirect.gather [hbm4b:s6+s15], $0x80, s22, s15, $0xb8;
	[tilespmem:$0x1E800] =	vst v63  }
0x32: {  	_ =	swait.ge [sflag:s18], $0x4000  }
0x33: {  	[sflag:s18] =	ssyncset.done $0x0  }
0x34: {  	[sflag:s18] =	ssyncadd.s32 $0xFFFFC000  }
0x35: {  	_ =	swait.ge [sflag:s18], $0x4000  }
0x36: {  	[sflag:s18] =	ssyncset.done $0x0  }
0x37: {  	s22 =	sadd.s32 $0x15400, s21;
	[sflag:s18] =	ssyncadd.s32 $0xFFFFC000  }
0x38: {  	[spmem:s2] =	stream.indirect.scatter.add.f32 [tilespmem:s16], [sflag:$0x3], $0x80, s22, s15, $0xb8;
	[tilespmem:$0x1E800] =	vst v63  }
0x39: {  	_ =	swait.ge [sflag:s14], $0x4000  }
.Ltmp0:
0x3a: {  	[sflag:s14] =	ssyncset.done $0x0;
	(pc) =	sbr.rel @p0 .LBB2_2-.Ltmp0, $4  }
0x3b: {  	s21 =	sadd.s32 $0x15480, s21;
	[sflag:s14] =	ssyncadd.s32 $0xFFFFC000  }
0x3c: {  	[spmem:s2] =	stream.indirect.scatter.add.f32 [tilespmem:s17], [sflag:$0x3], $0x80, s21, s15, $0xb8;
	[tilespmem:$0x1E800] =	vst v63  }
0x3d: {  	_ =	swait.ge [sflag:s14], $0x4000  }
0x3e: {  	s22 =	smov.u32 s25;
	s21 =	sshra.s32 s24, $0x2;
	[sflag:s14] =	ssyncset.done $0x0  }
0x3f: {  	s22 =	sadd.s32 $0x14000, s21;
	[sflag:s14] =	ssyncadd.s32 $0xFFFFC000  }
0x40: {  	[tilespmem:s16], [sflag:$0x2] =	stream.indirect.gather [hbm4b:s6+s15], $0x80, s22, s15, $0xb8;
	[tilespmem:$0x1E800] =	vst v63  }
0x41: {  	s29 =	sadd.s32 $0x14080, s21  }
0x42: {  	[tilespmem:s17], [sflag:$0x2] =	stream.indirect.gather [hbm4b:s6+s15], $0x80, s29, s15, $0xb8;
	[tilespmem:$0x1E800] =	vst v63  }
0x43: {  	_ =	swait.ge [sflag:s18], $0x4000  }
0x44: {  	[sflag:s18] =	ssyncset.done $0x0  }
0x45: {  	[sflag:s18] =	ssyncadd.s32 $0xFFFFC000  }
0x46: {  	_ =	swait.ge [sflag:s18], $0x4000  }
0x47: {  	[sflag:s18] =	ssyncset.done $0x0  }
0x48: {  	s30 =	sadd.s32 $0x15400, s21;
	[sflag:s18] =	ssyncadd.s32 $0xFFFFC000  }
0x49: {  	[spmem:s2] =	stream.indirect.scatter.add.f32 [tilespmem:s16], [sflag:$0x3], $0x80, s30, s15, $0xb8;
	[tilespmem:$0x1E800] =	vst v63  }
0x4a: {  	_ =	swait.ge [sflag:s14], $0x4000  }
0x4b: {  	[sflag:s14] =	ssyncset.done $0x0  }
0x4c: {  	s31 =	sadd.s32 $0x15480, s21;
	[sflag:s14] =	ssyncadd.s32 $0xFFFFC000  }
0x4d: {  	[spmem:s2] =	stream.indirect.scatter.add.f32 [tilespmem:s17], [sflag:$0x3], $0x80, s31, s15, $0xb8;
	[tilespmem:$0x1E800] =	vst v63  }
0x4e: {  	_ =	swait.ge [sflag:s14], $0x4000  }
0x4f: {  	s20 =	sadd.s32 $0x1, s20;
	[sflag:s14] =	ssyncset.done $0x0  }
0x50: {  	p0 =	sne.s32 s20, s7;
	[sflag:s14] =	ssyncadd.s32 $0xFFFFC000  }
.Ltmp1:
0x51: {  	[bflag:$0x0] =	sbarrier.arrive $0xFFFF;
	(pc) =	sbr.rel @p0 .LBB2_1-.Ltmp1, $4  }
0x52: {  	[hbm:s19], [sflag:s12] =	dma.local [spmem:s13], $0x2800  }
0x53: {  	_ =	swait.ge [sflag:s14], $0x2800  }
0x54: {  	[sflag:s14] =	ssyncset.done $0x0  }
0x55: {  	[sflag:s14] =	ssyncadd.s32 $0xFFFFD800  }
0x56: {  	_ =	sfence.sel $0x180000  }
0x57: {  	[bflag:$0x0] =	sbarrier.arrive $0xFFFF  }
0x58: {  	p0 =	sne.s32 s1, $0x0;
	_ =	strace $0x90000053  }
0x59: {  	s0 =	sadd.s32 @!p0 $0x100000, s0;
	[bflag:$0x2] =	sbarrier.arrive $0xFFFF  }
0x5a: {  	[sflag:s0] =	ssyncadd.tile.s32 @!p0 $0x1;
	_ =	shalt  }
.Lfunc_end2:
_tile_overlayer_lowered:
.L_overlay_start_2:
0x5b: {  	(tag) =	ssettag $0x2  }
0x5c: {  	s0 =	rddreg [dreg:$0x0];
	s2 =	stileid.u32  }
0x5d: {  	s1 =	rddreg [dreg:$0x1];
	p0 =	sne.s32 s2, $0x0  }
0x5e: {  	s3 =	rddreg [dreg:$0x2];
	[bflag:$0x3] =	sbarrier.arrive $0xFFFF;
	s2 =	simm.s32 @!p0 $0x1C03  }
0x5f: {  	[timem:s3], [sflag:s2] =	dma.local @!p0 [hbm:s0], s1  }
0x60: {  	s0 =	simm.s32 @!p0 $0x3  }
0x61: {  	_ =	swait.ge @!p0 [sflag:s0], s1  }
0x62: {  	s1 =	ssub.s32 @!p0 $0x0, s1;
	[sflag:s0] =	ssyncset.done @!p0 $0x0  }
0x63: {  	[sflag:s0] =	ssyncadd.s32 @!p0 s1  }
0x64: {  	[bflag:$0x3] =	sbarrier.arrive $0xFFFF  }
0x65: {  	_ =	shalt  }

// kernel: kernel.29.cloned.1.call-start
scs
__scs_entry_jumppad:
0x0: {  	(pc) =	sbr.rel $0x88, $3  }
0x1: {  	(tag) =	ssettag $0x0;
	lr =	simm.s32 $0x1  }
0x2: {  	[smem:$0x3F95] =	sst lr;
	_ =	strace $0xD0000000  }
0x3: {  	_ = 	snop  }
0x4: {  	_ = 	snop  }
0x5: {  	_ = 	snop  }
0x6: {  	_ = 	snop  }
0x7: {  	_ = 	snop  }
__scs_overlays_trampoline_lowered:
0x8: {  	[smem:$0x3FA4] =	sst s0  }
0x9: {  	[smem:$0x3FA5] =	sst s1  }
0xa: {  	[smem:$0x3FA6] =	sst s2  }
0xb: {  	[smem:$0x3FA7] =	sst s3  }
0xc: {  	[smem:$0x3FA8] =	sst s4  }
0xd: {  	[smem:$0x3FA9] =	sst s5  }
0xe: {  	[smem:$0x3FAA] =	sst s6  }
0xf: {  	[smem:$0x3FAB] =	sst s7  }
0x10: {  	[smem:$0x3FAC] =	sst s8  }
0x11: {  	[smem:$0x3FAD] =	sst s9;
	s0 =	simm.s32 @!p0 $0x0  }
0x12: {  	s1 =	sld [smem:$0x3F93];
	s0 =	simm.s32 @p0 $0x1  }
0x13: {  	[smem:$0x3FAE] =	sst s0;
	s0 =	simm.s32 @!p1 $0x0  }
0x14: {  	s2 =	sld [smem:$0x3F92];
	s0 =	simm.s32 @p1 $0x1  }
0x15: {  	[smem:$0x3FAF] =	sst s0;
	s0 =	simm.s32 @!p2 $0x0  }
0x16: {  	s3 =	sld [smem:$0x3FDB];
	s0 =	simm.s32 @p2 $0x1  }
0x17: {  	s4 =	simm.s32 $0x1BF5;
	[smem:$0x3FB1] =	sst s0  }
0x18: {  	s0 =	sld [smem:$0x3F94];
	_ =	swait.ge [sflag:s4], $0x0  }
0x19: {  	s7 =	sld [smem:$0x3F95]  }
0x1a: {  	s8 =	sadd.s32 $0xFFFFE003, lr  }
0x1b: {  	s9 =	sadd.s32 $0xFFFFFEF7, lr;
	s5 =	simm.s32 $0xFFFFFFFF;
	p2 =	slt.u32 s8, $0xFFFFF086  }
0x1c: {  	p1 =	slt.u32 s9, $0xF7A;
	s5 =	simm.s32 @!p2 $0x0  }
0x1d: {  	s5 =	simm.s32 @p1 $0x1;
	p0 =	seq.s32 s7, s2  }
0x1e: {  	s7 =	smul.u32 @!p0 $0xF7A, s2;
	p2 =	seq.s32 @!p0 s5, $0x0  }
0x1f: {  	s9 =	smul.u32 $0xF7A, s1;
	s8 =	simm.s32 @!p0 $0x1BF5;
	p2 =	por !p2, p0  }
0x20: {  	[sflag:s8] =	ssyncset.s32 @!p0 $0xFFFFF086;
	s6 =	sadd.s32 @!p0 s3, s7;
	s7 =	simm.s32 @!p0 $0x108  }
0x21: {  	s3 =	sadd.s32 s3, s9;
	s6 =	sadd.s32 @!p0 $0x88, s6;
	s7 =	simm.s32 @p2 $0x1082  }
0x22: {  	[simem:s7], [sflag:s8] =	dma.local @!p0 [hbm:s6], $0xF7A  }
0x23: {  	s9 =	sor.u32 $0xD0000000, s2;
	s6 =	simm.s32 $0x108;
	_ =	swait.ge @!p0 [sflag:s8], $0x0  }
0x24: {  	s3 =	sadd.s32 $0x88, s3;
	s6 =	simm.s32 @!p1 $0x1082;
	[sflag:s4] =	ssyncset.s32 $0xFFFFF086  }
0x25: {  	[simem:s6], [sflag:s4] =	dma.local [hbm:s3], $0xF7A  }
0x26: {  	[smem:$0x3F95] =	sst s1;
	(tag) =	ssettag s2;
	_ =	strace s9  }
0x27: {  	s1 =	sld [smem:$0x3FA5]  }
0x28: {  	s2 =	sld [smem:$0x3FA6]  }
0x29: {  	s4 =	sld [smem:$0x3FA8]  }
0x2a: {  	p0 =	seq.s32 s5, $0x0;
	s5 =	sld [smem:$0x3FA9]  }
0x2b: {  	s6 =	sld [smem:$0x3FAA]  }
0x2c: {  	s7 =	sld [smem:$0x3FAB]  }
0x2d: {  	s3 =	simm.s32 $0x108;
	s8 =	sld [smem:$0x3FAC]  }
0x2e: {  	s3 =	simm.s32 @!p0 $0x1082;
	s9 =	sld [smem:$0x3FAD]  }
0x2f: {  	lr =	sadd.s32 s0, s3;
	s0 =	sld [smem:$0x3FA4]  }
0x30: {  	s3 =	sld [smem:$0x3FA7]  }
0x31: {  	[smem:$0x3FB0] =	sst s10  }
0x32: {  	s10 =	sld [smem:$0x3FAE];
	_ =	sdelay $0x3  }
0x33: {  	p0 =	seq.s32 s10, $0x1;
	s10 =	sld [smem:$0x3FB0];
	_ =	sdelay $0x3  }
0x34: {  	[smem:$0x3FB0] =	sst s10  }
0x35: {  	s10 =	sld [smem:$0x3FAF];
	_ =	sdelay $0x3  }
0x36: {  	p1 =	seq.s32 s10, $0x1;
	s10 =	sld [smem:$0x3FB0];
	_ =	sdelay $0x3  }
0x37: {  	[smem:$0x3FB0] =	sst s10  }
0x38: {  	s10 =	sld [smem:$0x3FB1]  }
0x39: {  	_ = 	snop;
	(pc) =	sbr.ind lr, $3  }
0x3a: {  	_ = 	snop  }
0x3b: {  	_ = 	snop  }
0x3c: {  	p2 =	seq.s32 s10, $0x1;
	s10 =	sld [smem:$0x3FB0]  }
0x3d: {  	_ =	shalt  }
0x3e: {  	_ =	shalt  }
0x3f: {  	_ =	shalt  }
0x40: {  	_ =	shalt  }
0x41: {  	_ =	shalt  }
0x42: {  	_ =	shalt  }
0x43: {  	_ =	shalt  }
0x44: {  	_ =	shalt  }
0x45: {  	_ =	shalt  }
0x46: {  	_ =	shalt  }
0x47: {  	_ =	shalt  }
0x48: {  	_ =	shalt  }
0x49: {  	_ =	shalt  }
0x4a: {  	_ =	shalt  }
0x4b: {  	_ =	shalt  }
0x4c: {  	_ =	shalt  }
0x4d: {  	_ =	shalt  }
0x4e: {  	_ =	shalt  }
0x4f: {  	_ =	shalt  }
0x50: {  	_ =	shalt  }
0x51: {  	_ =	shalt  }
0x52: {  	_ =	shalt  }
0x53: {  	_ =	shalt  }
0x54: {  	_ =	shalt  }
0x55: {  	_ =	shalt  }
0x56: {  	_ =	shalt  }
0x57: {  	_ =	shalt  }
0x58: {  	_ =	shalt  }
0x59: {  	_ =	shalt  }
0x5a: {  	_ =	shalt  }
0x5b: {  	_ =	shalt  }
0x5c: {  	_ =	shalt  }
0x5d: {  	_ =	shalt  }
0x5e: {  	_ =	shalt  }
0x5f: {  	_ =	shalt  }
0x60: {  	_ =	shalt  }
0x61: {  	_ =	shalt  }
0x62: {  	_ =	shalt  }
0x63: {  	_ =	shalt  }
0x64: {  	_ =	shalt  }
0x65: {  	_ =	shalt  }
0x66: {  	_ =	shalt  }
0x67: {  	_ =	shalt  }
0x68: {  	_ =	shalt  }
0x69: {  	_ =	shalt  }
0x6a: {  	_ =	shalt  }
0x6b: {  	_ =	shalt  }
0x6c: {  	_ =	shalt  }
0x6d: {  	_ =	shalt  }
0x6e: {  	_ =	shalt  }
0x6f: {  	_ =	shalt  }
0x70: {  	_ =	shalt  }
0x71: {  	_ =	shalt  }
0x72: {  	_ =	shalt  }
0x73: {  	_ =	shalt  }
0x74: {  	_ =	shalt  }
0x75: {  	_ =	shalt  }
0x76: {  	_ =	shalt  }
0x77: {  	_ =	shalt  }
0x78: {  	_ =	shalt  }
0x79: {  	_ =	shalt  }
0x7a: {  	_ =	shalt  }
0x7b: {  	_ =	shalt  }
0x7c: {  	_ =	shalt  }
0x7d: {  	_ =	shalt  }
0x7e: {  	_ =	shalt  }
0x7f: {  	_ =	shalt  }
0x80: {  	_ =	shalt  }
0x81: {  	_ =	shalt  }
0x82: {  	_ =	shalt  }
0x83: {  	_ =	shalt  }
0x84: {  	_ =	shalt  }
0x85: {  	_ =	shalt  }
0x86: {  	_ =	shalt  }
0x87: {  	_ =	shalt  }
.Lfunc_end0:
.L_simem_size_0:
called_computation.5_lowered:
.L_overlay_start_0:
0x88: {  	s2 =	sld [smem:$0x3FD9]  }
0x89: {  	s3 =	sld [smem:$0x3FFE];
	_ =	sdelay $0x1  }
0x8a: {  	s1 =	srdreg.scid  }
0x8b: {  	s0 =	sand.u32 $0x1, s1  }
0x8c: {  	s16 =	sshll.u32 s0, $0xA;
	s2 =	sadd.s32 s3, s2  }
0x8d: {  	s2 =	sadd.s32 s2, s16  }
0x8e: {  	[smem:$0x3FBC] =	sst s2  }
0x8f: {  	_ = 	snop  }
0x90: {  	(tm) =	ssettm $0x1  }
0x91: {  	s17 =	sld [smem:$0x3FFB];
	_ =	sdelay $0x3  }
0x92: {  	_ =	strace s17  }
0x93: {  	s2 =	sld [smem:$0x3FFC];
	_ =	sdelay $0x3  }
0x94: {  	_ =	strace s2  }
0x95: {  	s2 =	sld [smem:$0x3FFD];
	_ =	sdelay $0x3  }
0x96: {  	_ =	strace s2  }
0x97: {  	_ =	strace $0x8FFFFFFF  }
0x98: {  	s18 =	sld [smem:$0x3FDB];
	_ =	sdelay $0x1  }
0x99: {  	s19 =	simm.s32 $_scs_section_size  }
0x9a: {  	s4 =	simm.s32 $_size__tile_overlayer_lowered;
	s5 =	simm.s32 $_tile_overlayer_lowered  }
0x9b: {  	s22 =	simm.s32 $0x1BFF;
	s21 =	sshll.u32 s5, $0x1;
	s2 =	sadd.s32 s19, s18  }
0x9c: {  	s6 =	simm.s32 $0x0;
	s20 =	sshll.u32 s4, $0x1;
	s4 =	sadd.s32 s21, s2  }
0x9d: {  	[timem:s6], [sflag:s22] =	dma.local [hbm:s4], s20  }
0x9e: {  	_ =	swait.ge [sflag:s22], s20  }
0x9f: {  	s3 =	ssub.s32 $0x0, s20;
	[sflag:s22] =	ssyncset.done $0x0  }
0xa0: {  	[sflag:s22] =	ssyncadd.s32 s3;
	_ =	sdelay $0x1  }
0xa1: {  	s23 =	simm.s32 $0x1B8B  }
0xa2: {  	_ =	swait.ge [sflag:s23], $0x1  }
0xa3: {  	[sflag:s23] =	ssyncset.done $0x0  }
0xa4: {  	s25 =	simm.s32 $0x1B8E;
	s24 =	sld [smem:$0x3FFE];
	[sflag:s23] =	ssyncadd.s32 $0xFFFFFFFF  }
0xa5: {  	s26 =	simm.s32 $execute0_lowered;
	[smem:$0x3FD2] =	sst s25  }
0xa6: {  	s4 =	sshll.u32 s26, $0x1;
	_ =	strace $0x80000055;
	[dreg:$0x1] =	wrdreg $0xFFFFFFFF  }
0xa7: {  	s28 =	simm.s32 $_size_execute0_lowered;
	s2 =	sadd.s32 s2, s4;
	[dreg:$0x0] =	wrdreg $0x0  }
0xa8: {  	s4 =	sshll.u32 s28, $0x1;
	[dreg:$0x2] =	wrdreg s2  }
0xa9: {  	[dreg:$0x3] =	wrdreg s4  }
0xaa: {  	[dreg:$0x4] =	wrdreg $0xC0  }
0xab: {  	_ =	task [dreg:s6], $0x5FFFF  }
0xac: {  	[dreg:$0x1] =	wrdreg $0xFFFFFFFF  }
0xad: {  	[dreg:$0x0] =	wrdreg $0x60  }
0xae: {  	[dreg:$0x2] =	wrdreg s24  }
0xaf: {  	[dreg:$0x3] =	wrdreg $0x0  }
0xb0: {  	[dreg:$0x4] =	wrdreg $0x9  }
0xb1: {  	_ =	task.clear_ibuf [dreg:s6], $0x5FFFF;
	_ =	strace $0x90000055  }
0xb2: {  	s29 =	simm.s32 $0x9;
	_ =	strace $0x80000057  }
0xb3: {  	_ =	swait.ge [sflag:s29], $0x1  }
0xb4: {  	[sflag:s29] =	ssyncadd.s32 $0xFFFFFFFF  }
0xb5: {  	_ =	strace $0x90000057  }
0xb6: {  	_ =	sfence  }
0xb7: {  	s30 =	sld [smem:$0x0];
	_ =	sdelay $0x2  }
0xb8: {  	s31 =	sshll.u32 s1, $0xD;
	s1 =	sshrl.u32 s1, $0x2  }
0xb9: {  	s3 =	sand.u32 $0x4000, s31;
	s1 =	sadd.s32 s1, s30  }
0xba: {  	s0 =	sor.u32 s3, s0;
	s1 =	sshll.u32 s1, $0x11  }
0xbb: {  	s0 =	sor.u32 s1, s0  }
0xbc: {  	s0 =	sadd.s32 $0x8F2B, s0  }
0xbd: {  	[sflag:s0] =	ssyncadd.remote.s32 $0x1  }
0xbe: {  	_ =	sfence.sel $0xFFFF  }
0xbf: {  	[dreg:$0x0] =	wrdreg $0xFFFFFFFF;
	(pc) =	sbr.abs _section_cstart, $3  }
0xc0: {  	[dreg:$0x1] =	wrdreg $0xFFFFFFFF  }
0xc1: {  	_ =	task.clear_ibuf [dreg:s6], $0x2FFFF;
	_ =	strace $0x9FFFFFFF  }
0xc2: {  	(tm) =	ssettm $0x7FFFFFFF  }
0xc3: {  	_ =	shalt  }
tec
execute0_lowered:
.L_overlay_start_1:
0x0: {  	(tag) =	ssettag $0x1  }
0x1: {  	s4 =	rddreg [dreg:$0x0]  }
0x2: {  	s0 =	stileid.u32;
	s1 =	srdreg.scid  }
0x3: {  	s2 =	rddreg [dreg:$0x1];
	s3 =	simm.s32 $0x0;
	s10 =	simm.s32 $0x15400  }
0x4: {  	s14 =	simm.s32 $0x3;
	s15 =	simm.s32 $0x80;
	s16 =	simm.s32 $0x16800  }
0x5: {  	s17 =	simm.s32 $0x1A800;
	s18 =	simm.s32 $0x2;
	s5 =	smul.u32 $0x280, s0  }
0x6: {  	s6 =	sand.u32 $0x1, s1;
	s1 =	rddreg [dreg:$0x2];
	s8 =	smul.u32 $0x50000, s0  }
0x7: {  	[smem:$0x7FF] =	sst s3;
	s19 =	smul.u32 $0x2800, s0;
	s12 =	sshll.u32 s0, $0x6  }
0x8: {  	s7 =	smul.u32 $0x28000, s6;
	s6 =	ssub.s32 $0x2, s6;
	_ =	strace $0x80000056  }
0x9: {  	s12 =	sor.u32 $0x1C03, s12;
	s5 =	sadd.s32 s5, s4;
	s9 =	sshrl.u32 s6, $0x1  }
0xa: {  	s31 =	sshrl.u32 s8, $0x2;
	s8 =	simm.s32 $0x14000;
	s7 =	sadd.s32 s7, s4  }
0xb: {  	s9 =	ssub.s32 s6, s9;
	s4 =	sadd.s32 $0x5BA00, s5;
	s5 =	sadd.s32 $0x60A00, s5  }
0xc: {  	s13 =	sadd.s32 s31, s2;
	s6 =	sadd.s32 $0x65A00, s7;
	s20 =	sadd.s32 $0x103C00, s7  }
0xd: {  	s7 =	smax.u32 s9, $0x1;
	s9 =	simm.s32 $0x1;
	s13 =	sshrl.u32 s13, $0x3  }
0xe: {  	s11 =	sadd.s32 s19, s6;
	s19 =	sadd.s32 s19, s20;
	s20 =	simm.s32 $0x0  }
.LBB2_1:
0xf: {  	[tilespmem:s8], [sflag:$0x1] =	stream.linear.gather [hbm4b:s4+s3], $0x1400, $0x38;
	[tilespmem:$0x1E800] =	vst v63  }
0x10: {  	_ =	swait.ge [sflag:s9], $0x1400  }
0x11: {  	[sflag:s9] =	ssyncset.done $0x0  }
0x12: {  	[sflag:s9] =	ssyncadd.s32 $0xFFFFEC00  }
0x13: {  	[tilespmem:s10], [sflag:$0x1] =	stream.linear.gather [hbm4b:s5+s3], $0x1400, $0x38;
	[tilespmem:$0x1E800] =	vst v63  }
0x14: {  	_ =	swait.ge [sflag:s9], $0x1400  }
0x15: {  	[sflag:s9] =	ssyncset.done $0x0  }
0x16: {  	[sflag:s9] =	ssyncadd.s32 $0xFFFFEC00  }
0x17: {  	[spmem:s13], [sflag:s12] =	dma.local [hbm:s11], $0x2800  }
0x18: {  	_ =	swait.ge [sflag:s14], $0x2800  }
0x19: {  	[sflag:s14] =	ssyncset.done $0x0  }
0x1a: {  	[sflag:s14] =	ssyncadd.s32 $0xFFFFD800  }
0x1b: {  	s21 =	simm.s32 $0x14000;
	[bflag:$0x0] =	sbarrier.arrive $0xFFFF  }
0x1c: {  	[tilespmem:s16], [sflag:$0x2] =	stream.indirect.gather [hbm4b:s6+s15], $0x80, s21, s15, $0xb8;
	[tilespmem:$0x1E800] =	vst v63  }
0x1d: {  	s29 =	simm.s32 $0x14080  }
0x1e: {  	[tilespmem:s17], [sflag:$0x2] =	stream.indirect.gather [hbm4b:s6+s15], $0x80, s29, s15, $0xb8;
	[tilespmem:$0x1E800] =	vst v63  }
0x1f: {  	_ =	swait.ge [sflag:s18], $0x4000  }
0x20: {  	[sflag:s18] =	ssyncset.done $0x0  }
0x21: {  	[sflag:s18] =	ssyncadd.s32 $0xFFFFC000  }
0x22: {  	_ =	swait.ge [sflag:s18], $0x4000  }
0x23: {  	[sflag:s18] =	ssyncset.done $0x0  }
0x24: {  	s30 =	simm.s32 $0x15400;
	[sflag:s18] =	ssyncadd.s32 $0xFFFFC000  }
0x25: {  	[spmem:s2] =	stream.indirect.scatter.add.f32 [tilespmem:s16], [sflag:$0x3], $0x80, s30, s15, $0xb8;
	[tilespmem:$0x1E800] =	vst v63  }
0x26: {  	_ =	swait.ge [sflag:s14], $0x4000  }
0x27: {  	[sflag:s14] =	ssyncset.done $0x0  }
0x28: {  	s31 =	simm.s32 $0x15480;
	[sflag:s14] =	ssyncadd.s32 $0xFFFFC000  }
0x29: {  	[spmem:s2] =	stream.indirect.scatter.add.f32 [tilespmem:s17], [sflag:$0x3], $0x80, s31, s15, $0xb8;
	[tilespmem:$0x1E800] =	vst v63  }
0x2a: {  	_ =	swait.ge [sflag:s14], $0x4000  }
0x2b: {  	s22 =	simm.s32 $0x800;
	s21 =	simm.s32 $0x100;
	[sflag:s14] =	ssyncset.done $0x0  }
.LBB2_2:
0x2c: {  	s23 =	sadd.s32 $0x14000, s21  }
0x2d: {  	[sflag:s14] =	ssyncadd.s32 $0xFFFFC000;
	s24 =	smov.u32 s22;
	s25 =	sadd.s32 $0x400, s22  }
0x2e: {  	[tilespmem:s16], [sflag:$0x2] =	stream.indirect.gather [hbm4b:s6+s15], $0x80, s23, s15, $0xb8;
	[tilespmem:$0x1E800] =	vst v63  }
0x2f: {  	p0 =	sne.s32 s22, $0x4C00;
	s22 =	sadd.s32 $0x14080, s21  }
0x30: {  	[tilespmem:s17], [sflag:$0x2] =	stream.indirect.gather [hbm4b:s6+s15], $0x80, s22, s15, $0xb8;
	[tilespmem:$0x1E800] =	vst v63  }
0x31: {  	_ =	swait.ge [sflag:s18], $0x4000  }
0x32: {  	[sflag:s18] =	ssyncset.done $0x0  }
0x33: {  	[sflag:s18] =	ssyncadd.s32 $0xFFFFC000  }
0x34: {  	_ =	swait.ge [sflag:s18], $0x4000  }
0x35: {  	[sflag:s18] =	ssyncset.done $0x0  }
0x36: {  	s22 =	sadd.s32 $0x15400, s21;
	[sflag:s18] =	ssyncadd.s32 $0xFFFFC000  }
0x37: {  	[spmem:s2] =	stream.indirect.scatter.add.f32 [tilespmem:s16], [sflag:$0x3], $0x80, s22, s15, $0xb8;
	[tilespmem:$0x1E800] =	vst v63  }
0x38: {  	_ =	swait.ge [sflag:s14], $0x4000  }
.Ltmp0:
0x39: {  	[sflag:s14] =	ssyncset.done $0x0;
	(pc) =	sbr.rel @p0 .LBB2_2-.Ltmp0, $4  }
0x3a: {  	s21 =	sadd.s32 $0x15480, s21;
	[sflag:s14] =	ssyncadd.s32 $0xFFFFC000  }
0x3b: {  	[spmem:s2] =	stream.indirect.scatter.add.f32 [tilespmem:s17], [sflag:$0x3], $0x80, s21, s15, $0xb8;
	[tilespmem:$0x1E800] =	vst v63  }
0x3c: {  	_ =	swait.ge [sflag:s14], $0x4000  }
0x3d: {  	s22 =	smov.u32 s25;
	s21 =	sshra.s32 s24, $0x2;
	[sflag:s14] =	ssyncset.done $0x0  }
0x3e: {  	s22 =	sadd.s32 $0x14000, s21;
	[sflag:s14] =	ssyncadd.s32 $0xFFFFC000  }
0x3f: {  	[tilespmem:s16], [sflag:$0x2] =	stream.indirect.gather [hbm4b:s6+s15], $0x80, s22, s15, $0xb8;
	[tilespmem:$0x1E800] =	vst v63  }
0x40: {  	s29 =	sadd.s32 $0x14080, s21  }
0x41: {  	[tilespmem:s17], [sflag:$0x2] =	stream.indirect.gather [hbm4b:s6+s15], $0x80, s29, s15, $0xb8;
	[tilespmem:$0x1E800] =	vst v63  }
0x42: {  	_ =	swait.ge [sflag:s18], $0x4000  }
0x43: {  	[sflag:s18] =	ssyncset.done $0x0  }
0x44: {  	[sflag:s18] =	ssyncadd.s32 $0xFFFFC000  }
0x45: {  	_ =	swait.ge [sflag:s18], $0x4000  }
0x46: {  	[sflag:s18] =	ssyncset.done $0x0  }
0x47: {  	s30 =	sadd.s32 $0x15400, s21;
	[sflag:s18] =	ssyncadd.s32 $0xFFFFC000  }
0x48: {  	[spmem:s2] =	stream.indirect.scatter.add.f32 [tilespmem:s16], [sflag:$0x3], $0x80, s30, s15, $0xb8;
	[tilespmem:$0x1E800] =	vst v63  }
0x49: {  	_ =	swait.ge [sflag:s14], $0x4000  }
0x4a: {  	[sflag:s14] =	ssyncset.done $0x0  }
0x4b: {  	s31 =	sadd.s32 $0x15480, s21;
	[sflag:s14] =	ssyncadd.s32 $0xFFFFC000  }
0x4c: {  	[spmem:s2] =	stream.indirect.scatter.add.f32 [tilespmem:s17], [sflag:$0x3], $0x80, s31, s15, $0xb8;
	[tilespmem:$0x1E800] =	vst v63  }
0x4d: {  	_ =	swait.ge [sflag:s14], $0x4000  }
0x4e: {  	s20 =	sadd.s32 $0x1, s20;
	[sflag:s14] =	ssyncset.done $0x0  }
0x4f: {  	p0 =	sne.s32 s20, s7;
	[sflag:s14] =	ssyncadd.s32 $0xFFFFC000  }
.Ltmp1:
0x50: {  	[bflag:$0x0] =	sbarrier.arrive $0xFFFF;
	(pc) =	sbr.rel @p0 .LBB2_1-.Ltmp1, $4  }
0x51: {  	[hbm:s19], [sflag:s12] =	dma.local [spmem:s13], $0x2800  }
0x52: {  	_ =	swait.ge [sflag:s14], $0x2800  }
0x53: {  	[sflag:s14] =	ssyncset.done $0x0  }
0x54: {  	[sflag:s14] =	ssyncadd.s32 $0xFFFFD800  }
0x55: {  	_ =	sfence.sel $0x180000  }
0x56: {  	[bflag:$0x0] =	sbarrier.arrive $0xFFFF  }
0x57: {  	p0 =	sne.s32 s0, $0x0;
	_ =	strace $0x90000056  }
0x58: {  	s0 =	sadd.s32 @!p0 $0x100000, s1;
	[bflag:$0x2] =	sbarrier.arrive $0xFFFF  }
0x59: {  	[sflag:s0] =	ssyncadd.tile.s32 @!p0 $0x1;
	_ =	shalt  }
.Lfunc_end2:
_tile_overlayer_lowered:
.L_overlay_start_2:
0x5a: {  	(tag) =	ssettag $0x2  }
0x5b: {  	s0 =	rddreg [dreg:$0x0];
	s2 =	stileid.u32  }
0x5c: {  	s1 =	rddreg [dreg:$0x1];
	p0 =	sne.s32 s2, $0x0  }
0x5d: {  	s3 =	rddreg [dreg:$0x2];
	[bflag:$0x3] =	sbarrier.arrive $0xFFFF;
	s2 =	simm.s32 @!p0 $0x1C03  }
0x5e: {  	[timem:s3], [sflag:s2] =	dma.local @!p0 [hbm:s0], s1  }
0x5f: {  	s0 =	simm.s32 @!p0 $0x3  }
0x60: {  	_ =	swait.ge @!p0 [sflag:s0], s1  }
0x61: {  	s1 =	ssub.s32 @!p0 $0x0, s1;
	[sflag:s0] =	ssyncset.done @!p0 $0x0  }
0x62: {  	[sflag:s0] =	ssyncadd.s32 @!p0 s1  }
0x63: {  	[bflag:$0x3] =	sbarrier.arrive $0xFFFF  }
0x64: {  	_ =	shalt  }

// kernel: kernel.32.cloned.1.call-start
scs
__scs_entry_jumppad:
0x0: {  	(pc) =	sbr.rel $0x88, $3  }
0x1: {  	(tag) =	ssettag $0x0;
	lr =	simm.s32 $0x1  }
0x2: {  	[smem:$0x3F95] =	sst lr;
	_ =	strace $0xD0000000  }
0x3: {  	_ = 	snop  }
0x4: {  	_ = 	snop  }
0x5: {  	_ = 	snop  }
0x6: {  	_ = 	snop  }
0x7: {  	_ = 	snop  }
__scs_overlays_trampoline_lowered:
0x8: {  	[smem:$0x3FA4] =	sst s0  }
0x9: {  	[smem:$0x3FA5] =	sst s1  }
0xa: {  	[smem:$0x3FA6] =	sst s2  }
0xb: {  	[smem:$0x3FA7] =	sst s3  }
0xc: {  	[smem:$0x3FA8] =	sst s4  }
0xd: {  	[smem:$0x3FA9] =	sst s5  }
0xe: {  	[smem:$0x3FAA] =	sst s6  }
0xf: {  	[smem:$0x3FAB] =	sst s7  }
0x10: {  	[smem:$0x3FAC] =	sst s8  }
0x11: {  	[smem:$0x3FAD] =	sst s9;
	s0 =	simm.s32 @!p0 $0x0  }
0x12: {  	s1 =	sld [smem:$0x3F93];
	s0 =	simm.s32 @p0 $0x1  }
0x13: {  	[smem:$0x3FAE] =	sst s0;
	s0 =	simm.s32 @!p1 $0x0  }
0x14: {  	s2 =	sld [smem:$0x3F92];
	s0 =	simm.s32 @p1 $0x1  }
0x15: {  	[smem:$0x3FAF] =	sst s0;
	s0 =	simm.s32 @!p2 $0x0  }
0x16: {  	s3 =	sld [smem:$0x3FDB];
	s0 =	simm.s32 @p2 $0x1  }
0x17: {  	s4 =	simm.s32 $0x1BF5;
	[smem:$0x3FB1] =	sst s0  }
0x18: {  	s0 =	sld [smem:$0x3F94];
	_ =	swait.ge [sflag:s4], $0x0  }
0x19: {  	s7 =	sld [smem:$0x3F95]  }
0x1a: {  	s8 =	sadd.s32 $0xFFFFE003, lr  }
0x1b: {  	s9 =	sadd.s32 $0xFFFFFEF7, lr;
	s5 =	simm.s32 $0xFFFFFFFF;
	p2 =	slt.u32 s8, $0xFFFFF086  }
0x1c: {  	p1 =	slt.u32 s9, $0xF7A;
	s5 =	simm.s32 @!p2 $0x0  }
0x1d: {  	s5 =	simm.s32 @p1 $0x1;
	p0 =	seq.s32 s7, s2  }
0x1e: {  	s7 =	smul.u32 @!p0 $0xF7A, s2;
	p2 =	seq.s32 @!p0 s5, $0x0  }
0x1f: {  	s9 =	smul.u32 $0xF7A, s1;
	s8 =	simm.s32 @!p0 $0x1BF5;
	p2 =	por !p2, p0  }
0x20: {  	[sflag:s8] =	ssyncset.s32 @!p0 $0xFFFFF086;
	s6 =	sadd.s32 @!p0 s3, s7;
	s7 =	simm.s32 @!p0 $0x108  }
0x21: {  	s3 =	sadd.s32 s3, s9;
	s6 =	sadd.s32 @!p0 $0x88, s6;
	s7 =	simm.s32 @p2 $0x1082  }
0x22: {  	[simem:s7], [sflag:s8] =	dma.local @!p0 [hbm:s6], $0xF7A  }
0x23: {  	s9 =	sor.u32 $0xD0000000, s2;
	s6 =	simm.s32 $0x108;
	_ =	swait.ge @!p0 [sflag:s8], $0x0  }
0x24: {  	s3 =	sadd.s32 $0x88, s3;
	s6 =	simm.s32 @!p1 $0x1082;
	[sflag:s4] =	ssyncset.s32 $0xFFFFF086  }
0x25: {  	[simem:s6], [sflag:s4] =	dma.local [hbm:s3], $0xF7A  }
0x26: {  	[smem:$0x3F95] =	sst s1;
	(tag) =	ssettag s2;
	_ =	strace s9  }
0x27: {  	s1 =	sld [smem:$0x3FA5]  }
0x28: {  	s2 =	sld [smem:$0x3FA6]  }
0x29: {  	s4 =	sld [smem:$0x3FA8]  }
0x2a: {  	p0 =	seq.s32 s5, $0x0;
	s5 =	sld [smem:$0x3FA9]  }
0x2b: {  	s6 =	sld [smem:$0x3FAA]  }
0x2c: {  	s7 =	sld [smem:$0x3FAB]  }
0x2d: {  	s3 =	simm.s32 $0x108;
	s8 =	sld [smem:$0x3FAC]  }
0x2e: {  	s3 =	simm.s32 @!p0 $0x1082;
	s9 =	sld [smem:$0x3FAD]  }
0x2f: {  	lr =	sadd.s32 s0, s3;
	s0 =	sld [smem:$0x3FA4]  }
0x30: {  	s3 =	sld [smem:$0x3FA7]  }
0x31: {  	[smem:$0x3FB0] =	sst s10  }
0x32: {  	s10 =	sld [smem:$0x3FAE];
	_ =	sdelay $0x3  }
0x33: {  	p0 =	seq.s32 s10, $0x1;
	s10 =	sld [smem:$0x3FB0];
	_ =	sdelay $0x3  }
0x34: {  	[smem:$0x3FB0] =	sst s10  }
0x35: {  	s10 =	sld [smem:$0x3FAF];
	_ =	sdelay $0x3  }
0x36: {  	p1 =	seq.s32 s10, $0x1;
	s10 =	sld [smem:$0x3FB0];
	_ =	sdelay $0x3  }
0x37: {  	[smem:$0x3FB0] =	sst s10  }
0x38: {  	s10 =	sld [smem:$0x3FB1]  }
0x39: {  	_ = 	snop;
	(pc) =	sbr.ind lr, $3  }
0x3a: {  	_ = 	snop  }
0x3b: {  	_ = 	snop  }
0x3c: {  	p2 =	seq.s32 s10, $0x1;
	s10 =	sld [smem:$0x3FB0]  }
0x3d: {  	_ =	shalt  }
0x3e: {  	_ =	shalt  }
0x3f: {  	_ =	shalt  }
0x40: {  	_ =	shalt  }
0x41: {  	_ =	shalt  }
0x42: {  	_ =	shalt  }
0x43: {  	_ =	shalt  }
0x44: {  	_ =	shalt  }
0x45: {  	_ =	shalt  }
0x46: {  	_ =	shalt  }
0x47: {  	_ =	shalt  }
0x48: {  	_ =	shalt  }
0x49: {  	_ =	shalt  }
0x4a: {  	_ =	shalt  }
0x4b: {  	_ =	shalt  }
0x4c: {  	_ =	shalt  }
0x4d: {  	_ =	shalt  }
0x4e: {  	_ =	shalt  }
0x4f: {  	_ =	shalt  }
0x50: {  	_ =	shalt  }
0x51: {  	_ =	shalt  }
0x52: {  	_ =	shalt  }
0x53: {  	_ =	shalt  }
0x54: {  	_ =	shalt  }
0x55: {  	_ =	shalt  }
0x56: {  	_ =	shalt  }
0x57: {  	_ =	shalt  }
0x58: {  	_ =	shalt  }
0x59: {  	_ =	shalt  }
0x5a: {  	_ =	shalt  }
0x5b: {  	_ =	shalt  }
0x5c: {  	_ =	shalt  }
0x5d: {  	_ =	shalt  }
0x5e: {  	_ =	shalt  }
0x5f: {  	_ =	shalt  }
0x60: {  	_ =	shalt  }
0x61: {  	_ =	shalt  }
0x62: {  	_ =	shalt  }
0x63: {  	_ =	shalt  }
0x64: {  	_ =	shalt  }
0x65: {  	_ =	shalt  }
0x66: {  	_ =	shalt  }
0x67: {  	_ =	shalt  }
0x68: {  	_ =	shalt  }
0x69: {  	_ =	shalt  }
0x6a: {  	_ =	shalt  }
0x6b: {  	_ =	shalt  }
0x6c: {  	_ =	shalt  }
0x6d: {  	_ =	shalt  }
0x6e: {  	_ =	shalt  }
0x6f: {  	_ =	shalt  }
0x70: {  	_ =	shalt  }
0x71: {  	_ =	shalt  }
0x72: {  	_ =	shalt  }
0x73: {  	_ =	shalt  }
0x74: {  	_ =	shalt  }
0x75: {  	_ =	shalt  }
0x76: {  	_ =	shalt  }
0x77: {  	_ =	shalt  }
0x78: {  	_ =	shalt  }
0x79: {  	_ =	shalt  }
0x7a: {  	_ =	shalt  }
0x7b: {  	_ =	shalt  }
0x7c: {  	_ =	shalt  }
0x7d: {  	_ =	shalt  }
0x7e: {  	_ =	shalt  }
0x7f: {  	_ =	shalt  }
0x80: {  	_ =	shalt  }
0x81: {  	_ =	shalt  }
0x82: {  	_ =	shalt  }
0x83: {  	_ =	shalt  }
0x84: {  	_ =	shalt  }
0x85: {  	_ =	shalt  }
0x86: {  	_ =	shalt  }
0x87: {  	_ =	shalt  }
.Lfunc_end0:
.L_simem_size_0:
called_computation.6_lowered:
.L_overlay_start_0:
0x88: {  	s2 =	sld [smem:$0x3FD9]  }
0x89: {  	s3 =	sld [smem:$0x3FFE];
	_ =	sdelay $0x1  }
0x8a: {  	s1 =	srdreg.scid  }
0x8b: {  	s0 =	sand.u32 $0x1, s1  }
0x8c: {  	s16 =	sshll.u32 s0, $0xA;
	s2 =	sadd.s32 s3, s2  }
0x8d: {  	s2 =	sadd.s32 s2, s16  }
0x8e: {  	[smem:$0x3FBC] =	sst s2  }
0x8f: {  	_ = 	snop  }
0x90: {  	(tm) =	ssettm $0x1  }
0x91: {  	s17 =	sld [smem:$0x3FFB];
	_ =	sdelay $0x3  }
0x92: {  	_ =	strace s17  }
0x93: {  	s2 =	sld [smem:$0x3FFC];
	_ =	sdelay $0x3  }
0x94: {  	_ =	strace s2  }
0x95: {  	s2 =	sld [smem:$0x3FFD];
	_ =	sdelay $0x3  }
0x96: {  	_ =	strace s2  }
0x97: {  	_ =	strace $0x8FFFFFFF  }
0x98: {  	s18 =	sld [smem:$0x3FDB];
	_ =	sdelay $0x1  }
0x99: {  	s19 =	simm.s32 $_scs_section_size  }
0x9a: {  	s4 =	simm.s32 $_size__tile_overlayer_lowered;
	s5 =	simm.s32 $_tile_overlayer_lowered  }
0x9b: {  	s22 =	simm.s32 $0x1BFF;
	s21 =	sshll.u32 s5, $0x1;
	s2 =	sadd.s32 s19, s18  }
0x9c: {  	s6 =	simm.s32 $0x0;
	s20 =	sshll.u32 s4, $0x1;
	s4 =	sadd.s32 s21, s2  }
0x9d: {  	[timem:s6], [sflag:s22] =	dma.local [hbm:s4], s20  }
0x9e: {  	_ =	swait.ge [sflag:s22], s20  }
0x9f: {  	s3 =	ssub.s32 $0x0, s20;
	[sflag:s22] =	ssyncset.done $0x0  }
0xa0: {  	[sflag:s22] =	ssyncadd.s32 s3;
	_ =	sdelay $0x1  }
0xa1: {  	s23 =	simm.s32 $0x1B8B  }
0xa2: {  	_ =	swait.ge [sflag:s23], $0x1  }
0xa3: {  	[sflag:s23] =	ssyncset.done $0x0  }
0xa4: {  	s25 =	simm.s32 $0x1B8E;
	s24 =	sld [smem:$0x3FFE];
	[sflag:s23] =	ssyncadd.s32 $0xFFFFFFFF  }
0xa5: {  	s26 =	simm.s32 $execute0_lowered;
	[smem:$0x3FD2] =	sst s25  }
0xa6: {  	s4 =	sshll.u32 s26, $0x1;
	_ =	strace $0x80000058;
	[dreg:$0x1] =	wrdreg $0xFFFFFFFF  }
0xa7: {  	s28 =	simm.s32 $_size_execute0_lowered;
	s2 =	sadd.s32 s2, s4;
	[dreg:$0x0] =	wrdreg $0x0  }
0xa8: {  	s4 =	sshll.u32 s28, $0x1;
	[dreg:$0x2] =	wrdreg s2  }
0xa9: {  	[dreg:$0x3] =	wrdreg s4  }
0xaa: {  	[dreg:$0x4] =	wrdreg $0xC0  }
0xab: {  	_ =	task [dreg:s6], $0x5FFFF  }
0xac: {  	[dreg:$0x1] =	wrdreg $0xFFFFFFFF  }
0xad: {  	[dreg:$0x0] =	wrdreg $0x60  }
0xae: {  	[dreg:$0x2] =	wrdreg s24  }
0xaf: {  	[dreg:$0x3] =	wrdreg $0x0  }
0xb0: {  	[dreg:$0x4] =	wrdreg $0x9  }
0xb1: {  	_ =	task.clear_ibuf [dreg:s6], $0x5FFFF;
	_ =	strace $0x90000058  }
0xb2: {  	s29 =	simm.s32 $0x9;
	_ =	strace $0x8000005A  }
0xb3: {  	_ =	swait.ge [sflag:s29], $0x1  }
0xb4: {  	[sflag:s29] =	ssyncadd.s32 $0xFFFFFFFF  }
0xb5: {  	_ =	strace $0x9000005A  }
0xb6: {  	_ =	sfence  }
0xb7: {  	s30 =	sld [smem:$0x0];
	_ =	sdelay $0x2  }
0xb8: {  	s31 =	sshll.u32 s1, $0xD;
	s1 =	sshrl.u32 s1, $0x2  }
0xb9: {  	s3 =	sand.u32 $0x4000, s31;
	s1 =	sadd.s32 s1, s30  }
0xba: {  	s0 =	sor.u32 s3, s0;
	s1 =	sshll.u32 s1, $0x11  }
0xbb: {  	s0 =	sor.u32 s1, s0  }
0xbc: {  	s0 =	sadd.s32 $0x8F2B, s0  }
0xbd: {  	[sflag:s0] =	ssyncadd.remote.s32 $0x1  }
0xbe: {  	_ =	sfence.sel $0xFFFF  }
0xbf: {  	[dreg:$0x0] =	wrdreg $0xFFFFFFFF;
	(pc) =	sbr.abs _section_cstart, $3  }
0xc0: {  	[dreg:$0x1] =	wrdreg $0xFFFFFFFF  }
0xc1: {  	_ =	task.clear_ibuf [dreg:s6], $0x2FFFF;
	_ =	strace $0x9FFFFFFF  }
0xc2: {  	(tm) =	ssettm $0x7FFFFFFF  }
0xc3: {  	_ =	shalt  }
tec
execute0_lowered:
.L_overlay_start_1:
0x0: {  	(tag) =	ssettag $0x1  }
0x1: {  	s4 =	rddreg [dreg:$0x0]  }
0x2: {  	s2 =	rddreg [dreg:$0x1]  }
0x3: {  	s0 =	rddreg [dreg:$0x2];
	s1 =	stileid.u32  }
0x4: {  	s5 =	srdreg.scid;
	s3 =	simm.s32 $0x0;
	s10 =	simm.s32 $0x15400  }
0x5: {  	s14 =	simm.s32 $0x3;
	s15 =	simm.s32 $0x80;
	s6 =	smul.u32 $0x280, s1  }
0x6: {  	s16 =	simm.s32 $0x16800;
	s17 =	simm.s32 $0x1A800;
	s8 =	smul.u32 $0x50000, s1  }
0x7: {  	s18 =	simm.s32 $0x2;
	s5 =	sand.u32 $0x1, s5;
	s19 =	smul.u32 $0x2800, s1  }
0x8: {  	[smem:$0x7FF] =	sst s3;
	s12 =	sshll.u32 s1, $0x6;
	s7 =	smul.u32 $0x28000, s5  }
0x9: {  	_ =	strace $0x80000059;
	s5 =	ssub.s32 $0x2, s5;
	s12 =	sor.u32 $0x1C03, s12  }
0xa: {  	s6 =	sadd.s32 s6, s4;
	s31 =	sshrl.u32 s5, $0x1;
	s8 =	sshrl.u32 s8, $0x2  }
0xb: {  	s7 =	sadd.s32 s7, s4;
	s9 =	ssub.s32 s5, s31;
	s4 =	sadd.s32 $0x5E200, s6  }
0xc: {  	s5 =	sadd.s32 $0x63200, s6;
	s13 =	sadd.s32 s8, s2;
	s11 =	sadd.s32 $0x103C00, s7  }
0xd: {  	s8 =	simm.s32 $0x14000;
	s6 =	sadd.s32 $0x65A00, s7;
	s20 =	sadd.s32 $0x153C00, s7  }
0xe: {  	s7 =	smax.u32 s9, $0x1;
	s9 =	simm.s32 $0x1;
	s13 =	sshrl.u32 s13, $0x3  }
0xf: {  	s11 =	sadd.s32 s19, s11;
	s19 =	sadd.s32 s19, s20;
	s20 =	simm.s32 $0x0  }
.LBB2_1:
0x10: {  	[tilespmem:s8], [sflag:$0x1] =	stream.linear.gather [hbm4b:s4+s3], $0x1400, $0x38;
	[tilespmem:$0x1E800] =	vst v63  }
0x11: {  	_ =	swait.ge [sflag:s9], $0x1400  }
0x12: {  	[sflag:s9] =	ssyncset.done $0x0  }
0x13: {  	[sflag:s9] =	ssyncadd.s32 $0xFFFFEC00  }
0x14: {  	[tilespmem:s10], [sflag:$0x1] =	stream.linear.gather [hbm4b:s5+s3], $0x1400, $0x38;
	[tilespmem:$0x1E800] =	vst v63  }
0x15: {  	_ =	swait.ge [sflag:s9], $0x1400  }
0x16: {  	[sflag:s9] =	ssyncset.done $0x0  }
0x17: {  	[sflag:s9] =	ssyncadd.s32 $0xFFFFEC00  }
0x18: {  	[spmem:s13], [sflag:s12] =	dma.local [hbm:s11], $0x2800  }
0x19: {  	_ =	swait.ge [sflag:s14], $0x2800  }
0x1a: {  	[sflag:s14] =	ssyncset.done $0x0  }
0x1b: {  	[sflag:s14] =	ssyncadd.s32 $0xFFFFD800  }
0x1c: {  	s21 =	simm.s32 $0x14000;
	[bflag:$0x0] =	sbarrier.arrive $0xFFFF  }
0x1d: {  	[tilespmem:s16], [sflag:$0x2] =	stream.indirect.gather [hbm4b:s6+s15], $0x80, s21, s15, $0xb8;
	[tilespmem:$0x1E800] =	vst v63  }
0x1e: {  	s29 =	simm.s32 $0x14080  }
0x1f: {  	[tilespmem:s17], [sflag:$0x2] =	stream.indirect.gather [hbm4b:s6+s15], $0x80, s29, s15, $0xb8;
	[tilespmem:$0x1E800] =	vst v63  }
0x20: {  	_ =	swait.ge [sflag:s18], $0x4000  }
0x21: {  	[sflag:s18] =	ssyncset.done $0x0  }
0x22: {  	[sflag:s18] =	ssyncadd.s32 $0xFFFFC000  }
0x23: {  	_ =	swait.ge [sflag:s18], $0x4000  }
0x24: {  	[sflag:s18] =	ssyncset.done $0x0  }
0x25: {  	s30 =	simm.s32 $0x15400;
	[sflag:s18] =	ssyncadd.s32 $0xFFFFC000  }
0x26: {  	[spmem:s2] =	stream.indirect.scatter.add.f32 [tilespmem:s16], [sflag:$0x3], $0x80, s30, s15, $0xb8;
	[tilespmem:$0x1E800] =	vst v63  }
0x27: {  	_ =	swait.ge [sflag:s14], $0x4000  }
0x28: {  	[sflag:s14] =	ssyncset.done $0x0  }
0x29: {  	s31 =	simm.s32 $0x15480;
	[sflag:s14] =	ssyncadd.s32 $0xFFFFC000  }
0x2a: {  	[spmem:s2] =	stream.indirect.scatter.add.f32 [tilespmem:s17], [sflag:$0x3], $0x80, s31, s15, $0xb8;
	[tilespmem:$0x1E800] =	vst v63  }
0x2b: {  	_ =	swait.ge [sflag:s14], $0x4000  }
0x2c: {  	s22 =	simm.s32 $0x800;
	s21 =	simm.s32 $0x100;
	[sflag:s14] =	ssyncset.done $0x0  }
.LBB2_2:
0x2d: {  	s23 =	sadd.s32 $0x14000, s21  }
0x2e: {  	[sflag:s14] =	ssyncadd.s32 $0xFFFFC000;
	s24 =	smov.u32 s22;
	s25 =	sadd.s32 $0x400, s22  }
0x2f: {  	[tilespmem:s16], [sflag:$0x2] =	stream.indirect.gather [hbm4b:s6+s15], $0x80, s23, s15, $0xb8;
	[tilespmem:$0x1E800] =	vst v63  }
0x30: {  	p0 =	sne.s32 s22, $0x4C00;
	s22 =	sadd.s32 $0x14080, s21  }
0x31: {  	[tilespmem:s17], [sflag:$0x2] =	stream.indirect.gather [hbm4b:s6+s15], $0x80, s22, s15, $0xb8;
	[tilespmem:$0x1E800] =	vst v63  }
0x32: {  	_ =	swait.ge [sflag:s18], $0x4000  }
0x33: {  	[sflag:s18] =	ssyncset.done $0x0  }
0x34: {  	[sflag:s18] =	ssyncadd.s32 $0xFFFFC000  }
0x35: {  	_ =	swait.ge [sflag:s18], $0x4000  }
0x36: {  	[sflag:s18] =	ssyncset.done $0x0  }
0x37: {  	s22 =	sadd.s32 $0x15400, s21;
	[sflag:s18] =	ssyncadd.s32 $0xFFFFC000  }
0x38: {  	[spmem:s2] =	stream.indirect.scatter.add.f32 [tilespmem:s16], [sflag:$0x3], $0x80, s22, s15, $0xb8;
	[tilespmem:$0x1E800] =	vst v63  }
0x39: {  	_ =	swait.ge [sflag:s14], $0x4000  }
.Ltmp0:
0x3a: {  	[sflag:s14] =	ssyncset.done $0x0;
	(pc) =	sbr.rel @p0 .LBB2_2-.Ltmp0, $4  }
0x3b: {  	s21 =	sadd.s32 $0x15480, s21;
	[sflag:s14] =	ssyncadd.s32 $0xFFFFC000  }
0x3c: {  	[spmem:s2] =	stream.indirect.scatter.add.f32 [tilespmem:s17], [sflag:$0x3], $0x80, s21, s15, $0xb8;
	[tilespmem:$0x1E800] =	vst v63  }
0x3d: {  	_ =	swait.ge [sflag:s14], $0x4000  }
0x3e: {  	s22 =	smov.u32 s25;
	s21 =	sshra.s32 s24, $0x2;
	[sflag:s14] =	ssyncset.done $0x0  }
0x3f: {  	s22 =	sadd.s32 $0x14000, s21;
	[sflag:s14] =	ssyncadd.s32 $0xFFFFC000  }
0x40: {  	[tilespmem:s16], [sflag:$0x2] =	stream.indirect.gather [hbm4b:s6+s15], $0x80, s22, s15, $0xb8;
	[tilespmem:$0x1E800] =	vst v63  }
0x41: {  	s29 =	sadd.s32 $0x14080, s21  }
0x42: {  	[tilespmem:s17], [sflag:$0x2] =	stream.indirect.gather [hbm4b:s6+s15], $0x80, s29, s15, $0xb8;
	[tilespmem:$0x1E800] =	vst v63  }
0x43: {  	_ =	swait.ge [sflag:s18], $0x4000  }
0x44: {  	[sflag:s18] =	ssyncset.done $0x0  }
0x45: {  	[sflag:s18] =	ssyncadd.s32 $0xFFFFC000  }
0x46: {  	_ =	swait.ge [sflag:s18], $0x4000  }
0x47: {  	[sflag:s18] =	ssyncset.done $0x0  }
0x48: {  	s30 =	sadd.s32 $0x15400, s21;
	[sflag:s18] =	ssyncadd.s32 $0xFFFFC000  }
0x49: {  	[spmem:s2] =	stream.indirect.scatter.add.f32 [tilespmem:s16], [sflag:$0x3], $0x80, s30, s15, $0xb8;
	[tilespmem:$0x1E800] =	vst v63  }
0x4a: {  	_ =	swait.ge [sflag:s14], $0x4000  }
0x4b: {  	[sflag:s14] =	ssyncset.done $0x0  }
0x4c: {  	s31 =	sadd.s32 $0x15480, s21;
	[sflag:s14] =	ssyncadd.s32 $0xFFFFC000  }
0x4d: {  	[spmem:s2] =	stream.indirect.scatter.add.f32 [tilespmem:s17], [sflag:$0x3], $0x80, s31, s15, $0xb8;
	[tilespmem:$0x1E800] =	vst v63  }
0x4e: {  	_ =	swait.ge [sflag:s14], $0x4000  }
0x4f: {  	s20 =	sadd.s32 $0x1, s20;
	[sflag:s14] =	ssyncset.done $0x0  }
0x50: {  	p0 =	sne.s32 s20, s7;
	[sflag:s14] =	ssyncadd.s32 $0xFFFFC000  }
.Ltmp1:
0x51: {  	[bflag:$0x0] =	sbarrier.arrive $0xFFFF;
	(pc) =	sbr.rel @p0 .LBB2_1-.Ltmp1, $4  }
0x52: {  	[hbm:s19], [sflag:s12] =	dma.local [spmem:s13], $0x2800  }
0x53: {  	_ =	swait.ge [sflag:s14], $0x2800  }
0x54: {  	[sflag:s14] =	ssyncset.done $0x0  }
0x55: {  	[sflag:s14] =	ssyncadd.s32 $0xFFFFD800  }
0x56: {  	_ =	sfence.sel $0x180000  }
0x57: {  	[bflag:$0x0] =	sbarrier.arrive $0xFFFF  }
0x58: {  	p0 =	sne.s32 s1, $0x0;
	_ =	strace $0x90000059  }
0x59: {  	s0 =	sadd.s32 @!p0 $0x100000, s0;
	[bflag:$0x2] =	sbarrier.arrive $0xFFFF  }
0x5a: {  	[sflag:s0] =	ssyncadd.tile.s32 @!p0 $0x1;
	_ =	shalt  }
.Lfunc_end2:
_tile_overlayer_lowered:
.L_overlay_start_2:
0x5b: {  	(tag) =	ssettag $0x2  }
0x5c: {  	s0 =	rddreg [dreg:$0x0];
	s2 =	stileid.u32  }
0x5d: {  	s1 =	rddreg [dreg:$0x1];
	p0 =	sne.s32 s2, $0x0  }
0x5e: {  	s3 =	rddreg [dreg:$0x2];
	[bflag:$0x3] =	sbarrier.arrive $0xFFFF;
	s2 =	simm.s32 @!p0 $0x1C03  }
0x5f: {  	[timem:s3], [sflag:s2] =	dma.local @!p0 [hbm:s0], s1  }
0x60: {  	s0 =	simm.s32 @!p0 $0x3  }
0x61: {  	_ =	swait.ge @!p0 [sflag:s0], s1  }
0x62: {  	s1 =	ssub.s32 @!p0 $0x0, s1;
	[sflag:s0] =	ssyncset.done @!p0 $0x0  }
0x63: {  	[sflag:s0] =	ssyncadd.s32 @!p0 s1  }
0x64: {  	[bflag:$0x3] =	sbarrier.arrive $0xFFFF  }
0x65: {  	_ =	shalt  }

</sc_bundles>
